<compile_context>
chip_gen: v7x
topology: tpu7x:2x2x1
jax: 0.10.2.dev20260603
libtpu: 0.0.44.dev20260713+nightly
codegen_flags: <defaults>
</compile_context>

<pallas_src>
import functools

import jax
import jax.numpy as jnp
from jax import lax
from jax.experimental import pallas as pl
from jax.experimental.pallas import tpu as pltpu
from jax.experimental.pallas import tpu_sc as plsc

_NUM_CORES = 2
_NUM_SUBCORES = 16
_NUM_WORKERS = _NUM_CORES * _NUM_SUBCORES

_GATHER_ROWS = 128
_NBUF = 8


def _emb_body(ng, idx_hbm, table_hbm, out_hbm, idx_v, rows_v, *sems):
  n = _NBUF
  h = n // 2
  gsem = sems[:n]
  ssem = sems[n:]
  wid = lax.axis_index("s") * _NUM_CORES + lax.axis_index("c")
  pltpu.sync_copy(idx_hbm.at[wid], idx_v)

  def g_start(c, b):
    pltpu.async_copy(table_hbm.at[idx_v.at[c]], rows_v.at[b], gsem[b])

  def g_wait(c, b):
    pltpu.make_async_copy(
        table_hbm.at[idx_v.at[c]], rows_v.at[b], gsem[b]).wait()

  def s_start(c, b):
    pltpu.async_copy(rows_v.at[b], out_hbm.at[wid, c], ssem[b])

  def s_wait(c, b):
    pltpu.make_async_copy(
        rows_v.at[b], out_hbm.at[wid, c], ssem[b]).wait()

  for b in range(h):
    g_start(b, b)

  for b in range(n):
    g_wait(b, b)
    s_start(b, b)
    b2 = (b + h) % n
    if b2 > b:
      g_start(b2, b2)
    else:
      s_wait(b2, b2)
      g_start(n + b2, b2)

  def sweep(jj, _):
    for b in range(n):
      c = jj * n + b
      g_wait(c, b)
      s_start(c, b)
      b2 = (b + h) % n
      if b2 > b:
        c2 = jj * n + b2
      else:
        c2 = (jj + 1) * n + b2
      s_wait(c2 - n, b2)
      g_start(c2, b2)
    return 0

  lax.fori_loop(1, ng // n - 1, sweep, 0)

  last = ng - n
  for b in range(h):
    g_wait(last + b, b)
    s_start(last + b, b)
    b2 = b + h
    s_wait(last - n + b2, b2)
    g_start(last + b2, b2)
  for b in range(h, n):
    g_wait(last + b, b)
    s_start(last + b, b)
  for b in range(n):
    s_wait(last + b, b)


def kernel(word_ids, table):
  n_tok, seq = word_ids.shape
  vocab, d = table.shape
  b = n_tok * seq
  assert b % (_NUM_WORKERS * _GATHER_ROWS) == 0
  ng = b // (_NUM_WORKERS * _GATHER_ROWS)
  assert ng % _NBUF == 0 and ng // _NBUF >= 2

  idx = word_ids.reshape(_NUM_WORKERS, ng, _GATHER_ROWS).astype(jnp.int32)

  mesh = plsc.VectorSubcoreMesh(
      core_axis_name="c", subcore_axis_name="s",
      num_cores=_NUM_CORES, num_subcores=_NUM_SUBCORES)

  run = pl.kernel(
      functools.partial(_emb_body, ng),
      out_type=jax.ShapeDtypeStruct(
          (_NUM_WORKERS, ng, _GATHER_ROWS, d), jnp.float32),
      mesh=mesh,
      scratch_types=[
          pltpu.VMEM((ng, _GATHER_ROWS), jnp.int32),
          pltpu.VMEM((_NBUF, _GATHER_ROWS, d), jnp.float32),
      ] + [pltpu.SemaphoreType.DMA] * (2 * _NBUF),
      compiler_params=pltpu.CompilerParams(use_tc_tiling_on_sc=False),
  )
  out = run(idx, table)
  return out.reshape(n_tok, seq, d)

# --- scband reference (transcript-rebuilt; emitter-appended) ---
"""Pipeline reference for scband-word-embedder-37005438222394 (READ-ONLY COPY).

The authoritative reference and input builder live on the scoring server;
editing this copy changes nothing except your own understanding.
"""

import jax, jax.numpy as jnp
import numpy as np

VOCAB = 1000000
D_MODEL = 64

def setup_inputs(seed: int = 0) -> dict:
    key = jax.random.key(seed)
    k_idx, k_tab = jax.random.split(key)
    word_ids = jax.random.randint(k_idx, (16384, 50), 0, VOCAB, dtype=jnp.int64 if jax.config.jax_enable_x64 else jnp.int32)
    table = jax.random.normal(k_tab, (VOCAB, D_MODEL), dtype=jnp.float32)
    return {"word_ids": word_ids, "table": table}

def reference(word_ids, table):
    # nn.Embedding forward: gather rows of the embedding table
    return jnp.take(table, word_ids, axis=0)

if __name__ == "__main__":
    import jax
    _d = setup_inputs()
    print(jax.jit(kernel)(*tuple(_d.values())))

</pallas_src>

<mosaic_0001>
#map = affine_map<(d0, d1) -> (0, 0, 0)>
#map1 = affine_map<(d0, d1) -> (0, 0)>
#map2 = affine_map<(d0, d1) -> (0, 0, 0, 0)>
module attributes {stable_mosaic.version = 14 : i64} {
  func.func @_emb_body(%arg0: i32, %arg1: i32, %arg2: memref<32x200x128xi32, #tpu.memory_space<hbm>>, %arg3: memref<1000000x64xf32, #tpu.memory_space<hbm>>, %arg4: memref<32x200x128x64xf32, #tpu.memory_space<hbm>>, %arg5: memref<200x128xi32, #tpu.memory_space<vmem>>, %arg6: memref<8x128x64xf32, #tpu.memory_space<vmem>>, %arg7: memref<!tpu.dma_semaphore, #tpu.memory_space<semaphore_mem>>, %arg8: memref<!tpu.dma_semaphore, #tpu.memory_space<semaphore_mem>>, %arg9: memref<!tpu.dma_semaphore, #tpu.memory_space<semaphore_mem>>, %arg10: memref<!tpu.dma_semaphore, #tpu.memory_space<semaphore_mem>>, %arg11: memref<!tpu.dma_semaphore, #tpu.memory_space<semaphore_mem>>, %arg12: memref<!tpu.dma_semaphore, #tpu.memory_space<semaphore_mem>>, %arg13: memref<!tpu.dma_semaphore, #tpu.memory_space<semaphore_mem>>, %arg14: memref<!tpu.dma_semaphore, #tpu.memory_space<semaphore_mem>>, %arg15: memref<!tpu.dma_semaphore, #tpu.memory_space<semaphore_mem>>, %arg16: memref<!tpu.dma_semaphore, #tpu.memory_space<semaphore_mem>>, %arg17: memref<!tpu.dma_semaphore, #tpu.memory_space<semaphore_mem>>, %arg18: memref<!tpu.dma_semaphore, #tpu.memory_space<semaphore_mem>>, %arg19: memref<!tpu.dma_semaphore, #tpu.memory_space<semaphore_mem>>, %arg20: memref<!tpu.dma_semaphore, #tpu.memory_space<semaphore_mem>>, %arg21: memref<!tpu.dma_semaphore, #tpu.memory_space<semaphore_mem>>, %arg22: memref<!tpu.dma_semaphore, #tpu.memory_space<semaphore_mem>>) attributes {dimension_semantics = [#tpu.dimension_semantics<core_parallel>, #tpu.dimension_semantics<subcore_parallel>], iteration_bounds = array<i64: 2, 16>, scalar_prefetch = 0 : i64, scratch_operands = 18 : i64, tpu.core_type = #tpu.core_type<sc_vector_subcore>, window_params = [{transform_indices = #map}, {transform_indices = #map1}, {transform_indices = #map2}]} {
    %mul3A = arith.constant 2 : i32
    %mul3A_0 = arith.muli %arg1, %mul3A : i32
    %add3A = arith.addi %mul3A_0, %arg0 : i32
    "tpu.region"() ({
      %run_scoped3A = tpu.sem_alloc : memref<!tpu.dma_semaphore, #tpu.memory_space<semaphore_mem>>
      %dma_start3A_965 = arith.constant 0 : i32
      %dma_start3A_966 = arith.constant 0 : i32
      %dma_start3A_967 = tpu.memref_slice %arg2[%add3A, %dma_start3A_965, %dma_start3A_966] : memref<32x200x128xi32, #tpu.memory_space<hbm>> -> memref<1x200x128xi32, #tpu.memory_space<hbm>>
      %dma_start3A_968 = tpu.memref_squeeze %dma_start3A_967 : memref<1x200x128xi32, #tpu.memory_space<hbm>> -> memref<200x128xi32, #tpu.memory_space<hbm>>
      %dma_start3A_969 = arith.constant 0 : i32
      %dma_start3A_970 = arith.constant 0 : i32
      %dma_start3A_971 = tpu.memref_slice %arg2[%add3A, %dma_start3A_969, %dma_start3A_970] : memref<32x200x128xi32, #tpu.memory_space<hbm>> -> memref<1x200x128xi32, #tpu.memory_space<hbm>>
      %dma_start3A_972 = tpu.memref_squeeze %dma_start3A_971 : memref<1x200x128xi32, #tpu.memory_space<hbm>> -> memref<200x128xi32, #tpu.memory_space<hbm>>
      tpu.enqueue_dma source(%dma_start3A_972 : memref<200x128xi32, #tpu.memory_space<hbm>>) target(%arg5 : memref<200x128xi32, #tpu.memory_space<vmem>>) target_semaphore(%run_scoped3A : memref<!tpu.dma_semaphore, #tpu.memory_space<semaphore_mem>>)
      %dma_wait3A_973 = arith.constant 0 : i32
      %dma_wait3A_974 = arith.constant 0 : i32
      %dma_wait3A_975 = tpu.memref_slice %arg2[%add3A, %dma_wait3A_973, %dma_wait3A_974] : memref<32x200x128xi32, #tpu.memory_space<hbm>> -> memref<1x200x128xi32, #tpu.memory_space<hbm>>
      %dma_wait3A_976 = tpu.memref_squeeze %dma_wait3A_975 : memref<1x200x128xi32, #tpu.memory_space<hbm>> -> memref<200x128xi32, #tpu.memory_space<hbm>>
      %dma_wait3A_977 = arith.constant 0 : i32
      %dma_wait3A_978 = arith.constant 0 : i32
      %dma_wait3A_979 = tpu.memref_slice %arg2[%add3A, %dma_wait3A_977, %dma_wait3A_978] : memref<32x200x128xi32, #tpu.memory_space<hbm>> -> memref<1x200x128xi32, #tpu.memory_space<hbm>>
      %dma_wait3A_980 = tpu.memref_squeeze %dma_wait3A_979 : memref<1x200x128xi32, #tpu.memory_space<hbm>> -> memref<200x128xi32, #tpu.memory_space<hbm>>
      tpu.wait_dma2 semaphore(%run_scoped3A : memref<!tpu.dma_semaphore, #tpu.memory_space<semaphore_mem>>) src(%dma_wait3A_980 : memref<200x128xi32, #tpu.memory_space<hbm>>) dst(%arg5 : memref<200x128xi32, #tpu.memory_space<vmem>>)
      tpu.yield
    }) : () -> ()
    %dma_start3A = arith.constant 0 : i32
    %dma_start3A_1 = arith.constant 0 : i32
    %dma_start3A_2 = arith.constant 0 : i32
    %dma_start3A_3 = arith.constant 0 : i32
    %dma_start3A_4 = tpu.memref_slice %arg6[%dma_start3A_1, %dma_start3A_2, %dma_start3A_3] : memref<8x128x64xf32, #tpu.memory_space<vmem>> -> memref<1x128x64xf32, #tpu.memory_space<vmem>>
    %dma_start3A_5 = tpu.memref_squeeze %dma_start3A_4 : memref<1x128x64xf32, #tpu.memory_space<vmem>> -> memref<128x64xf32, #tpu.memory_space<vmem>>
    %dma_start3A_6 = arith.constant 0 : i32
    %dma_start3A_7 = tpu.memref_slice %arg5[%dma_start3A, %dma_start3A_6] : memref<200x128xi32, #tpu.memory_space<vmem>> -> memref<1x128xi32, #tpu.memory_space<vmem>>
    %dma_start3A_8 = tpu.memref_squeeze %dma_start3A_7 : memref<1x128xi32, #tpu.memory_space<vmem>> -> memref<128xi32, #tpu.memory_space<vmem>>
    %dma_start3A_9 = arith.constant 0 : i32
    %dma_start3A_10 = arith.constant 0 : i32
    %dma_start3A_11 = tpu.memref_slice %arg3[%dma_start3A_9, %dma_start3A_10] : memref<1000000x64xf32, #tpu.memory_space<hbm>> -> memref<1000000x64xf32, #tpu.memory_space<hbm>>
    tpu.enqueue_indirect_dma source(%dma_start3A_11 : memref<1000000x64xf32, #tpu.memory_space<hbm>>) target(%dma_start3A_5 : memref<128x64xf32, #tpu.memory_space<vmem>>) offsets(%dma_start3A_8 : memref<128xi32, #tpu.memory_space<vmem>>) semaphore(%arg7 : memref<!tpu.dma_semaphore, #tpu.memory_space<semaphore_mem>>)
    %dma_start3A_12 = arith.constant 1 : i32
    %dma_start3A_13 = arith.constant 1 : i32
    %dma_start3A_14 = arith.constant 0 : i32
    %dma_start3A_15 = arith.constant 0 : i32
    %dma_start3A_16 = tpu.memref_slice %arg6[%dma_start3A_13, %dma_start3A_14, %dma_start3A_15] : memref<8x128x64xf32, #tpu.memory_space<vmem>> -> memref<1x128x64xf32, #tpu.memory_space<vmem>>
    %dma_start3A_17 = tpu.memref_squeeze %dma_start3A_16 : memref<1x128x64xf32, #tpu.memory_space<vmem>> -> memref<128x64xf32, #tpu.memory_space<vmem>>
    %dma_start3A_18 = arith.constant 0 : i32
    %dma_start3A_19 = tpu.memref_slice %arg5[%dma_start3A_12, %dma_start3A_18] : memref<200x128xi32, #tpu.memory_space<vmem>> -> memref<1x128xi32, #tpu.memory_space<vmem>>
    %dma_start3A_20 = tpu.memref_squeeze %dma_start3A_19 : memref<1x128xi32, #tpu.memory_space<vmem>> -> memref<128xi32, #tpu.memory_space<vmem>>
    %dma_start3A_21 = arith.constant 0 : i32
    %dma_start3A_22 = arith.constant 0 : i32
    %dma_start3A_23 = tpu.memref_slice %arg3[%dma_start3A_21, %dma_start3A_22] : memref<1000000x64xf32, #tpu.memory_space<hbm>> -> memref<1000000x64xf32, #tpu.memory_space<hbm>>
    tpu.enqueue_indirect_dma source(%dma_start3A_23 : memref<1000000x64xf32, #tpu.memory_space<hbm>>) target(%dma_start3A_17 : memref<128x64xf32, #tpu.memory_space<vmem>>) offsets(%dma_start3A_20 : memref<128xi32, #tpu.memory_space<vmem>>) semaphore(%arg8 : memref<!tpu.dma_semaphore, #tpu.memory_space<semaphore_mem>>)
    %dma_start3A_24 = arith.constant 2 : i32
    %dma_start3A_25 = arith.constant 2 : i32
    %dma_start3A_26 = arith.constant 0 : i32
    %dma_start3A_27 = arith.constant 0 : i32
    %dma_start3A_28 = tpu.memref_slice %arg6[%dma_start3A_25, %dma_start3A_26, %dma_start3A_27] : memref<8x128x64xf32, #tpu.memory_space<vmem>> -> memref<1x128x64xf32, #tpu.memory_space<vmem>>
    %dma_start3A_29 = tpu.memref_squeeze %dma_start3A_28 : memref<1x128x64xf32, #tpu.memory_space<vmem>> -> memref<128x64xf32, #tpu.memory_space<vmem>>
    %dma_start3A_30 = arith.constant 0 : i32
    %dma_start3A_31 = tpu.memref_slice %arg5[%dma_start3A_24, %dma_start3A_30] : memref<200x128xi32, #tpu.memory_space<vmem>> -> memref<1x128xi32, #tpu.memory_space<vmem>>
    %dma_start3A_32 = tpu.memref_squeeze %dma_start3A_31 : memref<1x128xi32, #tpu.memory_space<vmem>> -> memref<128xi32, #tpu.memory_space<vmem>>
    %dma_start3A_33 = arith.constant 0 : i32
    %dma_start3A_34 = arith.constant 0 : i32
    %dma_start3A_35 = tpu.memref_slice %arg3[%dma_start3A_33, %dma_start3A_34] : memref<1000000x64xf32, #tpu.memory_space<hbm>> -> memref<1000000x64xf32, #tpu.memory_space<hbm>>
    tpu.enqueue_indirect_dma source(%dma_start3A_35 : memref<1000000x64xf32, #tpu.memory_space<hbm>>) target(%dma_start3A_29 : memref<128x64xf32, #tpu.memory_space<vmem>>) offsets(%dma_start3A_32 : memref<128xi32, #tpu.memory_space<vmem>>) semaphore(%arg9 : memref<!tpu.dma_semaphore, #tpu.memory_space<semaphore_mem>>)
    %dma_start3A_36 = arith.constant 3 : i32
    %dma_start3A_37 = arith.constant 3 : i32
    %dma_start3A_38 = arith.constant 0 : i32
    %dma_start3A_39 = arith.constant 0 : i32
    %dma_start3A_40 = tpu.memref_slice %arg6[%dma_start3A_37, %dma_start3A_38, %dma_start3A_39] : memref<8x128x64xf32, #tpu.memory_space<vmem>> -> memref<1x128x64xf32, #tpu.memory_space<vmem>>
    %dma_start3A_41 = tpu.memref_squeeze %dma_start3A_40 : memref<1x128x64xf32, #tpu.memory_space<vmem>> -> memref<128x64xf32, #tpu.memory_space<vmem>>
    %dma_start3A_42 = arith.constant 0 : i32
    %dma_start3A_43 = tpu.memref_slice %arg5[%dma_start3A_36, %dma_start3A_42] : memref<200x128xi32, #tpu.memory_space<vmem>> -> memref<1x128xi32, #tpu.memory_space<vmem>>
    %dma_start3A_44 = tpu.memref_squeeze %dma_start3A_43 : memref<1x128xi32, #tpu.memory_space<vmem>> -> memref<128xi32, #tpu.memory_space<vmem>>
    %dma_start3A_45 = arith.constant 0 : i32
    %dma_start3A_46 = arith.constant 0 : i32
    %dma_start3A_47 = tpu.memref_slice %arg3[%dma_start3A_45, %dma_start3A_46] : memref<1000000x64xf32, #tpu.memory_space<hbm>> -> memref<1000000x64xf32, #tpu.memory_space<hbm>>
    tpu.enqueue_indirect_dma source(%dma_start3A_47 : memref<1000000x64xf32, #tpu.memory_space<hbm>>) target(%dma_start3A_41 : memref<128x64xf32, #tpu.memory_space<vmem>>) offsets(%dma_start3A_44 : memref<128xi32, #tpu.memory_space<vmem>>) semaphore(%arg10 : memref<!tpu.dma_semaphore, #tpu.memory_space<semaphore_mem>>)
    %dma_wait3A = arith.constant 0 : i32
    %dma_wait3A_48 = arith.constant 0 : i32
    %dma_wait3A_49 = arith.constant 0 : i32
    %dma_wait3A_50 = arith.constant 0 : i32
    %dma_wait3A_51 = tpu.memref_slice %arg6[%dma_wait3A_48, %dma_wait3A_49, %dma_wait3A_50] : memref<8x128x64xf32, #tpu.memory_space<vmem>> -> memref<1x128x64xf32, #tpu.memory_space<vmem>>
    %dma_wait3A_52 = tpu.memref_squeeze %dma_wait3A_51 : memref<1x128x64xf32, #tpu.memory_space<vmem>> -> memref<128x64xf32, #tpu.memory_space<vmem>>
    %dma_wait3A_53 = arith.constant 0 : i32
    %dma_wait3A_54 = tpu.memref_slice %arg5[%dma_wait3A, %dma_wait3A_53] : memref<200x128xi32, #tpu.memory_space<vmem>> -> memref<1x128xi32, #tpu.memory_space<vmem>>
    %dma_wait3A_55 = tpu.memref_squeeze %dma_wait3A_54 : memref<1x128xi32, #tpu.memory_space<vmem>> -> memref<128xi32, #tpu.memory_space<vmem>>
    %dma_wait3A_56 = arith.constant 0 : i32
    %dma_wait3A_57 = arith.constant 0 : i32
    %dma_wait3A_58 = tpu.memref_slice %arg3[%dma_wait3A_56, %dma_wait3A_57] : memref<1000000x64xf32, #tpu.memory_space<hbm>> -> memref<1000000x64xf32, #tpu.memory_space<hbm>>
    tpu.wait_indirect_dma semaphore(%arg7 : memref<!tpu.dma_semaphore, #tpu.memory_space<semaphore_mem>>) src(%dma_wait3A_58 : memref<1000000x64xf32, #tpu.memory_space<hbm>>) dst(%dma_wait3A_52 : memref<128x64xf32, #tpu.memory_space<vmem>>)
    %dma_start3A_59 = arith.constant 0 : i32
    %dma_start3A_60 = arith.constant 0 : i32
    %dma_start3A_61 = arith.constant 0 : i32
    %dma_start3A_62 = arith.constant 0 : i32
    %dma_start3A_63 = tpu.memref_slice %arg6[%dma_start3A_59, %dma_start3A_61, %dma_start3A_62] : memref<8x128x64xf32, #tpu.memory_space<vmem>> -> memref<1x128x64xf32, #tpu.memory_space<vmem>>
    %dma_start3A_64 = tpu.memref_squeeze %dma_start3A_63 : memref<1x128x64xf32, #tpu.memory_space<vmem>> -> memref<128x64xf32, #tpu.memory_space<vmem>>
    %dma_start3A_65 = arith.constant 0 : i32
    %dma_start3A_66 = arith.constant 0 : i32
    %dma_start3A_67 = tpu.memref_slice %arg4[%add3A, %dma_start3A_60, %dma_start3A_65, %dma_start3A_66] : memref<32x200x128x64xf32, #tpu.memory_space<hbm>> -> memref<1x1x128x64xf32, #tpu.memory_space<hbm>>
    %dma_start3A_68 = tpu.memref_squeeze %dma_start3A_67 : memref<1x1x128x64xf32, #tpu.memory_space<hbm>> -> memref<128x64xf32, #tpu.memory_space<hbm>>
    %dma_start3A_69 = arith.constant 0 : i32
    %dma_start3A_70 = arith.constant 0 : i32
    %dma_start3A_71 = tpu.memref_slice %arg4[%add3A, %dma_start3A_60, %dma_start3A_69, %dma_start3A_70] : memref<32x200x128x64xf32, #tpu.memory_space<hbm>> -> memref<1x1x128x64xf32, #tpu.memory_space<hbm>>
    %dma_start3A_72 = tpu.memref_squeeze %dma_start3A_71 : memref<1x1x128x64xf32, #tpu.memory_space<hbm>> -> memref<128x64xf32, #tpu.memory_space<hbm>>
    %dma_start3A_73 = arith.constant 0 : i32
    %dma_start3A_74 = arith.constant 0 : i32
    %dma_start3A_75 = tpu.memref_slice %arg6[%dma_start3A_59, %dma_start3A_73, %dma_start3A_74] : memref<8x128x64xf32, #tpu.memory_space<vmem>> -> memref<1x128x64xf32, #tpu.memory_space<vmem>>
    %dma_start3A_76 = tpu.memref_squeeze %dma_start3A_75 : memref<1x128x64xf32, #tpu.memory_space<vmem>> -> memref<128x64xf32, #tpu.memory_space<vmem>>
    tpu.enqueue_dma source(%dma_start3A_76 : memref<128x64xf32, #tpu.memory_space<vmem>>) target(%dma_start3A_72 : memref<128x64xf32, #tpu.memory_space<hbm>>) target_semaphore(%arg15 : memref<!tpu.dma_semaphore, #tpu.memory_space<semaphore_mem>>)
    %dma_start3A_77 = arith.constant 4 : i32
    %dma_start3A_78 = arith.constant 4 : i32
    %dma_start3A_79 = arith.constant 0 : i32
    %dma_start3A_80 = arith.constant 0 : i32
    %dma_start3A_81 = tpu.memref_slice %arg6[%dma_start3A_78, %dma_start3A_79, %dma_start3A_80] : memref<8x128x64xf32, #tpu.memory_space<vmem>> -> memref<1x128x64xf32, #tpu.memory_space<vmem>>
    %dma_start3A_82 = tpu.memref_squeeze %dma_start3A_81 : memref<1x128x64xf32, #tpu.memory_space<vmem>> -> memref<128x64xf32, #tpu.memory_space<vmem>>
    %dma_start3A_83 = arith.constant 0 : i32
    %dma_start3A_84 = tpu.memref_slice %arg5[%dma_start3A_77, %dma_start3A_83] : memref<200x128xi32, #tpu.memory_space<vmem>> -> memref<1x128xi32, #tpu.memory_space<vmem>>
    %dma_start3A_85 = tpu.memref_squeeze %dma_start3A_84 : memref<1x128xi32, #tpu.memory_space<vmem>> -> memref<128xi32, #tpu.memory_space<vmem>>
    %dma_start3A_86 = arith.constant 0 : i32
    %dma_start3A_87 = arith.constant 0 : i32
    %dma_start3A_88 = tpu.memref_slice %arg3[%dma_start3A_86, %dma_start3A_87] : memref<1000000x64xf32, #tpu.memory_space<hbm>> -> memref<1000000x64xf32, #tpu.memory_space<hbm>>
    tpu.enqueue_indirect_dma source(%dma_start3A_88 : memref<1000000x64xf32, #tpu.memory_space<hbm>>) target(%dma_start3A_82 : memref<128x64xf32, #tpu.memory_space<vmem>>) offsets(%dma_start3A_85 : memref<128xi32, #tpu.memory_space<vmem>>) semaphore(%arg11 : memref<!tpu.dma_semaphore, #tpu.memory_space<semaphore_mem>>)
    %dma_wait3A_89 = arith.constant 1 : i32
    %dma_wait3A_90 = arith.constant 1 : i32
    %dma_wait3A_91 = arith.constant 0 : i32
    %dma_wait3A_92 = arith.constant 0 : i32
    %dma_wait3A_93 = tpu.memref_slice %arg6[%dma_wait3A_90, %dma_wait3A_91, %dma_wait3A_92] : memref<8x128x64xf32, #tpu.memory_space<vmem>> -> memref<1x128x64xf32, #tpu.memory_space<vmem>>
    %dma_wait3A_94 = tpu.memref_squeeze %dma_wait3A_93 : memref<1x128x64xf32, #tpu.memory_space<vmem>> -> memref<128x64xf32, #tpu.memory_space<vmem>>
    %dma_wait3A_95 = arith.constant 0 : i32
    %dma_wait3A_96 = tpu.memref_slice %arg5[%dma_wait3A_89, %dma_wait3A_95] : memref<200x128xi32, #tpu.memory_space<vmem>> -> memref<1x128xi32, #tpu.memory_space<vmem>>
    %dma_wait3A_97 = tpu.memref_squeeze %dma_wait3A_96 : memref<1x128xi32, #tpu.memory_space<vmem>> -> memref<128xi32, #tpu.memory_space<vmem>>
    %dma_wait3A_98 = arith.constant 0 : i32
    %dma_wait3A_99 = arith.constant 0 : i32
    %dma_wait3A_100 = tpu.memref_slice %arg3[%dma_wait3A_98, %dma_wait3A_99] : memref<1000000x64xf32, #tpu.memory_space<hbm>> -> memref<1000000x64xf32, #tpu.memory_space<hbm>>
    tpu.wait_indirect_dma semaphore(%arg8 : memref<!tpu.dma_semaphore, #tpu.memory_space<semaphore_mem>>) src(%dma_wait3A_100 : memref<1000000x64xf32, #tpu.memory_space<hbm>>) dst(%dma_wait3A_94 : memref<128x64xf32, #tpu.memory_space<vmem>>)
    %dma_start3A_101 = arith.constant 1 : i32
    %dma_start3A_102 = arith.constant 1 : i32
    %dma_start3A_103 = arith.constant 0 : i32
    %dma_start3A_104 = arith.constant 0 : i32
    %dma_start3A_105 = tpu.memref_slice %arg6[%dma_start3A_101, %dma_start3A_103, %dma_start3A_104] : memref<8x128x64xf32, #tpu.memory_space<vmem>> -> memref<1x128x64xf32, #tpu.memory_space<vmem>>
    %dma_start3A_106 = tpu.memref_squeeze %dma_start3A_105 : memref<1x128x64xf32, #tpu.memory_space<vmem>> -> memref<128x64xf32, #tpu.memory_space<vmem>>
    %dma_start3A_107 = arith.constant 0 : i32
    %dma_start3A_108 = arith.constant 0 : i32
    %dma_start3A_109 = tpu.memref_slice %arg4[%add3A, %dma_start3A_102, %dma_start3A_107, %dma_start3A_108] : memref<32x200x128x64xf32, #tpu.memory_space<hbm>> -> memref<1x1x128x64xf32, #tpu.memory_space<hbm>>
    %dma_start3A_110 = tpu.memref_squeeze %dma_start3A_109 : memref<1x1x128x64xf32, #tpu.memory_space<hbm>> -> memref<128x64xf32, #tpu.memory_space<hbm>>
    %dma_start3A_111 = arith.constant 0 : i32
    %dma_start3A_112 = arith.constant 0 : i32
    %dma_start3A_113 = tpu.memref_slice %arg4[%add3A, %dma_start3A_102, %dma_start3A_111, %dma_start3A_112] : memref<32x200x128x64xf32, #tpu.memory_space<hbm>> -> memref<1x1x128x64xf32, #tpu.memory_space<hbm>>
    %dma_start3A_114 = tpu.memref_squeeze %dma_start3A_113 : memref<1x1x128x64xf32, #tpu.memory_space<hbm>> -> memref<128x64xf32, #tpu.memory_space<hbm>>
    %dma_start3A_115 = arith.constant 0 : i32
    %dma_start3A_116 = arith.constant 0 : i32
    %dma_start3A_117 = tpu.memref_slice %arg6[%dma_start3A_101, %dma_start3A_115, %dma_start3A_116] : memref<8x128x64xf32, #tpu.memory_space<vmem>> -> memref<1x128x64xf32, #tpu.memory_space<vmem>>
    %dma_start3A_118 = tpu.memref_squeeze %dma_start3A_117 : memref<1x128x64xf32, #tpu.memory_space<vmem>> -> memref<128x64xf32, #tpu.memory_space<vmem>>
    tpu.enqueue_dma source(%dma_start3A_118 : memref<128x64xf32, #tpu.memory_space<vmem>>) target(%dma_start3A_114 : memref<128x64xf32, #tpu.memory_space<hbm>>) target_semaphore(%arg16 : memref<!tpu.dma_semaphore, #tpu.memory_space<semaphore_mem>>)
    %dma_start3A_119 = arith.constant 5 : i32
    %dma_start3A_120 = arith.constant 5 : i32
    %dma_start3A_121 = arith.constant 0 : i32
    %dma_start3A_122 = arith.constant 0 : i32
    %dma_start3A_123 = tpu.memref_slice %arg6[%dma_start3A_120, %dma_start3A_121, %dma_start3A_122] : memref<8x128x64xf32, #tpu.memory_space<vmem>> -> memref<1x128x64xf32, #tpu.memory_space<vmem>>
    %dma_start3A_124 = tpu.memref_squeeze %dma_start3A_123 : memref<1x128x64xf32, #tpu.memory_space<vmem>> -> memref<128x64xf32, #tpu.memory_space<vmem>>
    %dma_start3A_125 = arith.constant 0 : i32
    %dma_start3A_126 = tpu.memref_slice %arg5[%dma_start3A_119, %dma_start3A_125] : memref<200x128xi32, #tpu.memory_space<vmem>> -> memref<1x128xi32, #tpu.memory_space<vmem>>
    %dma_start3A_127 = tpu.memref_squeeze %dma_start3A_126 : memref<1x128xi32, #tpu.memory_space<vmem>> -> memref<128xi32, #tpu.memory_space<vmem>>
    %dma_start3A_128 = arith.constant 0 : i32
    %dma_start3A_129 = arith.constant 0 : i32
    %dma_start3A_130 = tpu.memref_slice %arg3[%dma_start3A_128, %dma_start3A_129] : memref<1000000x64xf32, #tpu.memory_space<hbm>> -> memref<1000000x64xf32, #tpu.memory_space<hbm>>
    tpu.enqueue_indirect_dma source(%dma_start3A_130 : memref<1000000x64xf32, #tpu.memory_space<hbm>>) target(%dma_start3A_124 : memref<128x64xf32, #tpu.memory_space<vmem>>) offsets(%dma_start3A_127 : memref<128xi32, #tpu.memory_space<vmem>>) semaphore(%arg12 : memref<!tpu.dma_semaphore, #tpu.memory_space<semaphore_mem>>)
    %dma_wait3A_131 = arith.constant 2 : i32
    %dma_wait3A_132 = arith.constant 2 : i32
    %dma_wait3A_133 = arith.constant 0 : i32
    %dma_wait3A_134 = arith.constant 0 : i32
    %dma_wait3A_135 = tpu.memref_slice %arg6[%dma_wait3A_132, %dma_wait3A_133, %dma_wait3A_134] : memref<8x128x64xf32, #tpu.memory_space<vmem>> -> memref<1x128x64xf32, #tpu.memory_space<vmem>>
    %dma_wait3A_136 = tpu.memref_squeeze %dma_wait3A_135 : memref<1x128x64xf32, #tpu.memory_space<vmem>> -> memref<128x64xf32, #tpu.memory_space<vmem>>
    %dma_wait3A_137 = arith.constant 0 : i32
    %dma_wait3A_138 = tpu.memref_slice %arg5[%dma_wait3A_131, %dma_wait3A_137] : memref<200x128xi32, #tpu.memory_space<vmem>> -> memref<1x128xi32, #tpu.memory_space<vmem>>
    %dma_wait3A_139 = tpu.memref_squeeze %dma_wait3A_138 : memref<1x128xi32, #tpu.memory_space<vmem>> -> memref<128xi32, #tpu.memory_space<vmem>>
    %dma_wait3A_140 = arith.constant 0 : i32
    %dma_wait3A_141 = arith.constant 0 : i32
    %dma_wait3A_142 = tpu.memref_slice %arg3[%dma_wait3A_140, %dma_wait3A_141] : memref<1000000x64xf32, #tpu.memory_space<hbm>> -> memref<1000000x64xf32, #tpu.memory_space<hbm>>
    tpu.wait_indirect_dma semaphore(%arg9 : memref<!tpu.dma_semaphore, #tpu.memory_space<semaphore_mem>>) src(%dma_wait3A_142 : memref<1000000x64xf32, #tpu.memory_space<hbm>>) dst(%dma_wait3A_136 : memref<128x64xf32, #tpu.memory_space<vmem>>)
    %dma_start3A_143 = arith.constant 2 : i32
    %dma_start3A_144 = arith.constant 2 : i32
    %dma_start3A_145 = arith.constant 0 : i32
    %dma_start3A_146 = arith.constant 0 : i32
    %dma_start3A_147 = tpu.memref_slice %arg6[%dma_start3A_143, %dma_start3A_145, %dma_start3A_146] : memref<8x128x64xf32, #tpu.memory_space<vmem>> -> memref<1x128x64xf32, #tpu.memory_space<vmem>>
    %dma_start3A_148 = tpu.memref_squeeze %dma_start3A_147 : memref<1x128x64xf32, #tpu.memory_space<vmem>> -> memref<128x64xf32, #tpu.memory_space<vmem>>
    %dma_start3A_149 = arith.constant 0 : i32
    %dma_start3A_150 = arith.constant 0 : i32
    %dma_start3A_151 = tpu.memref_slice %arg4[%add3A, %dma_start3A_144, %dma_start3A_149, %dma_start3A_150] : memref<32x200x128x64xf32, #tpu.memory_space<hbm>> -> memref<1x1x128x64xf32, #tpu.memory_space<hbm>>
    %dma_start3A_152 = tpu.memref_squeeze %dma_start3A_151 : memref<1x1x128x64xf32, #tpu.memory_space<hbm>> -> memref<128x64xf32, #tpu.memory_space<hbm>>
    %dma_start3A_153 = arith.constant 0 : i32
    %dma_start3A_154 = arith.constant 0 : i32
    %dma_start3A_155 = tpu.memref_slice %arg4[%add3A, %dma_start3A_144, %dma_start3A_153, %dma_start3A_154] : memref<32x200x128x64xf32, #tpu.memory_space<hbm>> -> memref<1x1x128x64xf32, #tpu.memory_space<hbm>>
    %dma_start3A_156 = tpu.memref_squeeze %dma_start3A_155 : memref<1x1x128x64xf32, #tpu.memory_space<hbm>> -> memref<128x64xf32, #tpu.memory_space<hbm>>
    %dma_start3A_157 = arith.constant 0 : i32
    %dma_start3A_158 = arith.constant 0 : i32
    %dma_start3A_159 = tpu.memref_slice %arg6[%dma_start3A_143, %dma_start3A_157, %dma_start3A_158] : memref<8x128x64xf32, #tpu.memory_space<vmem>> -> memref<1x128x64xf32, #tpu.memory_space<vmem>>
    %dma_start3A_160 = tpu.memref_squeeze %dma_start3A_159 : memref<1x128x64xf32, #tpu.memory_space<vmem>> -> memref<128x64xf32, #tpu.memory_space<vmem>>
    tpu.enqueue_dma source(%dma_start3A_160 : memref<128x64xf32, #tpu.memory_space<vmem>>) target(%dma_start3A_156 : memref<128x64xf32, #tpu.memory_space<hbm>>) target_semaphore(%arg17 : memref<!tpu.dma_semaphore, #tpu.memory_space<semaphore_mem>>)
    %dma_start3A_161 = arith.constant 6 : i32
    %dma_start3A_162 = arith.constant 6 : i32
    %dma_start3A_163 = arith.constant 0 : i32
    %dma_start3A_164 = arith.constant 0 : i32
    %dma_start3A_165 = tpu.memref_slice %arg6[%dma_start3A_162, %dma_start3A_163, %dma_start3A_164] : memref<8x128x64xf32, #tpu.memory_space<vmem>> -> memref<1x128x64xf32, #tpu.memory_space<vmem>>
    %dma_start3A_166 = tpu.memref_squeeze %dma_start3A_165 : memref<1x128x64xf32, #tpu.memory_space<vmem>> -> memref<128x64xf32, #tpu.memory_space<vmem>>
    %dma_start3A_167 = arith.constant 0 : i32
    %dma_start3A_168 = tpu.memref_slice %arg5[%dma_start3A_161, %dma_start3A_167] : memref<200x128xi32, #tpu.memory_space<vmem>> -> memref<1x128xi32, #tpu.memory_space<vmem>>
    %dma_start3A_169 = tpu.memref_squeeze %dma_start3A_168 : memref<1x128xi32, #tpu.memory_space<vmem>> -> memref<128xi32, #tpu.memory_space<vmem>>
    %dma_start3A_170 = arith.constant 0 : i32
    %dma_start3A_171 = arith.constant 0 : i32
    %dma_start3A_172 = tpu.memref_slice %arg3[%dma_start3A_170, %dma_start3A_171] : memref<1000000x64xf32, #tpu.memory_space<hbm>> -> memref<1000000x64xf32, #tpu.memory_space<hbm>>
    tpu.enqueue_indirect_dma source(%dma_start3A_172 : memref<1000000x64xf32, #tpu.memory_space<hbm>>) target(%dma_start3A_166 : memref<128x64xf32, #tpu.memory_space<vmem>>) offsets(%dma_start3A_169 : memref<128xi32, #tpu.memory_space<vmem>>) semaphore(%arg13 : memref<!tpu.dma_semaphore, #tpu.memory_space<semaphore_mem>>)
    %dma_wait3A_173 = arith.constant 3 : i32
    %dma_wait3A_174 = arith.constant 3 : i32
    %dma_wait3A_175 = arith.constant 0 : i32
    %dma_wait3A_176 = arith.constant 0 : i32
    %dma_wait3A_177 = tpu.memref_slice %arg6[%dma_wait3A_174, %dma_wait3A_175, %dma_wait3A_176] : memref<8x128x64xf32, #tpu.memory_space<vmem>> -> memref<1x128x64xf32, #tpu.memory_space<vmem>>
    %dma_wait3A_178 = tpu.memref_squeeze %dma_wait3A_177 : memref<1x128x64xf32, #tpu.memory_space<vmem>> -> memref<128x64xf32, #tpu.memory_space<vmem>>
    %dma_wait3A_179 = arith.constant 0 : i32
    %dma_wait3A_180 = tpu.memref_slice %arg5[%dma_wait3A_173, %dma_wait3A_179] : memref<200x128xi32, #tpu.memory_space<vmem>> -> memref<1x128xi32, #tpu.memory_space<vmem>>
    %dma_wait3A_181 = tpu.memref_squeeze %dma_wait3A_180 : memref<1x128xi32, #tpu.memory_space<vmem>> -> memref<128xi32, #tpu.memory_space<vmem>>
    %dma_wait3A_182 = arith.constant 0 : i32
    %dma_wait3A_183 = arith.constant 0 : i32
    %dma_wait3A_184 = tpu.memref_slice %arg3[%dma_wait3A_182, %dma_wait3A_183] : memref<1000000x64xf32, #tpu.memory_space<hbm>> -> memref<1000000x64xf32, #tpu.memory_space<hbm>>
    tpu.wait_indirect_dma semaphore(%arg10 : memref<!tpu.dma_semaphore, #tpu.memory_space<semaphore_mem>>) src(%dma_wait3A_184 : memref<1000000x64xf32, #tpu.memory_space<hbm>>) dst(%dma_wait3A_178 : memref<128x64xf32, #tpu.memory_space<vmem>>)
    %dma_start3A_185 = arith.constant 3 : i32
    %dma_start3A_186 = arith.constant 3 : i32
    %dma_start3A_187 = arith.constant 0 : i32
    %dma_start3A_188 = arith.constant 0 : i32
    %dma_start3A_189 = tpu.memref_slice %arg6[%dma_start3A_185, %dma_start3A_187, %dma_start3A_188] : memref<8x128x64xf32, #tpu.memory_space<vmem>> -> memref<1x128x64xf32, #tpu.memory_space<vmem>>
    %dma_start3A_190 = tpu.memref_squeeze %dma_start3A_189 : memref<1x128x64xf32, #tpu.memory_space<vmem>> -> memref<128x64xf32, #tpu.memory_space<vmem>>
    %dma_start3A_191 = arith.constant 0 : i32
    %dma_start3A_192 = arith.constant 0 : i32
    %dma_start3A_193 = tpu.memref_slice %arg4[%add3A, %dma_start3A_186, %dma_start3A_191, %dma_start3A_192] : memref<32x200x128x64xf32, #tpu.memory_space<hbm>> -> memref<1x1x128x64xf32, #tpu.memory_space<hbm>>
    %dma_start3A_194 = tpu.memref_squeeze %dma_start3A_193 : memref<1x1x128x64xf32, #tpu.memory_space<hbm>> -> memref<128x64xf32, #tpu.memory_space<hbm>>
    %dma_start3A_195 = arith.constant 0 : i32
    %dma_start3A_196 = arith.constant 0 : i32
    %dma_start3A_197 = tpu.memref_slice %arg4[%add3A, %dma_start3A_186, %dma_start3A_195, %dma_start3A_196] : memref<32x200x128x64xf32, #tpu.memory_space<hbm>> -> memref<1x1x128x64xf32, #tpu.memory_space<hbm>>
    %dma_start3A_198 = tpu.memref_squeeze %dma_start3A_197 : memref<1x1x128x64xf32, #tpu.memory_space<hbm>> -> memref<128x64xf32, #tpu.memory_space<hbm>>
    %dma_start3A_199 = arith.constant 0 : i32
    %dma_start3A_200 = arith.constant 0 : i32
    %dma_start3A_201 = tpu.memref_slice %arg6[%dma_start3A_185, %dma_start3A_199, %dma_start3A_200] : memref<8x128x64xf32, #tpu.memory_space<vmem>> -> memref<1x128x64xf32, #tpu.memory_space<vmem>>
    %dma_start3A_202 = tpu.memref_squeeze %dma_start3A_201 : memref<1x128x64xf32, #tpu.memory_space<vmem>> -> memref<128x64xf32, #tpu.memory_space<vmem>>
    tpu.enqueue_dma source(%dma_start3A_202 : memref<128x64xf32, #tpu.memory_space<vmem>>) target(%dma_start3A_198 : memref<128x64xf32, #tpu.memory_space<hbm>>) target_semaphore(%arg18 : memref<!tpu.dma_semaphore, #tpu.memory_space<semaphore_mem>>)
    %dma_start3A_203 = arith.constant 7 : i32
    %dma_start3A_204 = arith.constant 7 : i32
    %dma_start3A_205 = arith.constant 0 : i32
    %dma_start3A_206 = arith.constant 0 : i32
    %dma_start3A_207 = tpu.memref_slice %arg6[%dma_start3A_204, %dma_start3A_205, %dma_start3A_206] : memref<8x128x64xf32, #tpu.memory_space<vmem>> -> memref<1x128x64xf32, #tpu.memory_space<vmem>>
    %dma_start3A_208 = tpu.memref_squeeze %dma_start3A_207 : memref<1x128x64xf32, #tpu.memory_space<vmem>> -> memref<128x64xf32, #tpu.memory_space<vmem>>
    %dma_start3A_209 = arith.constant 0 : i32
    %dma_start3A_210 = tpu.memref_slice %arg5[%dma_start3A_203, %dma_start3A_209] : memref<200x128xi32, #tpu.memory_space<vmem>> -> memref<1x128xi32, #tpu.memory_space<vmem>>
    %dma_start3A_211 = tpu.memref_squeeze %dma_start3A_210 : memref<1x128xi32, #tpu.memory_space<vmem>> -> memref<128xi32, #tpu.memory_space<vmem>>
    %dma_start3A_212 = arith.constant 0 : i32
    %dma_start3A_213 = arith.constant 0 : i32
    %dma_start3A_214 = tpu.memref_slice %arg3[%dma_start3A_212, %dma_start3A_213] : memref<1000000x64xf32, #tpu.memory_space<hbm>> -> memref<1000000x64xf32, #tpu.memory_space<hbm>>
    tpu.enqueue_indirect_dma source(%dma_start3A_214 : memref<1000000x64xf32, #tpu.memory_space<hbm>>) target(%dma_start3A_208 : memref<128x64xf32, #tpu.memory_space<vmem>>) offsets(%dma_start3A_211 : memref<128xi32, #tpu.memory_space<vmem>>) semaphore(%arg14 : memref<!tpu.dma_semaphore, #tpu.memory_space<semaphore_mem>>)
    %dma_wait3A_215 = arith.constant 4 : i32
    %dma_wait3A_216 = arith.constant 4 : i32
    %dma_wait3A_217 = arith.constant 0 : i32
    %dma_wait3A_218 = arith.constant 0 : i32
    %dma_wait3A_219 = tpu.memref_slice %arg6[%dma_wait3A_216, %dma_wait3A_217, %dma_wait3A_218] : memref<8x128x64xf32, #tpu.memory_space<vmem>> -> memref<1x128x64xf32, #tpu.memory_space<vmem>>
    %dma_wait3A_220 = tpu.memref_squeeze %dma_wait3A_219 : memref<1x128x64xf32, #tpu.memory_space<vmem>> -> memref<128x64xf32, #tpu.memory_space<vmem>>
    %dma_wait3A_221 = arith.constant 0 : i32
    %dma_wait3A_222 = tpu.memref_slice %arg5[%dma_wait3A_215, %dma_wait3A_221] : memref<200x128xi32, #tpu.memory_space<vmem>> -> memref<1x128xi32, #tpu.memory_space<vmem>>
    %dma_wait3A_223 = tpu.memref_squeeze %dma_wait3A_222 : memref<1x128xi32, #tpu.memory_space<vmem>> -> memref<128xi32, #tpu.memory_space<vmem>>
    %dma_wait3A_224 = arith.constant 0 : i32
    %dma_wait3A_225 = arith.constant 0 : i32
    %dma_wait3A_226 = tpu.memref_slice %arg3[%dma_wait3A_224, %dma_wait3A_225] : memref<1000000x64xf32, #tpu.memory_space<hbm>> -> memref<1000000x64xf32, #tpu.memory_space<hbm>>
    tpu.wait_indirect_dma semaphore(%arg11 : memref<!tpu.dma_semaphore, #tpu.memory_space<semaphore_mem>>) src(%dma_wait3A_226 : memref<1000000x64xf32, #tpu.memory_space<hbm>>) dst(%dma_wait3A_220 : memref<128x64xf32, #tpu.memory_space<vmem>>)
    %dma_start3A_227 = arith.constant 4 : i32
    %dma_start3A_228 = arith.constant 4 : i32
    %dma_start3A_229 = arith.constant 0 : i32
    %dma_start3A_230 = arith.constant 0 : i32
    %dma_start3A_231 = tpu.memref_slice %arg6[%dma_start3A_227, %dma_start3A_229, %dma_start3A_230] : memref<8x128x64xf32, #tpu.memory_space<vmem>> -> memref<1x128x64xf32, #tpu.memory_space<vmem>>
    %dma_start3A_232 = tpu.memref_squeeze %dma_start3A_231 : memref<1x128x64xf32, #tpu.memory_space<vmem>> -> memref<128x64xf32, #tpu.memory_space<vmem>>
    %dma_start3A_233 = arith.constant 0 : i32
    %dma_start3A_234 = arith.constant 0 : i32
    %dma_start3A_235 = tpu.memref_slice %arg4[%add3A, %dma_start3A_228, %dma_start3A_233, %dma_start3A_234] : memref<32x200x128x64xf32, #tpu.memory_space<hbm>> -> memref<1x1x128x64xf32, #tpu.memory_space<hbm>>
    %dma_start3A_236 = tpu.memref_squeeze %dma_start3A_235 : memref<1x1x128x64xf32, #tpu.memory_space<hbm>> -> memref<128x64xf32, #tpu.memory_space<hbm>>
    %dma_start3A_237 = arith.constant 0 : i32
    %dma_start3A_238 = arith.constant 0 : i32
    %dma_start3A_239 = tpu.memref_slice %arg4[%add3A, %dma_start3A_228, %dma_start3A_237, %dma_start3A_238] : memref<32x200x128x64xf32, #tpu.memory_space<hbm>> -> memref<1x1x128x64xf32, #tpu.memory_space<hbm>>
    %dma_start3A_240 = tpu.memref_squeeze %dma_start3A_239 : memref<1x1x128x64xf32, #tpu.memory_space<hbm>> -> memref<128x64xf32, #tpu.memory_space<hbm>>
    %dma_start3A_241 = arith.constant 0 : i32
    %dma_start3A_242 = arith.constant 0 : i32
    %dma_start3A_243 = tpu.memref_slice %arg6[%dma_start3A_227, %dma_start3A_241, %dma_start3A_242] : memref<8x128x64xf32, #tpu.memory_space<vmem>> -> memref<1x128x64xf32, #tpu.memory_space<vmem>>
    %dma_start3A_244 = tpu.memref_squeeze %dma_start3A_243 : memref<1x128x64xf32, #tpu.memory_space<vmem>> -> memref<128x64xf32, #tpu.memory_space<vmem>>
    tpu.enqueue_dma source(%dma_start3A_244 : memref<128x64xf32, #tpu.memory_space<vmem>>) target(%dma_start3A_240 : memref<128x64xf32, #tpu.memory_space<hbm>>) target_semaphore(%arg19 : memref<!tpu.dma_semaphore, #tpu.memory_space<semaphore_mem>>)
    %dma_wait3A_245 = arith.constant 0 : i32
    %dma_wait3A_246 = arith.constant 0 : i32
    %dma_wait3A_247 = arith.constant 0 : i32
    %dma_wait3A_248 = arith.constant 0 : i32
    %dma_wait3A_249 = tpu.memref_slice %arg6[%dma_wait3A_245, %dma_wait3A_247, %dma_wait3A_248] : memref<8x128x64xf32, #tpu.memory_space<vmem>> -> memref<1x128x64xf32, #tpu.memory_space<vmem>>
    %dma_wait3A_250 = tpu.memref_squeeze %dma_wait3A_249 : memref<1x128x64xf32, #tpu.memory_space<vmem>> -> memref<128x64xf32, #tpu.memory_space<vmem>>
    %dma_wait3A_251 = arith.constant 0 : i32
    %dma_wait3A_252 = arith.constant 0 : i32
    %dma_wait3A_253 = tpu.memref_slice %arg4[%add3A, %dma_wait3A_246, %dma_wait3A_251, %dma_wait3A_252] : memref<32x200x128x64xf32, #tpu.memory_space<hbm>> -> memref<1x1x128x64xf32, #tpu.memory_space<hbm>>
    %dma_wait3A_254 = tpu.memref_squeeze %dma_wait3A_253 : memref<1x1x128x64xf32, #tpu.memory_space<hbm>> -> memref<128x64xf32, #tpu.memory_space<hbm>>
    %dma_wait3A_255 = arith.constant 0 : i32
    %dma_wait3A_256 = arith.constant 0 : i32
    %dma_wait3A_257 = tpu.memref_slice %arg4[%add3A, %dma_wait3A_246, %dma_wait3A_255, %dma_wait3A_256] : memref<32x200x128x64xf32, #tpu.memory_space<hbm>> -> memref<1x1x128x64xf32, #tpu.memory_space<hbm>>
    %dma_wait3A_258 = tpu.memref_squeeze %dma_wait3A_257 : memref<1x1x128x64xf32, #tpu.memory_space<hbm>> -> memref<128x64xf32, #tpu.memory_space<hbm>>
    %dma_wait3A_259 = arith.constant 0 : i32
    %dma_wait3A_260 = arith.constant 0 : i32
    %dma_wait3A_261 = tpu.memref_slice %arg6[%dma_wait3A_245, %dma_wait3A_259, %dma_wait3A_260] : memref<8x128x64xf32, #tpu.memory_space<vmem>> -> memref<1x128x64xf32, #tpu.memory_space<vmem>>
    %dma_wait3A_262 = tpu.memref_squeeze %dma_wait3A_261 : memref<1x128x64xf32, #tpu.memory_space<vmem>> -> memref<128x64xf32, #tpu.memory_space<vmem>>
    tpu.wait_dma2 semaphore(%arg15 : memref<!tpu.dma_semaphore, #tpu.memory_space<semaphore_mem>>) src(%dma_wait3A_262 : memref<128x64xf32, #tpu.memory_space<vmem>>) dst(%dma_wait3A_258 : memref<128x64xf32, #tpu.memory_space<hbm>>)
    %dma_start3A_263 = arith.constant 8 : i32
    %dma_start3A_264 = arith.constant 0 : i32
    %dma_start3A_265 = arith.constant 0 : i32
    %dma_start3A_266 = arith.constant 0 : i32
    %dma_start3A_267 = tpu.memref_slice %arg6[%dma_start3A_264, %dma_start3A_265, %dma_start3A_266] : memref<8x128x64xf32, #tpu.memory_space<vmem>> -> memref<1x128x64xf32, #tpu.memory_space<vmem>>
    %dma_start3A_268 = tpu.memref_squeeze %dma_start3A_267 : memref<1x128x64xf32, #tpu.memory_space<vmem>> -> memref<128x64xf32, #tpu.memory_space<vmem>>
    %dma_start3A_269 = arith.constant 0 : i32
    %dma_start3A_270 = tpu.memref_slice %arg5[%dma_start3A_263, %dma_start3A_269] : memref<200x128xi32, #tpu.memory_space<vmem>> -> memref<1x128xi32, #tpu.memory_space<vmem>>
    %dma_start3A_271 = tpu.memref_squeeze %dma_start3A_270 : memref<1x128xi32, #tpu.memory_space<vmem>> -> memref<128xi32, #tpu.memory_space<vmem>>
    %dma_start3A_272 = arith.constant 0 : i32
    %dma_start3A_273 = arith.constant 0 : i32
    %dma_start3A_274 = tpu.memref_slice %arg3[%dma_start3A_272, %dma_start3A_273] : memref<1000000x64xf32, #tpu.memory_space<hbm>> -> memref<1000000x64xf32, #tpu.memory_space<hbm>>
    tpu.enqueue_indirect_dma source(%dma_start3A_274 : memref<1000000x64xf32, #tpu.memory_space<hbm>>) target(%dma_start3A_268 : memref<128x64xf32, #tpu.memory_space<vmem>>) offsets(%dma_start3A_271 : memref<128xi32, #tpu.memory_space<vmem>>) semaphore(%arg7 : memref<!tpu.dma_semaphore, #tpu.memory_space<semaphore_mem>>)
    %dma_wait3A_275 = arith.constant 5 : i32
    %dma_wait3A_276 = arith.constant 5 : i32
    %dma_wait3A_277 = arith.constant 0 : i32
    %dma_wait3A_278 = arith.constant 0 : i32
    %dma_wait3A_279 = tpu.memref_slice %arg6[%dma_wait3A_276, %dma_wait3A_277, %dma_wait3A_278] : memref<8x128x64xf32, #tpu.memory_space<vmem>> -> memref<1x128x64xf32, #tpu.memory_space<vmem>>
    %dma_wait3A_280 = tpu.memref_squeeze %dma_wait3A_279 : memref<1x128x64xf32, #tpu.memory_space<vmem>> -> memref<128x64xf32, #tpu.memory_space<vmem>>
    %dma_wait3A_281 = arith.constant 0 : i32
    %dma_wait3A_282 = tpu.memref_slice %arg5[%dma_wait3A_275, %dma_wait3A_281] : memref<200x128xi32, #tpu.memory_space<vmem>> -> memref<1x128xi32, #tpu.memory_space<vmem>>
    %dma_wait3A_283 = tpu.memref_squeeze %dma_wait3A_282 : memref<1x128xi32, #tpu.memory_space<vmem>> -> memref<128xi32, #tpu.memory_space<vmem>>
    %dma_wait3A_284 = arith.constant 0 : i32
    %dma_wait3A_285 = arith.constant 0 : i32
    %dma_wait3A_286 = tpu.memref_slice %arg3[%dma_wait3A_284, %dma_wait3A_285] : memref<1000000x64xf32, #tpu.memory_space<hbm>> -> memref<1000000x64xf32, #tpu.memory_space<hbm>>
    tpu.wait_indirect_dma semaphore(%arg12 : memref<!tpu.dma_semaphore, #tpu.memory_space<semaphore_mem>>) src(%dma_wait3A_286 : memref<1000000x64xf32, #tpu.memory_space<hbm>>) dst(%dma_wait3A_280 : memref<128x64xf32, #tpu.memory_space<vmem>>)
    %dma_start3A_287 = arith.constant 5 : i32
    %dma_start3A_288 = arith.constant 5 : i32
    %dma_start3A_289 = arith.constant 0 : i32
    %dma_start3A_290 = arith.constant 0 : i32
    %dma_start3A_291 = tpu.memref_slice %arg6[%dma_start3A_287, %dma_start3A_289, %dma_start3A_290] : memref<8x128x64xf32, #tpu.memory_space<vmem>> -> memref<1x128x64xf32, #tpu.memory_space<vmem>>
    %dma_start3A_292 = tpu.memref_squeeze %dma_start3A_291 : memref<1x128x64xf32, #tpu.memory_space<vmem>> -> memref<128x64xf32, #tpu.memory_space<vmem>>
    %dma_start3A_293 = arith.constant 0 : i32
    %dma_start3A_294 = arith.constant 0 : i32
    %dma_start3A_295 = tpu.memref_slice %arg4[%add3A, %dma_start3A_288, %dma_start3A_293, %dma_start3A_294] : memref<32x200x128x64xf32, #tpu.memory_space<hbm>> -> memref<1x1x128x64xf32, #tpu.memory_space<hbm>>
    %dma_start3A_296 = tpu.memref_squeeze %dma_start3A_295 : memref<1x1x128x64xf32, #tpu.memory_space<hbm>> -> memref<128x64xf32, #tpu.memory_space<hbm>>
    %dma_start3A_297 = arith.constant 0 : i32
    %dma_start3A_298 = arith.constant 0 : i32
    %dma_start3A_299 = tpu.memref_slice %arg4[%add3A, %dma_start3A_288, %dma_start3A_297, %dma_start3A_298] : memref<32x200x128x64xf32, #tpu.memory_space<hbm>> -> memref<1x1x128x64xf32, #tpu.memory_space<hbm>>
    %dma_start3A_300 = tpu.memref_squeeze %dma_start3A_299 : memref<1x1x128x64xf32, #tpu.memory_space<hbm>> -> memref<128x64xf32, #tpu.memory_space<hbm>>
    %dma_start3A_301 = arith.constant 0 : i32
    %dma_start3A_302 = arith.constant 0 : i32
    %dma_start3A_303 = tpu.memref_slice %arg6[%dma_start3A_287, %dma_start3A_301, %dma_start3A_302] : memref<8x128x64xf32, #tpu.memory_space<vmem>> -> memref<1x128x64xf32, #tpu.memory_space<vmem>>
    %dma_start3A_304 = tpu.memref_squeeze %dma_start3A_303 : memref<1x128x64xf32, #tpu.memory_space<vmem>> -> memref<128x64xf32, #tpu.memory_space<vmem>>
    tpu.enqueue_dma source(%dma_start3A_304 : memref<128x64xf32, #tpu.memory_space<vmem>>) target(%dma_start3A_300 : memref<128x64xf32, #tpu.memory_space<hbm>>) target_semaphore(%arg20 : memref<!tpu.dma_semaphore, #tpu.memory_space<semaphore_mem>>)
    %dma_wait3A_305 = arith.constant 1 : i32
    %dma_wait3A_306 = arith.constant 1 : i32
    %dma_wait3A_307 = arith.constant 0 : i32
    %dma_wait3A_308 = arith.constant 0 : i32
    %dma_wait3A_309 = tpu.memref_slice %arg6[%dma_wait3A_305, %dma_wait3A_307, %dma_wait3A_308] : memref<8x128x64xf32, #tpu.memory_space<vmem>> -> memref<1x128x64xf32, #tpu.memory_space<vmem>>
    %dma_wait3A_310 = tpu.memref_squeeze %dma_wait3A_309 : memref<1x128x64xf32, #tpu.memory_space<vmem>> -> memref<128x64xf32, #tpu.memory_space<vmem>>
    %dma_wait3A_311 = arith.constant 0 : i32
    %dma_wait3A_312 = arith.constant 0 : i32
    %dma_wait3A_313 = tpu.memref_slice %arg4[%add3A, %dma_wait3A_306, %dma_wait3A_311, %dma_wait3A_312] : memref<32x200x128x64xf32, #tpu.memory_space<hbm>> -> memref<1x1x128x64xf32, #tpu.memory_space<hbm>>
    %dma_wait3A_314 = tpu.memref_squeeze %dma_wait3A_313 : memref<1x1x128x64xf32, #tpu.memory_space<hbm>> -> memref<128x64xf32, #tpu.memory_space<hbm>>
    %dma_wait3A_315 = arith.constant 0 : i32
    %dma_wait3A_316 = arith.constant 0 : i32
    %dma_wait3A_317 = tpu.memref_slice %arg4[%add3A, %dma_wait3A_306, %dma_wait3A_315, %dma_wait3A_316] : memref<32x200x128x64xf32, #tpu.memory_space<hbm>> -> memref<1x1x128x64xf32, #tpu.memory_space<hbm>>
    %dma_wait3A_318 = tpu.memref_squeeze %dma_wait3A_317 : memref<1x1x128x64xf32, #tpu.memory_space<hbm>> -> memref<128x64xf32, #tpu.memory_space<hbm>>
    %dma_wait3A_319 = arith.constant 0 : i32
    %dma_wait3A_320 = arith.constant 0 : i32
    %dma_wait3A_321 = tpu.memref_slice %arg6[%dma_wait3A_305, %dma_wait3A_319, %dma_wait3A_320] : memref<8x128x64xf32, #tpu.memory_space<vmem>> -> memref<1x128x64xf32, #tpu.memory_space<vmem>>
    %dma_wait3A_322 = tpu.memref_squeeze %dma_wait3A_321 : memref<1x128x64xf32, #tpu.memory_space<vmem>> -> memref<128x64xf32, #tpu.memory_space<vmem>>
    tpu.wait_dma2 semaphore(%arg16 : memref<!tpu.dma_semaphore, #tpu.memory_space<semaphore_mem>>) src(%dma_wait3A_322 : memref<128x64xf32, #tpu.memory_space<vmem>>) dst(%dma_wait3A_318 : memref<128x64xf32, #tpu.memory_space<hbm>>)
    %dma_start3A_323 = arith.constant 9 : i32
    %dma_start3A_324 = arith.constant 1 : i32
    %dma_start3A_325 = arith.constant 0 : i32
    %dma_start3A_326 = arith.constant 0 : i32
    %dma_start3A_327 = tpu.memref_slice %arg6[%dma_start3A_324, %dma_start3A_325, %dma_start3A_326] : memref<8x128x64xf32, #tpu.memory_space<vmem>> -> memref<1x128x64xf32, #tpu.memory_space<vmem>>
    %dma_start3A_328 = tpu.memref_squeeze %dma_start3A_327 : memref<1x128x64xf32, #tpu.memory_space<vmem>> -> memref<128x64xf32, #tpu.memory_space<vmem>>
    %dma_start3A_329 = arith.constant 0 : i32
    %dma_start3A_330 = tpu.memref_slice %arg5[%dma_start3A_323, %dma_start3A_329] : memref<200x128xi32, #tpu.memory_space<vmem>> -> memref<1x128xi32, #tpu.memory_space<vmem>>
    %dma_start3A_331 = tpu.memref_squeeze %dma_start3A_330 : memref<1x128xi32, #tpu.memory_space<vmem>> -> memref<128xi32, #tpu.memory_space<vmem>>
    %dma_start3A_332 = arith.constant 0 : i32
    %dma_start3A_333 = arith.constant 0 : i32
    %dma_start3A_334 = tpu.memref_slice %arg3[%dma_start3A_332, %dma_start3A_333] : memref<1000000x64xf32, #tpu.memory_space<hbm>> -> memref<1000000x64xf32, #tpu.memory_space<hbm>>
    tpu.enqueue_indirect_dma source(%dma_start3A_334 : memref<1000000x64xf32, #tpu.memory_space<hbm>>) target(%dma_start3A_328 : memref<128x64xf32, #tpu.memory_space<vmem>>) offsets(%dma_start3A_331 : memref<128xi32, #tpu.memory_space<vmem>>) semaphore(%arg8 : memref<!tpu.dma_semaphore, #tpu.memory_space<semaphore_mem>>)
    %dma_wait3A_335 = arith.constant 6 : i32
    %dma_wait3A_336 = arith.constant 6 : i32
    %dma_wait3A_337 = arith.constant 0 : i32
    %dma_wait3A_338 = arith.constant 0 : i32
    %dma_wait3A_339 = tpu.memref_slice %arg6[%dma_wait3A_336, %dma_wait3A_337, %dma_wait3A_338] : memref<8x128x64xf32, #tpu.memory_space<vmem>> -> memref<1x128x64xf32, #tpu.memory_space<vmem>>
    %dma_wait3A_340 = tpu.memref_squeeze %dma_wait3A_339 : memref<1x128x64xf32, #tpu.memory_space<vmem>> -> memref<128x64xf32, #tpu.memory_space<vmem>>
    %dma_wait3A_341 = arith.constant 0 : i32
    %dma_wait3A_342 = tpu.memref_slice %arg5[%dma_wait3A_335, %dma_wait3A_341] : memref<200x128xi32, #tpu.memory_space<vmem>> -> memref<1x128xi32, #tpu.memory_space<vmem>>
    %dma_wait3A_343 = tpu.memref_squeeze %dma_wait3A_342 : memref<1x128xi32, #tpu.memory_space<vmem>> -> memref<128xi32, #tpu.memory_space<vmem>>
    %dma_wait3A_344 = arith.constant 0 : i32
    %dma_wait3A_345 = arith.constant 0 : i32
    %dma_wait3A_346 = tpu.memref_slice %arg3[%dma_wait3A_344, %dma_wait3A_345] : memref<1000000x64xf32, #tpu.memory_space<hbm>> -> memref<1000000x64xf32, #tpu.memory_space<hbm>>
    tpu.wait_indirect_dma semaphore(%arg13 : memref<!tpu.dma_semaphore, #tpu.memory_space<semaphore_mem>>) src(%dma_wait3A_346 : memref<1000000x64xf32, #tpu.memory_space<hbm>>) dst(%dma_wait3A_340 : memref<128x64xf32, #tpu.memory_space<vmem>>)
    %dma_start3A_347 = arith.constant 6 : i32
    %dma_start3A_348 = arith.constant 6 : i32
    %dma_start3A_349 = arith.constant 0 : i32
    %dma_start3A_350 = arith.constant 0 : i32
    %dma_start3A_351 = tpu.memref_slice %arg6[%dma_start3A_347, %dma_start3A_349, %dma_start3A_350] : memref<8x128x64xf32, #tpu.memory_space<vmem>> -> memref<1x128x64xf32, #tpu.memory_space<vmem>>
    %dma_start3A_352 = tpu.memref_squeeze %dma_start3A_351 : memref<1x128x64xf32, #tpu.memory_space<vmem>> -> memref<128x64xf32, #tpu.memory_space<vmem>>
    %dma_start3A_353 = arith.constant 0 : i32
    %dma_start3A_354 = arith.constant 0 : i32
    %dma_start3A_355 = tpu.memref_slice %arg4[%add3A, %dma_start3A_348, %dma_start3A_353, %dma_start3A_354] : memref<32x200x128x64xf32, #tpu.memory_space<hbm>> -> memref<1x1x128x64xf32, #tpu.memory_space<hbm>>
    %dma_start3A_356 = tpu.memref_squeeze %dma_start3A_355 : memref<1x1x128x64xf32, #tpu.memory_space<hbm>> -> memref<128x64xf32, #tpu.memory_space<hbm>>
    %dma_start3A_357 = arith.constant 0 : i32
    %dma_start3A_358 = arith.constant 0 : i32
    %dma_start3A_359 = tpu.memref_slice %arg4[%add3A, %dma_start3A_348, %dma_start3A_357, %dma_start3A_358] : memref<32x200x128x64xf32, #tpu.memory_space<hbm>> -> memref<1x1x128x64xf32, #tpu.memory_space<hbm>>
    %dma_start3A_360 = tpu.memref_squeeze %dma_start3A_359 : memref<1x1x128x64xf32, #tpu.memory_space<hbm>> -> memref<128x64xf32, #tpu.memory_space<hbm>>
    %dma_start3A_361 = arith.constant 0 : i32
    %dma_start3A_362 = arith.constant 0 : i32
    %dma_start3A_363 = tpu.memref_slice %arg6[%dma_start3A_347, %dma_start3A_361, %dma_start3A_362] : memref<8x128x64xf32, #tpu.memory_space<vmem>> -> memref<1x128x64xf32, #tpu.memory_space<vmem>>
    %dma_start3A_364 = tpu.memref_squeeze %dma_start3A_363 : memref<1x128x64xf32, #tpu.memory_space<vmem>> -> memref<128x64xf32, #tpu.memory_space<vmem>>
    tpu.enqueue_dma source(%dma_start3A_364 : memref<128x64xf32, #tpu.memory_space<vmem>>) target(%dma_start3A_360 : memref<128x64xf32, #tpu.memory_space<hbm>>) target_semaphore(%arg21 : memref<!tpu.dma_semaphore, #tpu.memory_space<semaphore_mem>>)
    %dma_wait3A_365 = arith.constant 2 : i32
    %dma_wait3A_366 = arith.constant 2 : i32
    %dma_wait3A_367 = arith.constant 0 : i32
    %dma_wait3A_368 = arith.constant 0 : i32
    %dma_wait3A_369 = tpu.memref_slice %arg6[%dma_wait3A_365, %dma_wait3A_367, %dma_wait3A_368] : memref<8x128x64xf32, #tpu.memory_space<vmem>> -> memref<1x128x64xf32, #tpu.memory_space<vmem>>
    %dma_wait3A_370 = tpu.memref_squeeze %dma_wait3A_369 : memref<1x128x64xf32, #tpu.memory_space<vmem>> -> memref<128x64xf32, #tpu.memory_space<vmem>>
    %dma_wait3A_371 = arith.constant 0 : i32
    %dma_wait3A_372 = arith.constant 0 : i32
    %dma_wait3A_373 = tpu.memref_slice %arg4[%add3A, %dma_wait3A_366, %dma_wait3A_371, %dma_wait3A_372] : memref<32x200x128x64xf32, #tpu.memory_space<hbm>> -> memref<1x1x128x64xf32, #tpu.memory_space<hbm>>
    %dma_wait3A_374 = tpu.memref_squeeze %dma_wait3A_373 : memref<1x1x128x64xf32, #tpu.memory_space<hbm>> -> memref<128x64xf32, #tpu.memory_space<hbm>>
    %dma_wait3A_375 = arith.constant 0 : i32
    %dma_wait3A_376 = arith.constant 0 : i32
    %dma_wait3A_377 = tpu.memref_slice %arg4[%add3A, %dma_wait3A_366, %dma_wait3A_375, %dma_wait3A_376] : memref<32x200x128x64xf32, #tpu.memory_space<hbm>> -> memref<1x1x128x64xf32, #tpu.memory_space<hbm>>
    %dma_wait3A_378 = tpu.memref_squeeze %dma_wait3A_377 : memref<1x1x128x64xf32, #tpu.memory_space<hbm>> -> memref<128x64xf32, #tpu.memory_space<hbm>>
    %dma_wait3A_379 = arith.constant 0 : i32
    %dma_wait3A_380 = arith.constant 0 : i32
    %dma_wait3A_381 = tpu.memref_slice %arg6[%dma_wait3A_365, %dma_wait3A_379, %dma_wait3A_380] : memref<8x128x64xf32, #tpu.memory_space<vmem>> -> memref<1x128x64xf32, #tpu.memory_space<vmem>>
    %dma_wait3A_382 = tpu.memref_squeeze %dma_wait3A_381 : memref<1x128x64xf32, #tpu.memory_space<vmem>> -> memref<128x64xf32, #tpu.memory_space<vmem>>
    tpu.wait_dma2 semaphore(%arg17 : memref<!tpu.dma_semaphore, #tpu.memory_space<semaphore_mem>>) src(%dma_wait3A_382 : memref<128x64xf32, #tpu.memory_space<vmem>>) dst(%dma_wait3A_378 : memref<128x64xf32, #tpu.memory_space<hbm>>)
    %dma_start3A_383 = arith.constant 10 : i32
    %dma_start3A_384 = arith.constant 2 : i32
    %dma_start3A_385 = arith.constant 0 : i32
    %dma_start3A_386 = arith.constant 0 : i32
    %dma_start3A_387 = tpu.memref_slice %arg6[%dma_start3A_384, %dma_start3A_385, %dma_start3A_386] : memref<8x128x64xf32, #tpu.memory_space<vmem>> -> memref<1x128x64xf32, #tpu.memory_space<vmem>>
    %dma_start3A_388 = tpu.memref_squeeze %dma_start3A_387 : memref<1x128x64xf32, #tpu.memory_space<vmem>> -> memref<128x64xf32, #tpu.memory_space<vmem>>
    %dma_start3A_389 = arith.constant 0 : i32
    %dma_start3A_390 = tpu.memref_slice %arg5[%dma_start3A_383, %dma_start3A_389] : memref<200x128xi32, #tpu.memory_space<vmem>> -> memref<1x128xi32, #tpu.memory_space<vmem>>
    %dma_start3A_391 = tpu.memref_squeeze %dma_start3A_390 : memref<1x128xi32, #tpu.memory_space<vmem>> -> memref<128xi32, #tpu.memory_space<vmem>>
    %dma_start3A_392 = arith.constant 0 : i32
    %dma_start3A_393 = arith.constant 0 : i32
    %dma_start3A_394 = tpu.memref_slice %arg3[%dma_start3A_392, %dma_start3A_393] : memref<1000000x64xf32, #tpu.memory_space<hbm>> -> memref<1000000x64xf32, #tpu.memory_space<hbm>>
    tpu.enqueue_indirect_dma source(%dma_start3A_394 : memref<1000000x64xf32, #tpu.memory_space<hbm>>) target(%dma_start3A_388 : memref<128x64xf32, #tpu.memory_space<vmem>>) offsets(%dma_start3A_391 : memref<128xi32, #tpu.memory_space<vmem>>) semaphore(%arg9 : memref<!tpu.dma_semaphore, #tpu.memory_space<semaphore_mem>>)
    %dma_wait3A_395 = arith.constant 7 : i32
    %dma_wait3A_396 = arith.constant 7 : i32
    %dma_wait3A_397 = arith.constant 0 : i32
    %dma_wait3A_398 = arith.constant 0 : i32
    %dma_wait3A_399 = tpu.memref_slice %arg6[%dma_wait3A_396, %dma_wait3A_397, %dma_wait3A_398] : memref<8x128x64xf32, #tpu.memory_space<vmem>> -> memref<1x128x64xf32, #tpu.memory_space<vmem>>
    %dma_wait3A_400 = tpu.memref_squeeze %dma_wait3A_399 : memref<1x128x64xf32, #tpu.memory_space<vmem>> -> memref<128x64xf32, #tpu.memory_space<vmem>>
    %dma_wait3A_401 = arith.constant 0 : i32
    %dma_wait3A_402 = tpu.memref_slice %arg5[%dma_wait3A_395, %dma_wait3A_401] : memref<200x128xi32, #tpu.memory_space<vmem>> -> memref<1x128xi32, #tpu.memory_space<vmem>>
    %dma_wait3A_403 = tpu.memref_squeeze %dma_wait3A_402 : memref<1x128xi32, #tpu.memory_space<vmem>> -> memref<128xi32, #tpu.memory_space<vmem>>
    %dma_wait3A_404 = arith.constant 0 : i32
    %dma_wait3A_405 = arith.constant 0 : i32
    %dma_wait3A_406 = tpu.memref_slice %arg3[%dma_wait3A_404, %dma_wait3A_405] : memref<1000000x64xf32, #tpu.memory_space<hbm>> -> memref<1000000x64xf32, #tpu.memory_space<hbm>>
    tpu.wait_indirect_dma semaphore(%arg14 : memref<!tpu.dma_semaphore, #tpu.memory_space<semaphore_mem>>) src(%dma_wait3A_406 : memref<1000000x64xf32, #tpu.memory_space<hbm>>) dst(%dma_wait3A_400 : memref<128x64xf32, #tpu.memory_space<vmem>>)
    %dma_start3A_407 = arith.constant 7 : i32
    %dma_start3A_408 = arith.constant 7 : i32
    %dma_start3A_409 = arith.constant 0 : i32
    %dma_start3A_410 = arith.constant 0 : i32
    %dma_start3A_411 = tpu.memref_slice %arg6[%dma_start3A_407, %dma_start3A_409, %dma_start3A_410] : memref<8x128x64xf32, #tpu.memory_space<vmem>> -> memref<1x128x64xf32, #tpu.memory_space<vmem>>
    %dma_start3A_412 = tpu.memref_squeeze %dma_start3A_411 : memref<1x128x64xf32, #tpu.memory_space<vmem>> -> memref<128x64xf32, #tpu.memory_space<vmem>>
    %dma_start3A_413 = arith.constant 0 : i32
    %dma_start3A_414 = arith.constant 0 : i32
    %dma_start3A_415 = tpu.memref_slice %arg4[%add3A, %dma_start3A_408, %dma_start3A_413, %dma_start3A_414] : memref<32x200x128x64xf32, #tpu.memory_space<hbm>> -> memref<1x1x128x64xf32, #tpu.memory_space<hbm>>
    %dma_start3A_416 = tpu.memref_squeeze %dma_start3A_415 : memref<1x1x128x64xf32, #tpu.memory_space<hbm>> -> memref<128x64xf32, #tpu.memory_space<hbm>>
    %dma_start3A_417 = arith.constant 0 : i32
    %dma_start3A_418 = arith.constant 0 : i32
    %dma_start3A_419 = tpu.memref_slice %arg4[%add3A, %dma_start3A_408, %dma_start3A_417, %dma_start3A_418] : memref<32x200x128x64xf32, #tpu.memory_space<hbm>> -> memref<1x1x128x64xf32, #tpu.memory_space<hbm>>
    %dma_start3A_420 = tpu.memref_squeeze %dma_start3A_419 : memref<1x1x128x64xf32, #tpu.memory_space<hbm>> -> memref<128x64xf32, #tpu.memory_space<hbm>>
    %dma_start3A_421 = arith.constant 0 : i32
    %dma_start3A_422 = arith.constant 0 : i32
    %dma_start3A_423 = tpu.memref_slice %arg6[%dma_start3A_407, %dma_start3A_421, %dma_start3A_422] : memref<8x128x64xf32, #tpu.memory_space<vmem>> -> memref<1x128x64xf32, #tpu.memory_space<vmem>>
    %dma_start3A_424 = tpu.memref_squeeze %dma_start3A_423 : memref<1x128x64xf32, #tpu.memory_space<vmem>> -> memref<128x64xf32, #tpu.memory_space<vmem>>
    tpu.enqueue_dma source(%dma_start3A_424 : memref<128x64xf32, #tpu.memory_space<vmem>>) target(%dma_start3A_420 : memref<128x64xf32, #tpu.memory_space<hbm>>) target_semaphore(%arg22 : memref<!tpu.dma_semaphore, #tpu.memory_space<semaphore_mem>>)
    %dma_wait3A_425 = arith.constant 3 : i32
    %dma_wait3A_426 = arith.constant 3 : i32
    %dma_wait3A_427 = arith.constant 0 : i32
    %dma_wait3A_428 = arith.constant 0 : i32
    %dma_wait3A_429 = tpu.memref_slice %arg6[%dma_wait3A_425, %dma_wait3A_427, %dma_wait3A_428] : memref<8x128x64xf32, #tpu.memory_space<vmem>> -> memref<1x128x64xf32, #tpu.memory_space<vmem>>
    %dma_wait3A_430 = tpu.memref_squeeze %dma_wait3A_429 : memref<1x128x64xf32, #tpu.memory_space<vmem>> -> memref<128x64xf32, #tpu.memory_space<vmem>>
    %dma_wait3A_431 = arith.constant 0 : i32
    %dma_wait3A_432 = arith.constant 0 : i32
    %dma_wait3A_433 = tpu.memref_slice %arg4[%add3A, %dma_wait3A_426, %dma_wait3A_431, %dma_wait3A_432] : memref<32x200x128x64xf32, #tpu.memory_space<hbm>> -> memref<1x1x128x64xf32, #tpu.memory_space<hbm>>
    %dma_wait3A_434 = tpu.memref_squeeze %dma_wait3A_433 : memref<1x1x128x64xf32, #tpu.memory_space<hbm>> -> memref<128x64xf32, #tpu.memory_space<hbm>>
    %dma_wait3A_435 = arith.constant 0 : i32
    %dma_wait3A_436 = arith.constant 0 : i32
    %dma_wait3A_437 = tpu.memref_slice %arg4[%add3A, %dma_wait3A_426, %dma_wait3A_435, %dma_wait3A_436] : memref<32x200x128x64xf32, #tpu.memory_space<hbm>> -> memref<1x1x128x64xf32, #tpu.memory_space<hbm>>
    %dma_wait3A_438 = tpu.memref_squeeze %dma_wait3A_437 : memref<1x1x128x64xf32, #tpu.memory_space<hbm>> -> memref<128x64xf32, #tpu.memory_space<hbm>>
    %dma_wait3A_439 = arith.constant 0 : i32
    %dma_wait3A_440 = arith.constant 0 : i32
    %dma_wait3A_441 = tpu.memref_slice %arg6[%dma_wait3A_425, %dma_wait3A_439, %dma_wait3A_440] : memref<8x128x64xf32, #tpu.memory_space<vmem>> -> memref<1x128x64xf32, #tpu.memory_space<vmem>>
    %dma_wait3A_442 = tpu.memref_squeeze %dma_wait3A_441 : memref<1x128x64xf32, #tpu.memory_space<vmem>> -> memref<128x64xf32, #tpu.memory_space<vmem>>
    tpu.wait_dma2 semaphore(%arg18 : memref<!tpu.dma_semaphore, #tpu.memory_space<semaphore_mem>>) src(%dma_wait3A_442 : memref<128x64xf32, #tpu.memory_space<vmem>>) dst(%dma_wait3A_438 : memref<128x64xf32, #tpu.memory_space<hbm>>)
    %dma_start3A_443 = arith.constant 11 : i32
    %dma_start3A_444 = arith.constant 3 : i32
    %dma_start3A_445 = arith.constant 0 : i32
    %dma_start3A_446 = arith.constant 0 : i32
    %dma_start3A_447 = tpu.memref_slice %arg6[%dma_start3A_444, %dma_start3A_445, %dma_start3A_446] : memref<8x128x64xf32, #tpu.memory_space<vmem>> -> memref<1x128x64xf32, #tpu.memory_space<vmem>>
    %dma_start3A_448 = tpu.memref_squeeze %dma_start3A_447 : memref<1x128x64xf32, #tpu.memory_space<vmem>> -> memref<128x64xf32, #tpu.memory_space<vmem>>
    %dma_start3A_449 = arith.constant 0 : i32
    %dma_start3A_450 = tpu.memref_slice %arg5[%dma_start3A_443, %dma_start3A_449] : memref<200x128xi32, #tpu.memory_space<vmem>> -> memref<1x128xi32, #tpu.memory_space<vmem>>
    %dma_start3A_451 = tpu.memref_squeeze %dma_start3A_450 : memref<1x128xi32, #tpu.memory_space<vmem>> -> memref<128xi32, #tpu.memory_space<vmem>>
    %dma_start3A_452 = arith.constant 0 : i32
    %dma_start3A_453 = arith.constant 0 : i32
    %dma_start3A_454 = tpu.memref_slice %arg3[%dma_start3A_452, %dma_start3A_453] : memref<1000000x64xf32, #tpu.memory_space<hbm>> -> memref<1000000x64xf32, #tpu.memory_space<hbm>>
    tpu.enqueue_indirect_dma source(%dma_start3A_454 : memref<1000000x64xf32, #tpu.memory_space<hbm>>) target(%dma_start3A_448 : memref<128x64xf32, #tpu.memory_space<vmem>>) offsets(%dma_start3A_451 : memref<128xi32, #tpu.memory_space<vmem>>) semaphore(%arg10 : memref<!tpu.dma_semaphore, #tpu.memory_space<semaphore_mem>>)
    %scan3A = arith.constant 0 : i32
    %scan3A_455 = arith.constant 1 : i32
    %scan3A_456 = arith.constant 23 : i32
    %scan3A_457 = arith.addi %scan3A_455, %scan3A_456 : i32
    %scan3A_458 = arith.constant 1 : i32
    %scan3A_459 = scf.for %scan3A_965 = %scan3A_455 to %scan3A_457 step %scan3A_458 iter_args(%scan3A_966 = %scan3A) -> (i32)  : i32 {
      %mul3A_967 = arith.constant 8 : i32
      %mul3A_968 = arith.muli %scan3A_965, %mul3A_967 : i32
      %add3A_969 = arith.constant 0 : i32
      %add3A_970 = arith.addi %mul3A_968, %add3A_969 : i32
      %dma_wait3A_971 = arith.constant 0 : i32
      %dma_wait3A_972 = arith.constant 0 : i32
      %dma_wait3A_973 = arith.constant 0 : i32
      %dma_wait3A_974 = tpu.memref_slice %arg6[%dma_wait3A_971, %dma_wait3A_972, %dma_wait3A_973] : memref<8x128x64xf32, #tpu.memory_space<vmem>> -> memref<1x128x64xf32, #tpu.memory_space<vmem>>
      %dma_wait3A_975 = tpu.memref_squeeze %dma_wait3A_974 : memref<1x128x64xf32, #tpu.memory_space<vmem>> -> memref<128x64xf32, #tpu.memory_space<vmem>>
      %dma_wait3A_976 = arith.constant 0 : i32
      %dma_wait3A_977 = tpu.memref_slice %arg5[%add3A_970, %dma_wait3A_976] : memref<200x128xi32, #tpu.memory_space<vmem>> -> memref<1x128xi32, #tpu.memory_space<vmem>>
      %dma_wait3A_978 = tpu.memref_squeeze %dma_wait3A_977 : memref<1x128xi32, #tpu.memory_space<vmem>> -> memref<128xi32, #tpu.memory_space<vmem>>
      %dma_wait3A_979 = arith.constant 0 : i32
      %dma_wait3A_980 = arith.constant 0 : i32
      %dma_wait3A_981 = tpu.memref_slice %arg3[%dma_wait3A_979, %dma_wait3A_980] : memref<1000000x64xf32, #tpu.memory_space<hbm>> -> memref<1000000x64xf32, #tpu.memory_space<hbm>>
      tpu.wait_indirect_dma semaphore(%arg7 : memref<!tpu.dma_semaphore, #tpu.memory_space<semaphore_mem>>) src(%dma_wait3A_981 : memref<1000000x64xf32, #tpu.memory_space<hbm>>) dst(%dma_wait3A_975 : memref<128x64xf32, #tpu.memory_space<vmem>>)
      %dma_start3A_982 = arith.constant 0 : i32
      %dma_start3A_983 = arith.constant 0 : i32
      %dma_start3A_984 = arith.constant 0 : i32
      %dma_start3A_985 = tpu.memref_slice %arg6[%dma_start3A_982, %dma_start3A_983, %dma_start3A_984] : memref<8x128x64xf32, #tpu.memory_space<vmem>> -> memref<1x128x64xf32, #tpu.memory_space<vmem>>
      %dma_start3A_986 = tpu.memref_squeeze %dma_start3A_985 : memref<1x128x64xf32, #tpu.memory_space<vmem>> -> memref<128x64xf32, #tpu.memory_space<vmem>>
      %dma_start3A_987 = arith.constant 0 : i32
      %dma_start3A_988 = arith.constant 0 : i32
      %dma_start3A_989 = tpu.memref_slice %arg4[%add3A, %add3A_970, %dma_start3A_987, %dma_start3A_988] : memref<32x200x128x64xf32, #tpu.memory_space<hbm>> -> memref<1x1x128x64xf32, #tpu.memory_space<hbm>>
      %dma_start3A_990 = tpu.memref_squeeze %dma_start3A_989 : memref<1x1x128x64xf32, #tpu.memory_space<hbm>> -> memref<128x64xf32, #tpu.memory_space<hbm>>
      %dma_start3A_991 = arith.constant 0 : i32
      %dma_start3A_992 = arith.constant 0 : i32
      %dma_start3A_993 = tpu.memref_slice %arg4[%add3A, %add3A_970, %dma_start3A_991, %dma_start3A_992] : memref<32x200x128x64xf32, #tpu.memory_space<hbm>> -> memref<1x1x128x64xf32, #tpu.memory_space<hbm>>
      %dma_start3A_994 = tpu.memref_squeeze %dma_start3A_993 : memref<1x1x128x64xf32, #tpu.memory_space<hbm>> -> memref<128x64xf32, #tpu.memory_space<hbm>>
      %dma_start3A_995 = arith.constant 0 : i32
      %dma_start3A_996 = arith.constant 0 : i32
      %dma_start3A_997 = tpu.memref_slice %arg6[%dma_start3A_982, %dma_start3A_995, %dma_start3A_996] : memref<8x128x64xf32, #tpu.memory_space<vmem>> -> memref<1x128x64xf32, #tpu.memory_space<vmem>>
      %dma_start3A_998 = tpu.memref_squeeze %dma_start3A_997 : memref<1x128x64xf32, #tpu.memory_space<vmem>> -> memref<128x64xf32, #tpu.memory_space<vmem>>
      tpu.enqueue_dma source(%dma_start3A_998 : memref<128x64xf32, #tpu.memory_space<vmem>>) target(%dma_start3A_994 : memref<128x64xf32, #tpu.memory_space<hbm>>) target_semaphore(%arg15 : memref<!tpu.dma_semaphore, #tpu.memory_space<semaphore_mem>>)
      %mul3A_999 = arith.constant 8 : i32
      %mul3A_1000 = arith.muli %scan3A_965, %mul3A_999 : i32
      %add3A_1001 = arith.constant 4 : i32
      %add3A_1002 = arith.addi %mul3A_1000, %add3A_1001 : i32
      %sub3A = arith.constant 8 : i32
      %sub3A_1003 = arith.subi %add3A_1002, %sub3A : i32
      %dma_wait3A_1004 = arith.constant 4 : i32
      %dma_wait3A_1005 = arith.constant 0 : i32
      %dma_wait3A_1006 = arith.constant 0 : i32
      %dma_wait3A_1007 = tpu.memref_slice %arg6[%dma_wait3A_1004, %dma_wait3A_1005, %dma_wait3A_1006] : memref<8x128x64xf32, #tpu.memory_space<vmem>> -> memref<1x128x64xf32, #tpu.memory_space<vmem>>
      %dma_wait3A_1008 = tpu.memref_squeeze %dma_wait3A_1007 : memref<1x128x64xf32, #tpu.memory_space<vmem>> -> memref<128x64xf32, #tpu.memory_space<vmem>>
      %dma_wait3A_1009 = arith.constant 0 : i32
      %dma_wait3A_1010 = arith.constant 0 : i32
      %dma_wait3A_1011 = tpu.memref_slice %arg4[%add3A, %sub3A_1003, %dma_wait3A_1009, %dma_wait3A_1010] : memref<32x200x128x64xf32, #tpu.memory_space<hbm>> -> memref<1x1x128x64xf32, #tpu.memory_space<hbm>>
      %dma_wait3A_1012 = tpu.memref_squeeze %dma_wait3A_1011 : memref<1x1x128x64xf32, #tpu.memory_space<hbm>> -> memref<128x64xf32, #tpu.memory_space<hbm>>
      %dma_wait3A_1013 = arith.constant 0 : i32
      %dma_wait3A_1014 = arith.constant 0 : i32
      %dma_wait3A_1015 = tpu.memref_slice %arg4[%add3A, %sub3A_1003, %dma_wait3A_1013, %dma_wait3A_1014] : memref<32x200x128x64xf32, #tpu.memory_space<hbm>> -> memref<1x1x128x64xf32, #tpu.memory_space<hbm>>
      %dma_wait3A_1016 = tpu.memref_squeeze %dma_wait3A_1015 : memref<1x1x128x64xf32, #tpu.memory_space<hbm>> -> memref<128x64xf32, #tpu.memory_space<hbm>>
      %dma_wait3A_1017 = arith.constant 0 : i32
      %dma_wait3A_1018 = arith.constant 0 : i32
      %dma_wait3A_1019 = tpu.memref_slice %arg6[%dma_wait3A_1004, %dma_wait3A_1017, %dma_wait3A_1018] : memref<8x128x64xf32, #tpu.memory_space<vmem>> -> memref<1x128x64xf32, #tpu.memory_space<vmem>>
      %dma_wait3A_1020 = tpu.memref_squeeze %dma_wait3A_1019 : memref<1x128x64xf32, #tpu.memory_space<vmem>> -> memref<128x64xf32, #tpu.memory_space<vmem>>
      tpu.wait_dma2 semaphore(%arg19 : memref<!tpu.dma_semaphore, #tpu.memory_space<semaphore_mem>>) src(%dma_wait3A_1020 : memref<128x64xf32, #tpu.memory_space<vmem>>) dst(%dma_wait3A_1016 : memref<128x64xf32, #tpu.memory_space<hbm>>)
      %dma_start3A_1021 = arith.constant 4 : i32
      %dma_start3A_1022 = arith.constant 0 : i32
      %dma_start3A_1023 = arith.constant 0 : i32
      %dma_start3A_1024 = tpu.memref_slice %arg6[%dma_start3A_1021, %dma_start3A_1022, %dma_start3A_1023] : memref<8x128x64xf32, #tpu.memory_space<vmem>> -> memref<1x128x64xf32, #tpu.memory_space<vmem>>
      %dma_start3A_1025 = tpu.memref_squeeze %dma_start3A_1024 : memref<1x128x64xf32, #tpu.memory_space<vmem>> -> memref<128x64xf32, #tpu.memory_space<vmem>>
      %dma_start3A_1026 = arith.constant 0 : i32
      %dma_start3A_1027 = tpu.memref_slice %arg5[%add3A_1002, %dma_start3A_1026] : memref<200x128xi32, #tpu.memory_space<vmem>> -> memref<1x128xi32, #tpu.memory_space<vmem>>
      %dma_start3A_1028 = tpu.memref_squeeze %dma_start3A_1027 : memref<1x128xi32, #tpu.memory_space<vmem>> -> memref<128xi32, #tpu.memory_space<vmem>>
      %dma_start3A_1029 = arith.constant 0 : i32
      %dma_start3A_1030 = arith.constant 0 : i32
      %dma_start3A_1031 = tpu.memref_slice %arg3[%dma_start3A_1029, %dma_start3A_1030] : memref<1000000x64xf32, #tpu.memory_space<hbm>> -> memref<1000000x64xf32, #tpu.memory_space<hbm>>
      tpu.enqueue_indirect_dma source(%dma_start3A_1031 : memref<1000000x64xf32, #tpu.memory_space<hbm>>) target(%dma_start3A_1025 : memref<128x64xf32, #tpu.memory_space<vmem>>) offsets(%dma_start3A_1028 : memref<128xi32, #tpu.memory_space<vmem>>) semaphore(%arg11 : memref<!tpu.dma_semaphore, #tpu.memory_space<semaphore_mem>>)
      %mul3A_1032 = arith.constant 8 : i32
      %mul3A_1033 = arith.muli %scan3A_965, %mul3A_1032 : i32
      %add3A_1034 = arith.constant 1 : i32
      %add3A_1035 = arith.addi %mul3A_1033, %add3A_1034 : i32
      %dma_wait3A_1036 = arith.constant 1 : i32
      %dma_wait3A_1037 = arith.constant 0 : i32
      %dma_wait3A_1038 = arith.constant 0 : i32
      %dma_wait3A_1039 = tpu.memref_slice %arg6[%dma_wait3A_1036, %dma_wait3A_1037, %dma_wait3A_1038] : memref<8x128x64xf32, #tpu.memory_space<vmem>> -> memref<1x128x64xf32, #tpu.memory_space<vmem>>
      %dma_wait3A_1040 = tpu.memref_squeeze %dma_wait3A_1039 : memref<1x128x64xf32, #tpu.memory_space<vmem>> -> memref<128x64xf32, #tpu.memory_space<vmem>>
      %dma_wait3A_1041 = arith.constant 0 : i32
      %dma_wait3A_1042 = tpu.memref_slice %arg5[%add3A_1035, %dma_wait3A_1041] : memref<200x128xi32, #tpu.memory_space<vmem>> -> memref<1x128xi32, #tpu.memory_space<vmem>>
      %dma_wait3A_1043 = tpu.memref_squeeze %dma_wait3A_1042 : memref<1x128xi32, #tpu.memory_space<vmem>> -> memref<128xi32, #tpu.memory_space<vmem>>
      %dma_wait3A_1044 = arith.constant 0 : i32
      %dma_wait3A_1045 = arith.constant 0 : i32
      %dma_wait3A_1046 = tpu.memref_slice %arg3[%dma_wait3A_1044, %dma_wait3A_1045] : memref<1000000x64xf32, #tpu.memory_space<hbm>> -> memref<1000000x64xf32, #tpu.memory_space<hbm>>
      tpu.wait_indirect_dma semaphore(%arg8 : memref<!tpu.dma_semaphore, #tpu.memory_space<semaphore_mem>>) src(%dma_wait3A_1046 : memref<1000000x64xf32, #tpu.memory_space<hbm>>) dst(%dma_wait3A_1040 : memref<128x64xf32, #tpu.memory_space<vmem>>)
      %dma_start3A_1047 = arith.constant 1 : i32
      %dma_start3A_1048 = arith.constant 0 : i32
      %dma_start3A_1049 = arith.constant 0 : i32
      %dma_start3A_1050 = tpu.memref_slice %arg6[%dma_start3A_1047, %dma_start3A_1048, %dma_start3A_1049] : memref<8x128x64xf32, #tpu.memory_space<vmem>> -> memref<1x128x64xf32, #tpu.memory_space<vmem>>
      %dma_start3A_1051 = tpu.memref_squeeze %dma_start3A_1050 : memref<1x128x64xf32, #tpu.memory_space<vmem>> -> memref<128x64xf32, #tpu.memory_space<vmem>>
      %dma_start3A_1052 = arith.constant 0 : i32
      %dma_start3A_1053 = arith.constant 0 : i32
      %dma_start3A_1054 = tpu.memref_slice %arg4[%add3A, %add3A_1035, %dma_start3A_1052, %dma_start3A_1053] : memref<32x200x128x64xf32, #tpu.memory_space<hbm>> -> memref<1x1x128x64xf32, #tpu.memory_space<hbm>>
      %dma_start3A_1055 = tpu.memref_squeeze %dma_start3A_1054 : memref<1x1x128x64xf32, #tpu.memory_space<hbm>> -> memref<128x64xf32, #tpu.memory_space<hbm>>
      %dma_start3A_1056 = arith.constant 0 : i32
      %dma_start3A_1057 = arith.constant 0 : i32
      %dma_start3A_1058 = tpu.memref_slice %arg4[%add3A, %add3A_1035, %dma_start3A_1056, %dma_start3A_1057] : memref<32x200x128x64xf32, #tpu.memory_space<hbm>> -> memref<1x1x128x64xf32, #tpu.memory_space<hbm>>
      %dma_start3A_1059 = tpu.memref_squeeze %dma_start3A_1058 : memref<1x1x128x64xf32, #tpu.memory_space<hbm>> -> memref<128x64xf32, #tpu.memory_space<hbm>>
      %dma_start3A_1060 = arith.constant 0 : i32
      %dma_start3A_1061 = arith.constant 0 : i32
      %dma_start3A_1062 = tpu.memref_slice %arg6[%dma_start3A_1047, %dma_start3A_1060, %dma_start3A_1061] : memref<8x128x64xf32, #tpu.memory_space<vmem>> -> memref<1x128x64xf32, #tpu.memory_space<vmem>>
      %dma_start3A_1063 = tpu.memref_squeeze %dma_start3A_1062 : memref<1x128x64xf32, #tpu.memory_space<vmem>> -> memref<128x64xf32, #tpu.memory_space<vmem>>
      tpu.enqueue_dma source(%dma_start3A_1063 : memref<128x64xf32, #tpu.memory_space<vmem>>) target(%dma_start3A_1059 : memref<128x64xf32, #tpu.memory_space<hbm>>) target_semaphore(%arg16 : memref<!tpu.dma_semaphore, #tpu.memory_space<semaphore_mem>>)
      %mul3A_1064 = arith.constant 8 : i32
      %mul3A_1065 = arith.muli %scan3A_965, %mul3A_1064 : i32
      %add3A_1066 = arith.constant 5 : i32
      %add3A_1067 = arith.addi %mul3A_1065, %add3A_1066 : i32
      %sub3A_1068 = arith.constant 8 : i32
      %sub3A_1069 = arith.subi %add3A_1067, %sub3A_1068 : i32
      %dma_wait3A_1070 = arith.constant 5 : i32
      %dma_wait3A_1071 = arith.constant 0 : i32
      %dma_wait3A_1072 = arith.constant 0 : i32
      %dma_wait3A_1073 = tpu.memref_slice %arg6[%dma_wait3A_1070, %dma_wait3A_1071, %dma_wait3A_1072] : memref<8x128x64xf32, #tpu.memory_space<vmem>> -> memref<1x128x64xf32, #tpu.memory_space<vmem>>
      %dma_wait3A_1074 = tpu.memref_squeeze %dma_wait3A_1073 : memref<1x128x64xf32, #tpu.memory_space<vmem>> -> memref<128x64xf32, #tpu.memory_space<vmem>>
      %dma_wait3A_1075 = arith.constant 0 : i32
      %dma_wait3A_1076 = arith.constant 0 : i32
      %dma_wait3A_1077 = tpu.memref_slice %arg4[%add3A, %sub3A_1069, %dma_wait3A_1075, %dma_wait3A_1076] : memref<32x200x128x64xf32, #tpu.memory_space<hbm>> -> memref<1x1x128x64xf32, #tpu.memory_space<hbm>>
      %dma_wait3A_1078 = tpu.memref_squeeze %dma_wait3A_1077 : memref<1x1x128x64xf32, #tpu.memory_space<hbm>> -> memref<128x64xf32, #tpu.memory_space<hbm>>
      %dma_wait3A_1079 = arith.constant 0 : i32
      %dma_wait3A_1080 = arith.constant 0 : i32
      %dma_wait3A_1081 = tpu.memref_slice %arg4[%add3A, %sub3A_1069, %dma_wait3A_1079, %dma_wait3A_1080] : memref<32x200x128x64xf32, #tpu.memory_space<hbm>> -> memref<1x1x128x64xf32, #tpu.memory_space<hbm>>
      %dma_wait3A_1082 = tpu.memref_squeeze %dma_wait3A_1081 : memref<1x1x128x64xf32, #tpu.memory_space<hbm>> -> memref<128x64xf32, #tpu.memory_space<hbm>>
      %dma_wait3A_1083 = arith.constant 0 : i32
      %dma_wait3A_1084 = arith.constant 0 : i32
      %dma_wait3A_1085 = tpu.memref_slice %arg6[%dma_wait3A_1070, %dma_wait3A_1083, %dma_wait3A_1084] : memref<8x128x64xf32, #tpu.memory_space<vmem>> -> memref<1x128x64xf32, #tpu.memory_space<vmem>>
      %dma_wait3A_1086 = tpu.memref_squeeze %dma_wait3A_1085 : memref<1x128x64xf32, #tpu.memory_space<vmem>> -> memref<128x64xf32, #tpu.memory_space<vmem>>
      tpu.wait_dma2 semaphore(%arg20 : memref<!tpu.dma_semaphore, #tpu.memory_space<semaphore_mem>>) src(%dma_wait3A_1086 : memref<128x64xf32, #tpu.memory_space<vmem>>) dst(%dma_wait3A_1082 : memref<128x64xf32, #tpu.memory_space<hbm>>)
      %dma_start3A_1087 = arith.constant 5 : i32
      %dma_start3A_1088 = arith.constant 0 : i32
      %dma_start3A_1089 = arith.constant 0 : i32
      %dma_start3A_1090 = tpu.memref_slice %arg6[%dma_start3A_1087, %dma_start3A_1088, %dma_start3A_1089] : memref<8x128x64xf32, #tpu.memory_space<vmem>> -> memref<1x128x64xf32, #tpu.memory_space<vmem>>
      %dma_start3A_1091 = tpu.memref_squeeze %dma_start3A_1090 : memref<1x128x64xf32, #tpu.memory_space<vmem>> -> memref<128x64xf32, #tpu.memory_space<vmem>>
      %dma_start3A_1092 = arith.constant 0 : i32
      %dma_start3A_1093 = tpu.memref_slice %arg5[%add3A_1067, %dma_start3A_1092] : memref<200x128xi32, #tpu.memory_space<vmem>> -> memref<1x128xi32, #tpu.memory_space<vmem>>
      %dma_start3A_1094 = tpu.memref_squeeze %dma_start3A_1093 : memref<1x128xi32, #tpu.memory_space<vmem>> -> memref<128xi32, #tpu.memory_space<vmem>>
      %dma_start3A_1095 = arith.constant 0 : i32
      %dma_start3A_1096 = arith.constant 0 : i32
      %dma_start3A_1097 = tpu.memref_slice %arg3[%dma_start3A_1095, %dma_start3A_1096] : memref<1000000x64xf32, #tpu.memory_space<hbm>> -> memref<1000000x64xf32, #tpu.memory_space<hbm>>
      tpu.enqueue_indirect_dma source(%dma_start3A_1097 : memref<1000000x64xf32, #tpu.memory_space<hbm>>) target(%dma_start3A_1091 : memref<128x64xf32, #tpu.memory_space<vmem>>) offsets(%dma_start3A_1094 : memref<128xi32, #tpu.memory_space<vmem>>) semaphore(%arg12 : memref<!tpu.dma_semaphore, #tpu.memory_space<semaphore_mem>>)
      %mul3A_1098 = arith.constant 8 : i32
      %mul3A_1099 = arith.muli %scan3A_965, %mul3A_1098 : i32
      %add3A_1100 = arith.constant 2 : i32
      %add3A_1101 = arith.addi %mul3A_1099, %add3A_1100 : i32
      %dma_wait3A_1102 = arith.constant 2 : i32
      %dma_wait3A_1103 = arith.constant 0 : i32
      %dma_wait3A_1104 = arith.constant 0 : i32
      %dma_wait3A_1105 = tpu.memref_slice %arg6[%dma_wait3A_1102, %dma_wait3A_1103, %dma_wait3A_1104] : memref<8x128x64xf32, #tpu.memory_space<vmem>> -> memref<1x128x64xf32, #tpu.memory_space<vmem>>
      %dma_wait3A_1106 = tpu.memref_squeeze %dma_wait3A_1105 : memref<1x128x64xf32, #tpu.memory_space<vmem>> -> memref<128x64xf32, #tpu.memory_space<vmem>>
      %dma_wait3A_1107 = arith.constant 0 : i32
      %dma_wait3A_1108 = tpu.memref_slice %arg5[%add3A_1101, %dma_wait3A_1107] : memref<200x128xi32, #tpu.memory_space<vmem>> -> memref<1x128xi32, #tpu.memory_space<vmem>>
      %dma_wait3A_1109 = tpu.memref_squeeze %dma_wait3A_1108 : memref<1x128xi32, #tpu.memory_space<vmem>> -> memref<128xi32, #tpu.memory_space<vmem>>
      %dma_wait3A_1110 = arith.constant 0 : i32
      %dma_wait3A_1111 = arith.constant 0 : i32
      %dma_wait3A_1112 = tpu.memref_slice %arg3[%dma_wait3A_1110, %dma_wait3A_1111] : memref<1000000x64xf32, #tpu.memory_space<hbm>> -> memref<1000000x64xf32, #tpu.memory_space<hbm>>
      tpu.wait_indirect_dma semaphore(%arg9 : memref<!tpu.dma_semaphore, #tpu.memory_space<semaphore_mem>>) src(%dma_wait3A_1112 : memref<1000000x64xf32, #tpu.memory_space<hbm>>) dst(%dma_wait3A_1106 : memref<128x64xf32, #tpu.memory_space<vmem>>)
      %dma_start3A_1113 = arith.constant 2 : i32
      %dma_start3A_1114 = arith.constant 0 : i32
      %dma_start3A_1115 = arith.constant 0 : i32
      %dma_start3A_1116 = tpu.memref_slice %arg6[%dma_start3A_1113, %dma_start3A_1114, %dma_start3A_1115] : memref<8x128x64xf32, #tpu.memory_space<vmem>> -> memref<1x128x64xf32, #tpu.memory_space<vmem>>
      %dma_start3A_1117 = tpu.memref_squeeze %dma_start3A_1116 : memref<1x128x64xf32, #tpu.memory_space<vmem>> -> memref<128x64xf32, #tpu.memory_space<vmem>>
      %dma_start3A_1118 = arith.constant 0 : i32
      %dma_start3A_1119 = arith.constant 0 : i32
      %dma_start3A_1120 = tpu.memref_slice %arg4[%add3A, %add3A_1101, %dma_start3A_1118, %dma_start3A_1119] : memref<32x200x128x64xf32, #tpu.memory_space<hbm>> -> memref<1x1x128x64xf32, #tpu.memory_space<hbm>>
      %dma_start3A_1121 = tpu.memref_squeeze %dma_start3A_1120 : memref<1x1x128x64xf32, #tpu.memory_space<hbm>> -> memref<128x64xf32, #tpu.memory_space<hbm>>
      %dma_start3A_1122 = arith.constant 0 : i32
      %dma_start3A_1123 = arith.constant 0 : i32
      %dma_start3A_1124 = tpu.memref_slice %arg4[%add3A, %add3A_1101, %dma_start3A_1122, %dma_start3A_1123] : memref<32x200x128x64xf32, #tpu.memory_space<hbm>> -> memref<1x1x128x64xf32, #tpu.memory_space<hbm>>
      %dma_start3A_1125 = tpu.memref_squeeze %dma_start3A_1124 : memref<1x1x128x64xf32, #tpu.memory_space<hbm>> -> memref<128x64xf32, #tpu.memory_space<hbm>>
      %dma_start3A_1126 = arith.constant 0 : i32
      %dma_start3A_1127 = arith.constant 0 : i32
      %dma_start3A_1128 = tpu.memref_slice %arg6[%dma_start3A_1113, %dma_start3A_1126, %dma_start3A_1127] : memref<8x128x64xf32, #tpu.memory_space<vmem>> -> memref<1x128x64xf32, #tpu.memory_space<vmem>>
      %dma_start3A_1129 = tpu.memref_squeeze %dma_start3A_1128 : memref<1x128x64xf32, #tpu.memory_space<vmem>> -> memref<128x64xf32, #tpu.memory_space<vmem>>
      tpu.enqueue_dma source(%dma_start3A_1129 : memref<128x64xf32, #tpu.memory_space<vmem>>) target(%dma_start3A_1125 : memref<128x64xf32, #tpu.memory_space<hbm>>) target_semaphore(%arg17 : memref<!tpu.dma_semaphore, #tpu.memory_space<semaphore_mem>>)
      %mul3A_1130 = arith.constant 8 : i32
      %mul3A_1131 = arith.muli %scan3A_965, %mul3A_1130 : i32
      %add3A_1132 = arith.constant 6 : i32
      %add3A_1133 = arith.addi %mul3A_1131, %add3A_1132 : i32
      %sub3A_1134 = arith.constant 8 : i32
      %sub3A_1135 = arith.subi %add3A_1133, %sub3A_1134 : i32
      %dma_wait3A_1136 = arith.constant 6 : i32
      %dma_wait3A_1137 = arith.constant 0 : i32
      %dma_wait3A_1138 = arith.constant 0 : i32
      %dma_wait3A_1139 = tpu.memref_slice %arg6[%dma_wait3A_1136, %dma_wait3A_1137, %dma_wait3A_1138] : memref<8x128x64xf32, #tpu.memory_space<vmem>> -> memref<1x128x64xf32, #tpu.memory_space<vmem>>
      %dma_wait3A_1140 = tpu.memref_squeeze %dma_wait3A_1139 : memref<1x128x64xf32, #tpu.memory_space<vmem>> -> memref<128x64xf32, #tpu.memory_space<vmem>>
      %dma_wait3A_1141 = arith.constant 0 : i32
      %dma_wait3A_1142 = arith.constant 0 : i32
      %dma_wait3A_1143 = tpu.memref_slice %arg4[%add3A, %sub3A_1135, %dma_wait3A_1141, %dma_wait3A_1142] : memref<32x200x128x64xf32, #tpu.memory_space<hbm>> -> memref<1x1x128x64xf32, #tpu.memory_space<hbm>>
      %dma_wait3A_1144 = tpu.memref_squeeze %dma_wait3A_1143 : memref<1x1x128x64xf32, #tpu.memory_space<hbm>> -> memref<128x64xf32, #tpu.memory_space<hbm>>
      %dma_wait3A_1145 = arith.constant 0 : i32
      %dma_wait3A_1146 = arith.constant 0 : i32
      %dma_wait3A_1147 = tpu.memref_slice %arg4[%add3A, %sub3A_1135, %dma_wait3A_1145, %dma_wait3A_1146] : memref<32x200x128x64xf32, #tpu.memory_space<hbm>> -> memref<1x1x128x64xf32, #tpu.memory_space<hbm>>
      %dma_wait3A_1148 = tpu.memref_squeeze %dma_wait3A_1147 : memref<1x1x128x64xf32, #tpu.memory_space<hbm>> -> memref<128x64xf32, #tpu.memory_space<hbm>>
      %dma_wait3A_1149 = arith.constant 0 : i32
      %dma_wait3A_1150 = arith.constant 0 : i32
      %dma_wait3A_1151 = tpu.memref_slice %arg6[%dma_wait3A_1136, %dma_wait3A_1149, %dma_wait3A_1150] : memref<8x128x64xf32, #tpu.memory_space<vmem>> -> memref<1x128x64xf32, #tpu.memory_space<vmem>>
      %dma_wait3A_1152 = tpu.memref_squeeze %dma_wait3A_1151 : memref<1x128x64xf32, #tpu.memory_space<vmem>> -> memref<128x64xf32, #tpu.memory_space<vmem>>
      tpu.wait_dma2 semaphore(%arg21 : memref<!tpu.dma_semaphore, #tpu.memory_space<semaphore_mem>>) src(%dma_wait3A_1152 : memref<128x64xf32, #tpu.memory_space<vmem>>) dst(%dma_wait3A_1148 : memref<128x64xf32, #tpu.memory_space<hbm>>)
      %dma_start3A_1153 = arith.constant 6 : i32
      %dma_start3A_1154 = arith.constant 0 : i32
      %dma_start3A_1155 = arith.constant 0 : i32
      %dma_start3A_1156 = tpu.memref_slice %arg6[%dma_start3A_1153, %dma_start3A_1154, %dma_start3A_1155] : memref<8x128x64xf32, #tpu.memory_space<vmem>> -> memref<1x128x64xf32, #tpu.memory_space<vmem>>
      %dma_start3A_1157 = tpu.memref_squeeze %dma_start3A_1156 : memref<1x128x64xf32, #tpu.memory_space<vmem>> -> memref<128x64xf32, #tpu.memory_space<vmem>>
      %dma_start3A_1158 = arith.constant 0 : i32
      %dma_start3A_1159 = tpu.memref_slice %arg5[%add3A_1133, %dma_start3A_1158] : memref<200x128xi32, #tpu.memory_space<vmem>> -> memref<1x128xi32, #tpu.memory_space<vmem>>
      %dma_start3A_1160 = tpu.memref_squeeze %dma_start3A_1159 : memref<1x128xi32, #tpu.memory_space<vmem>> -> memref<128xi32, #tpu.memory_space<vmem>>
      %dma_start3A_1161 = arith.constant 0 : i32
      %dma_start3A_1162 = arith.constant 0 : i32
      %dma_start3A_1163 = tpu.memref_slice %arg3[%dma_start3A_1161, %dma_start3A_1162] : memref<1000000x64xf32, #tpu.memory_space<hbm>> -> memref<1000000x64xf32, #tpu.memory_space<hbm>>
      tpu.enqueue_indirect_dma source(%dma_start3A_1163 : memref<1000000x64xf32, #tpu.memory_space<hbm>>) target(%dma_start3A_1157 : memref<128x64xf32, #tpu.memory_space<vmem>>) offsets(%dma_start3A_1160 : memref<128xi32, #tpu.memory_space<vmem>>) semaphore(%arg13 : memref<!tpu.dma_semaphore, #tpu.memory_space<semaphore_mem>>)
      %mul3A_1164 = arith.constant 8 : i32
      %mul3A_1165 = arith.muli %scan3A_965, %mul3A_1164 : i32
      %add3A_1166 = arith.constant 3 : i32
      %add3A_1167 = arith.addi %mul3A_1165, %add3A_1166 : i32
      %dma_wait3A_1168 = arith.constant 3 : i32
      %dma_wait3A_1169 = arith.constant 0 : i32
      %dma_wait3A_1170 = arith.constant 0 : i32
      %dma_wait3A_1171 = tpu.memref_slice %arg6[%dma_wait3A_1168, %dma_wait3A_1169, %dma_wait3A_1170] : memref<8x128x64xf32, #tpu.memory_space<vmem>> -> memref<1x128x64xf32, #tpu.memory_space<vmem>>
      %dma_wait3A_1172 = tpu.memref_squeeze %dma_wait3A_1171 : memref<1x128x64xf32, #tpu.memory_space<vmem>> -> memref<128x64xf32, #tpu.memory_space<vmem>>
      %dma_wait3A_1173 = arith.constant 0 : i32
      %dma_wait3A_1174 = tpu.memref_slice %arg5[%add3A_1167, %dma_wait3A_1173] : memref<200x128xi32, #tpu.memory_space<vmem>> -> memref<1x128xi32, #tpu.memory_space<vmem>>
      %dma_wait3A_1175 = tpu.memref_squeeze %dma_wait3A_1174 : memref<1x128xi32, #tpu.memory_space<vmem>> -> memref<128xi32, #tpu.memory_space<vmem>>
      %dma_wait3A_1176 = arith.constant 0 : i32
      %dma_wait3A_1177 = arith.constant 0 : i32
      %dma_wait3A_1178 = tpu.memref_slice %arg3[%dma_wait3A_1176, %dma_wait3A_1177] : memref<1000000x64xf32, #tpu.memory_space<hbm>> -> memref<1000000x64xf32, #tpu.memory_space<hbm>>
      tpu.wait_indirect_dma semaphore(%arg10 : memref<!tpu.dma_semaphore, #tpu.memory_space<semaphore_mem>>) src(%dma_wait3A_1178 : memref<1000000x64xf32, #tpu.memory_space<hbm>>) dst(%dma_wait3A_1172 : memref<128x64xf32, #tpu.memory_space<vmem>>)
      %dma_start3A_1179 = arith.constant 3 : i32
      %dma_start3A_1180 = arith.constant 0 : i32
      %dma_start3A_1181 = arith.constant 0 : i32
      %dma_start3A_1182 = tpu.memref_slice %arg6[%dma_start3A_1179, %dma_start3A_1180, %dma_start3A_1181] : memref<8x128x64xf32, #tpu.memory_space<vmem>> -> memref<1x128x64xf32, #tpu.memory_space<vmem>>
      %dma_start3A_1183 = tpu.memref_squeeze %dma_start3A_1182 : memref<1x128x64xf32, #tpu.memory_space<vmem>> -> memref<128x64xf32, #tpu.memory_space<vmem>>
      %dma_start3A_1184 = arith.constant 0 : i32
      %dma_start3A_1185 = arith.constant 0 : i32
      %dma_start3A_1186 = tpu.memref_slice %arg4[%add3A, %add3A_1167, %dma_start3A_1184, %dma_start3A_1185] : memref<32x200x128x64xf32, #tpu.memory_space<hbm>> -> memref<1x1x128x64xf32, #tpu.memory_space<hbm>>
      %dma_start3A_1187 = tpu.memref_squeeze %dma_start3A_1186 : memref<1x1x128x64xf32, #tpu.memory_space<hbm>> -> memref<128x64xf32, #tpu.memory_space<hbm>>
      %dma_start3A_1188 = arith.constant 0 : i32
      %dma_start3A_1189 = arith.constant 0 : i32
      %dma_start3A_1190 = tpu.memref_slice %arg4[%add3A, %add3A_1167, %dma_start3A_1188, %dma_start3A_1189] : memref<32x200x128x64xf32, #tpu.memory_space<hbm>> -> memref<1x1x128x64xf32, #tpu.memory_space<hbm>>
      %dma_start3A_1191 = tpu.memref_squeeze %dma_start3A_1190 : memref<1x1x128x64xf32, #tpu.memory_space<hbm>> -> memref<128x64xf32, #tpu.memory_space<hbm>>
      %dma_start3A_1192 = arith.constant 0 : i32
      %dma_start3A_1193 = arith.constant 0 : i32
      %dma_start3A_1194 = tpu.memref_slice %arg6[%dma_start3A_1179, %dma_start3A_1192, %dma_start3A_1193] : memref<8x128x64xf32, #tpu.memory_space<vmem>> -> memref<1x128x64xf32, #tpu.memory_space<vmem>>
      %dma_start3A_1195 = tpu.memref_squeeze %dma_start3A_1194 : memref<1x128x64xf32, #tpu.memory_space<vmem>> -> memref<128x64xf32, #tpu.memory_space<vmem>>
      tpu.enqueue_dma source(%dma_start3A_1195 : memref<128x64xf32, #tpu.memory_space<vmem>>) target(%dma_start3A_1191 : memref<128x64xf32, #tpu.memory_space<hbm>>) target_semaphore(%arg18 : memref<!tpu.dma_semaphore, #tpu.memory_space<semaphore_mem>>)
      %mul3A_1196 = arith.constant 8 : i32
      %mul3A_1197 = arith.muli %scan3A_965, %mul3A_1196 : i32
      %add3A_1198 = arith.constant 7 : i32
      %add3A_1199 = arith.addi %mul3A_1197, %add3A_1198 : i32
      %sub3A_1200 = arith.constant 8 : i32
      %sub3A_1201 = arith.subi %add3A_1199, %sub3A_1200 : i32
      %dma_wait3A_1202 = arith.constant 7 : i32
      %dma_wait3A_1203 = arith.constant 0 : i32
      %dma_wait3A_1204 = arith.constant 0 : i32
      %dma_wait3A_1205 = tpu.memref_slice %arg6[%dma_wait3A_1202, %dma_wait3A_1203, %dma_wait3A_1204] : memref<8x128x64xf32, #tpu.memory_space<vmem>> -> memref<1x128x64xf32, #tpu.memory_space<vmem>>
      %dma_wait3A_1206 = tpu.memref_squeeze %dma_wait3A_1205 : memref<1x128x64xf32, #tpu.memory_space<vmem>> -> memref<128x64xf32, #tpu.memory_space<vmem>>
      %dma_wait3A_1207 = arith.constant 0 : i32
      %dma_wait3A_1208 = arith.constant 0 : i32
      %dma_wait3A_1209 = tpu.memref_slice %arg4[%add3A, %sub3A_1201, %dma_wait3A_1207, %dma_wait3A_1208] : memref<32x200x128x64xf32, #tpu.memory_space<hbm>> -> memref<1x1x128x64xf32, #tpu.memory_space<hbm>>
      %dma_wait3A_1210 = tpu.memref_squeeze %dma_wait3A_1209 : memref<1x1x128x64xf32, #tpu.memory_space<hbm>> -> memref<128x64xf32, #tpu.memory_space<hbm>>
      %dma_wait3A_1211 = arith.constant 0 : i32
      %dma_wait3A_1212 = arith.constant 0 : i32
      %dma_wait3A_1213 = tpu.memref_slice %arg4[%add3A, %sub3A_1201, %dma_wait3A_1211, %dma_wait3A_1212] : memref<32x200x128x64xf32, #tpu.memory_space<hbm>> -> memref<1x1x128x64xf32, #tpu.memory_space<hbm>>
      %dma_wait3A_1214 = tpu.memref_squeeze %dma_wait3A_1213 : memref<1x1x128x64xf32, #tpu.memory_space<hbm>> -> memref<128x64xf32, #tpu.memory_space<hbm>>
      %dma_wait3A_1215 = arith.constant 0 : i32
      %dma_wait3A_1216 = arith.constant 0 : i32
      %dma_wait3A_1217 = tpu.memref_slice %arg6[%dma_wait3A_1202, %dma_wait3A_1215, %dma_wait3A_1216] : memref<8x128x64xf32, #tpu.memory_space<vmem>> -> memref<1x128x64xf32, #tpu.memory_space<vmem>>
      %dma_wait3A_1218 = tpu.memref_squeeze %dma_wait3A_1217 : memref<1x128x64xf32, #tpu.memory_space<vmem>> -> memref<128x64xf32, #tpu.memory_space<vmem>>
      tpu.wait_dma2 semaphore(%arg22 : memref<!tpu.dma_semaphore, #tpu.memory_space<semaphore_mem>>) src(%dma_wait3A_1218 : memref<128x64xf32, #tpu.memory_space<vmem>>) dst(%dma_wait3A_1214 : memref<128x64xf32, #tpu.memory_space<hbm>>)
      %dma_start3A_1219 = arith.constant 7 : i32
      %dma_start3A_1220 = arith.constant 0 : i32
      %dma_start3A_1221 = arith.constant 0 : i32
      %dma_start3A_1222 = tpu.memref_slice %arg6[%dma_start3A_1219, %dma_start3A_1220, %dma_start3A_1221] : memref<8x128x64xf32, #tpu.memory_space<vmem>> -> memref<1x128x64xf32, #tpu.memory_space<vmem>>
      %dma_start3A_1223 = tpu.memref_squeeze %dma_start3A_1222 : memref<1x128x64xf32, #tpu.memory_space<vmem>> -> memref<128x64xf32, #tpu.memory_space<vmem>>
      %dma_start3A_1224 = arith.constant 0 : i32
      %dma_start3A_1225 = tpu.memref_slice %arg5[%add3A_1199, %dma_start3A_1224] : memref<200x128xi32, #tpu.memory_space<vmem>> -> memref<1x128xi32, #tpu.memory_space<vmem>>
      %dma_start3A_1226 = tpu.memref_squeeze %dma_start3A_1225 : memref<1x128xi32, #tpu.memory_space<vmem>> -> memref<128xi32, #tpu.memory_space<vmem>>
      %dma_start3A_1227 = arith.constant 0 : i32
      %dma_start3A_1228 = arith.constant 0 : i32
      %dma_start3A_1229 = tpu.memref_slice %arg3[%dma_start3A_1227, %dma_start3A_1228] : memref<1000000x64xf32, #tpu.memory_space<hbm>> -> memref<1000000x64xf32, #tpu.memory_space<hbm>>
      tpu.enqueue_indirect_dma source(%dma_start3A_1229 : memref<1000000x64xf32, #tpu.memory_space<hbm>>) target(%dma_start3A_1223 : memref<128x64xf32, #tpu.memory_space<vmem>>) offsets(%dma_start3A_1226 : memref<128xi32, #tpu.memory_space<vmem>>) semaphore(%arg14 : memref<!tpu.dma_semaphore, #tpu.memory_space<semaphore_mem>>)
      %mul3A_1230 = arith.constant 8 : i32
      %mul3A_1231 = arith.muli %scan3A_965, %mul3A_1230 : i32
      %add3A_1232 = arith.constant 4 : i32
      %add3A_1233 = arith.addi %mul3A_1231, %add3A_1232 : i32
      %dma_wait3A_1234 = arith.constant 4 : i32
      %dma_wait3A_1235 = arith.constant 0 : i32
      %dma_wait3A_1236 = arith.constant 0 : i32
      %dma_wait3A_1237 = tpu.memref_slice %arg6[%dma_wait3A_1234, %dma_wait3A_1235, %dma_wait3A_1236] : memref<8x128x64xf32, #tpu.memory_space<vmem>> -> memref<1x128x64xf32, #tpu.memory_space<vmem>>
      %dma_wait3A_1238 = tpu.memref_squeeze %dma_wait3A_1237 : memref<1x128x64xf32, #tpu.memory_space<vmem>> -> memref<128x64xf32, #tpu.memory_space<vmem>>
      %dma_wait3A_1239 = arith.constant 0 : i32
      %dma_wait3A_1240 = tpu.memref_slice %arg5[%add3A_1233, %dma_wait3A_1239] : memref<200x128xi32, #tpu.memory_space<vmem>> -> memref<1x128xi32, #tpu.memory_space<vmem>>
      %dma_wait3A_1241 = tpu.memref_squeeze %dma_wait3A_1240 : memref<1x128xi32, #tpu.memory_space<vmem>> -> memref<128xi32, #tpu.memory_space<vmem>>
      %dma_wait3A_1242 = arith.constant 0 : i32
      %dma_wait3A_1243 = arith.constant 0 : i32
      %dma_wait3A_1244 = tpu.memref_slice %arg3[%dma_wait3A_1242, %dma_wait3A_1243] : memref<1000000x64xf32, #tpu.memory_space<hbm>> -> memref<1000000x64xf32, #tpu.memory_space<hbm>>
      tpu.wait_indirect_dma semaphore(%arg11 : memref<!tpu.dma_semaphore, #tpu.memory_space<semaphore_mem>>) src(%dma_wait3A_1244 : memref<1000000x64xf32, #tpu.memory_space<hbm>>) dst(%dma_wait3A_1238 : memref<128x64xf32, #tpu.memory_space<vmem>>)
      %dma_start3A_1245 = arith.constant 4 : i32
      %dma_start3A_1246 = arith.constant 0 : i32
      %dma_start3A_1247 = arith.constant 0 : i32
      %dma_start3A_1248 = tpu.memref_slice %arg6[%dma_start3A_1245, %dma_start3A_1246, %dma_start3A_1247] : memref<8x128x64xf32, #tpu.memory_space<vmem>> -> memref<1x128x64xf32, #tpu.memory_space<vmem>>
      %dma_start3A_1249 = tpu.memref_squeeze %dma_start3A_1248 : memref<1x128x64xf32, #tpu.memory_space<vmem>> -> memref<128x64xf32, #tpu.memory_space<vmem>>
      %dma_start3A_1250 = arith.constant 0 : i32
      %dma_start3A_1251 = arith.constant 0 : i32
      %dma_start3A_1252 = tpu.memref_slice %arg4[%add3A, %add3A_1233, %dma_start3A_1250, %dma_start3A_1251] : memref<32x200x128x64xf32, #tpu.memory_space<hbm>> -> memref<1x1x128x64xf32, #tpu.memory_space<hbm>>
      %dma_start3A_1253 = tpu.memref_squeeze %dma_start3A_1252 : memref<1x1x128x64xf32, #tpu.memory_space<hbm>> -> memref<128x64xf32, #tpu.memory_space<hbm>>
      %dma_start3A_1254 = arith.constant 0 : i32
      %dma_start3A_1255 = arith.constant 0 : i32
      %dma_start3A_1256 = tpu.memref_slice %arg4[%add3A, %add3A_1233, %dma_start3A_1254, %dma_start3A_1255] : memref<32x200x128x64xf32, #tpu.memory_space<hbm>> -> memref<1x1x128x64xf32, #tpu.memory_space<hbm>>
      %dma_start3A_1257 = tpu.memref_squeeze %dma_start3A_1256 : memref<1x1x128x64xf32, #tpu.memory_space<hbm>> -> memref<128x64xf32, #tpu.memory_space<hbm>>
      %dma_start3A_1258 = arith.constant 0 : i32
      %dma_start3A_1259 = arith.constant 0 : i32
      %dma_start3A_1260 = tpu.memref_slice %arg6[%dma_start3A_1245, %dma_start3A_1258, %dma_start3A_1259] : memref<8x128x64xf32, #tpu.memory_space<vmem>> -> memref<1x128x64xf32, #tpu.memory_space<vmem>>
      %dma_start3A_1261 = tpu.memref_squeeze %dma_start3A_1260 : memref<1x128x64xf32, #tpu.memory_space<vmem>> -> memref<128x64xf32, #tpu.memory_space<vmem>>
      tpu.enqueue_dma source(%dma_start3A_1261 : memref<128x64xf32, #tpu.memory_space<vmem>>) target(%dma_start3A_1257 : memref<128x64xf32, #tpu.memory_space<hbm>>) target_semaphore(%arg19 : memref<!tpu.dma_semaphore, #tpu.memory_space<semaphore_mem>>)
      %add3A_1262 = arith.constant 1 : i32
      %add3A_1263 = arith.addi %scan3A_965, %add3A_1262 : i32
      %mul3A_1264 = arith.constant 8 : i32
      %mul3A_1265 = arith.muli %add3A_1263, %mul3A_1264 : i32
      %add3A_1266 = arith.constant 0 : i32
      %add3A_1267 = arith.addi %mul3A_1265, %add3A_1266 : i32
      %sub3A_1268 = arith.constant 8 : i32
      %sub3A_1269 = arith.subi %add3A_1267, %sub3A_1268 : i32
      %dma_wait3A_1270 = arith.constant 0 : i32
      %dma_wait3A_1271 = arith.constant 0 : i32
      %dma_wait3A_1272 = arith.constant 0 : i32
      %dma_wait3A_1273 = tpu.memref_slice %arg6[%dma_wait3A_1270, %dma_wait3A_1271, %dma_wait3A_1272] : memref<8x128x64xf32, #tpu.memory_space<vmem>> -> memref<1x128x64xf32, #tpu.memory_space<vmem>>
      %dma_wait3A_1274 = tpu.memref_squeeze %dma_wait3A_1273 : memref<1x128x64xf32, #tpu.memory_space<vmem>> -> memref<128x64xf32, #tpu.memory_space<vmem>>
      %dma_wait3A_1275 = arith.constant 0 : i32
      %dma_wait3A_1276 = arith.constant 0 : i32
      %dma_wait3A_1277 = tpu.memref_slice %arg4[%add3A, %sub3A_1269, %dma_wait3A_1275, %dma_wait3A_1276] : memref<32x200x128x64xf32, #tpu.memory_space<hbm>> -> memref<1x1x128x64xf32, #tpu.memory_space<hbm>>
      %dma_wait3A_1278 = tpu.memref_squeeze %dma_wait3A_1277 : memref<1x1x128x64xf32, #tpu.memory_space<hbm>> -> memref<128x64xf32, #tpu.memory_space<hbm>>
      %dma_wait3A_1279 = arith.constant 0 : i32
      %dma_wait3A_1280 = arith.constant 0 : i32
      %dma_wait3A_1281 = tpu.memref_slice %arg4[%add3A, %sub3A_1269, %dma_wait3A_1279, %dma_wait3A_1280] : memref<32x200x128x64xf32, #tpu.memory_space<hbm>> -> memref<1x1x128x64xf32, #tpu.memory_space<hbm>>
      %dma_wait3A_1282 = tpu.memref_squeeze %dma_wait3A_1281 : memref<1x1x128x64xf32, #tpu.memory_space<hbm>> -> memref<128x64xf32, #tpu.memory_space<hbm>>
      %dma_wait3A_1283 = arith.constant 0 : i32
      %dma_wait3A_1284 = arith.constant 0 : i32
      %dma_wait3A_1285 = tpu.memref_slice %arg6[%dma_wait3A_1270, %dma_wait3A_1283, %dma_wait3A_1284] : memref<8x128x64xf32, #tpu.memory_space<vmem>> -> memref<1x128x64xf32, #tpu.memory_space<vmem>>
      %dma_wait3A_1286 = tpu.memref_squeeze %dma_wait3A_1285 : memref<1x128x64xf32, #tpu.memory_space<vmem>> -> memref<128x64xf32, #tpu.memory_space<vmem>>
      tpu.wait_dma2 semaphore(%arg15 : memref<!tpu.dma_semaphore, #tpu.memory_space<semaphore_mem>>) src(%dma_wait3A_1286 : memref<128x64xf32, #tpu.memory_space<vmem>>) dst(%dma_wait3A_1282 : memref<128x64xf32, #tpu.memory_space<hbm>>)
      %dma_start3A_1287 = arith.constant 0 : i32
      %dma_start3A_1288 = arith.constant 0 : i32
      %dma_start3A_1289 = arith.constant 0 : i32
      %dma_start3A_1290 = tpu.memref_slice %arg6[%dma_start3A_1287, %dma_start3A_1288, %dma_start3A_1289] : memref<8x128x64xf32, #tpu.memory_space<vmem>> -> memref<1x128x64xf32, #tpu.memory_space<vmem>>
      %dma_start3A_1291 = tpu.memref_squeeze %dma_start3A_1290 : memref<1x128x64xf32, #tpu.memory_space<vmem>> -> memref<128x64xf32, #tpu.memory_space<vmem>>
      %dma_start3A_1292 = arith.constant 0 : i32
      %dma_start3A_1293 = tpu.memref_slice %arg5[%add3A_1267, %dma_start3A_1292] : memref<200x128xi32, #tpu.memory_space<vmem>> -> memref<1x128xi32, #tpu.memory_space<vmem>>
      %dma_start3A_1294 = tpu.memref_squeeze %dma_start3A_1293 : memref<1x128xi32, #tpu.memory_space<vmem>> -> memref<128xi32, #tpu.memory_space<vmem>>
      %dma_start3A_1295 = arith.constant 0 : i32
      %dma_start3A_1296 = arith.constant 0 : i32
      %dma_start3A_1297 = tpu.memref_slice %arg3[%dma_start3A_1295, %dma_start3A_1296] : memref<1000000x64xf32, #tpu.memory_space<hbm>> -> memref<1000000x64xf32, #tpu.memory_space<hbm>>
      tpu.enqueue_indirect_dma source(%dma_start3A_1297 : memref<1000000x64xf32, #tpu.memory_space<hbm>>) target(%dma_start3A_1291 : memref<128x64xf32, #tpu.memory_space<vmem>>) offsets(%dma_start3A_1294 : memref<128xi32, #tpu.memory_space<vmem>>) semaphore(%arg7 : memref<!tpu.dma_semaphore, #tpu.memory_space<semaphore_mem>>)
      %mul3A_1298 = arith.constant 8 : i32
      %mul3A_1299 = arith.muli %scan3A_965, %mul3A_1298 : i32
      %add3A_1300 = arith.constant 5 : i32
      %add3A_1301 = arith.addi %mul3A_1299, %add3A_1300 : i32
      %dma_wait3A_1302 = arith.constant 5 : i32
      %dma_wait3A_1303 = arith.constant 0 : i32
      %dma_wait3A_1304 = arith.constant 0 : i32
      %dma_wait3A_1305 = tpu.memref_slice %arg6[%dma_wait3A_1302, %dma_wait3A_1303, %dma_wait3A_1304] : memref<8x128x64xf32, #tpu.memory_space<vmem>> -> memref<1x128x64xf32, #tpu.memory_space<vmem>>
      %dma_wait3A_1306 = tpu.memref_squeeze %dma_wait3A_1305 : memref<1x128x64xf32, #tpu.memory_space<vmem>> -> memref<128x64xf32, #tpu.memory_space<vmem>>
      %dma_wait3A_1307 = arith.constant 0 : i32
      %dma_wait3A_1308 = tpu.memref_slice %arg5[%add3A_1301, %dma_wait3A_1307] : memref<200x128xi32, #tpu.memory_space<vmem>> -> memref<1x128xi32, #tpu.memory_space<vmem>>
      %dma_wait3A_1309 = tpu.memref_squeeze %dma_wait3A_1308 : memref<1x128xi32, #tpu.memory_space<vmem>> -> memref<128xi32, #tpu.memory_space<vmem>>
      %dma_wait3A_1310 = arith.constant 0 : i32
      %dma_wait3A_1311 = arith.constant 0 : i32
      %dma_wait3A_1312 = tpu.memref_slice %arg3[%dma_wait3A_1310, %dma_wait3A_1311] : memref<1000000x64xf32, #tpu.memory_space<hbm>> -> memref<1000000x64xf32, #tpu.memory_space<hbm>>
      tpu.wait_indirect_dma semaphore(%arg12 : memref<!tpu.dma_semaphore, #tpu.memory_space<semaphore_mem>>) src(%dma_wait3A_1312 : memref<1000000x64xf32, #tpu.memory_space<hbm>>) dst(%dma_wait3A_1306 : memref<128x64xf32, #tpu.memory_space<vmem>>)
      %dma_start3A_1313 = arith.constant 5 : i32
      %dma_start3A_1314 = arith.constant 0 : i32
      %dma_start3A_1315 = arith.constant 0 : i32
      %dma_start3A_1316 = tpu.memref_slice %arg6[%dma_start3A_1313, %dma_start3A_1314, %dma_start3A_1315] : memref<8x128x64xf32, #tpu.memory_space<vmem>> -> memref<1x128x64xf32, #tpu.memory_space<vmem>>
      %dma_start3A_1317 = tpu.memref_squeeze %dma_start3A_1316 : memref<1x128x64xf32, #tpu.memory_space<vmem>> -> memref<128x64xf32, #tpu.memory_space<vmem>>
      %dma_start3A_1318 = arith.constant 0 : i32
      %dma_start3A_1319 = arith.constant 0 : i32
      %dma_start3A_1320 = tpu.memref_slice %arg4[%add3A, %add3A_1301, %dma_start3A_1318, %dma_start3A_1319] : memref<32x200x128x64xf32, #tpu.memory_space<hbm>> -> memref<1x1x128x64xf32, #tpu.memory_space<hbm>>
      %dma_start3A_1321 = tpu.memref_squeeze %dma_start3A_1320 : memref<1x1x128x64xf32, #tpu.memory_space<hbm>> -> memref<128x64xf32, #tpu.memory_space<hbm>>
      %dma_start3A_1322 = arith.constant 0 : i32
      %dma_start3A_1323 = arith.constant 0 : i32
      %dma_start3A_1324 = tpu.memref_slice %arg4[%add3A, %add3A_1301, %dma_start3A_1322, %dma_start3A_1323] : memref<32x200x128x64xf32, #tpu.memory_space<hbm>> -> memref<1x1x128x64xf32, #tpu.memory_space<hbm>>
      %dma_start3A_1325 = tpu.memref_squeeze %dma_start3A_1324 : memref<1x1x128x64xf32, #tpu.memory_space<hbm>> -> memref<128x64xf32, #tpu.memory_space<hbm>>
      %dma_start3A_1326 = arith.constant 0 : i32
      %dma_start3A_1327 = arith.constant 0 : i32
      %dma_start3A_1328 = tpu.memref_slice %arg6[%dma_start3A_1313, %dma_start3A_1326, %dma_start3A_1327] : memref<8x128x64xf32, #tpu.memory_space<vmem>> -> memref<1x128x64xf32, #tpu.memory_space<vmem>>
      %dma_start3A_1329 = tpu.memref_squeeze %dma_start3A_1328 : memref<1x128x64xf32, #tpu.memory_space<vmem>> -> memref<128x64xf32, #tpu.memory_space<vmem>>
      tpu.enqueue_dma source(%dma_start3A_1329 : memref<128x64xf32, #tpu.memory_space<vmem>>) target(%dma_start3A_1325 : memref<128x64xf32, #tpu.memory_space<hbm>>) target_semaphore(%arg20 : memref<!tpu.dma_semaphore, #tpu.memory_space<semaphore_mem>>)
      %add3A_1330 = arith.constant 1 : i32
      %add3A_1331 = arith.addi %scan3A_965, %add3A_1330 : i32
      %mul3A_1332 = arith.constant 8 : i32
      %mul3A_1333 = arith.muli %add3A_1331, %mul3A_1332 : i32
      %add3A_1334 = arith.constant 1 : i32
      %add3A_1335 = arith.addi %mul3A_1333, %add3A_1334 : i32
      %sub3A_1336 = arith.constant 8 : i32
      %sub3A_1337 = arith.subi %add3A_1335, %sub3A_1336 : i32
      %dma_wait3A_1338 = arith.constant 1 : i32
      %dma_wait3A_1339 = arith.constant 0 : i32
      %dma_wait3A_1340 = arith.constant 0 : i32
      %dma_wait3A_1341 = tpu.memref_slice %arg6[%dma_wait3A_1338, %dma_wait3A_1339, %dma_wait3A_1340] : memref<8x128x64xf32, #tpu.memory_space<vmem>> -> memref<1x128x64xf32, #tpu.memory_space<vmem>>
      %dma_wait3A_1342 = tpu.memref_squeeze %dma_wait3A_1341 : memref<1x128x64xf32, #tpu.memory_space<vmem>> -> memref<128x64xf32, #tpu.memory_space<vmem>>
      %dma_wait3A_1343 = arith.constant 0 : i32
      %dma_wait3A_1344 = arith.constant 0 : i32
      %dma_wait3A_1345 = tpu.memref_slice %arg4[%add3A, %sub3A_1337, %dma_wait3A_1343, %dma_wait3A_1344] : memref<32x200x128x64xf32, #tpu.memory_space<hbm>> -> memref<1x1x128x64xf32, #tpu.memory_space<hbm>>
      %dma_wait3A_1346 = tpu.memref_squeeze %dma_wait3A_1345 : memref<1x1x128x64xf32, #tpu.memory_space<hbm>> -> memref<128x64xf32, #tpu.memory_space<hbm>>
      %dma_wait3A_1347 = arith.constant 0 : i32
      %dma_wait3A_1348 = arith.constant 0 : i32
      %dma_wait3A_1349 = tpu.memref_slice %arg4[%add3A, %sub3A_1337, %dma_wait3A_1347, %dma_wait3A_1348] : memref<32x200x128x64xf32, #tpu.memory_space<hbm>> -> memref<1x1x128x64xf32, #tpu.memory_space<hbm>>
      %dma_wait3A_1350 = tpu.memref_squeeze %dma_wait3A_1349 : memref<1x1x128x64xf32, #tpu.memory_space<hbm>> -> memref<128x64xf32, #tpu.memory_space<hbm>>
      %dma_wait3A_1351 = arith.constant 0 : i32
      %dma_wait3A_1352 = arith.constant 0 : i32
      %dma_wait3A_1353 = tpu.memref_slice %arg6[%dma_wait3A_1338, %dma_wait3A_1351, %dma_wait3A_1352] : memref<8x128x64xf32, #tpu.memory_space<vmem>> -> memref<1x128x64xf32, #tpu.memory_space<vmem>>
      %dma_wait3A_1354 = tpu.memref_squeeze %dma_wait3A_1353 : memref<1x128x64xf32, #tpu.memory_space<vmem>> -> memref<128x64xf32, #tpu.memory_space<vmem>>
      tpu.wait_dma2 semaphore(%arg16 : memref<!tpu.dma_semaphore, #tpu.memory_space<semaphore_mem>>) src(%dma_wait3A_1354 : memref<128x64xf32, #tpu.memory_space<vmem>>) dst(%dma_wait3A_1350 : memref<128x64xf32, #tpu.memory_space<hbm>>)
      %dma_start3A_1355 = arith.constant 1 : i32
      %dma_start3A_1356 = arith.constant 0 : i32
      %dma_start3A_1357 = arith.constant 0 : i32
      %dma_start3A_1358 = tpu.memref_slice %arg6[%dma_start3A_1355, %dma_start3A_1356, %dma_start3A_1357] : memref<8x128x64xf32, #tpu.memory_space<vmem>> -> memref<1x128x64xf32, #tpu.memory_space<vmem>>
      %dma_start3A_1359 = tpu.memref_squeeze %dma_start3A_1358 : memref<1x128x64xf32, #tpu.memory_space<vmem>> -> memref<128x64xf32, #tpu.memory_space<vmem>>
      %dma_start3A_1360 = arith.constant 0 : i32
      %dma_start3A_1361 = tpu.memref_slice %arg5[%add3A_1335, %dma_start3A_1360] : memref<200x128xi32, #tpu.memory_space<vmem>> -> memref<1x128xi32, #tpu.memory_space<vmem>>
      %dma_start3A_1362 = tpu.memref_squeeze %dma_start3A_1361 : memref<1x128xi32, #tpu.memory_space<vmem>> -> memref<128xi32, #tpu.memory_space<vmem>>
      %dma_start3A_1363 = arith.constant 0 : i32
      %dma_start3A_1364 = arith.constant 0 : i32
      %dma_start3A_1365 = tpu.memref_slice %arg3[%dma_start3A_1363, %dma_start3A_1364] : memref<1000000x64xf32, #tpu.memory_space<hbm>> -> memref<1000000x64xf32, #tpu.memory_space<hbm>>
      tpu.enqueue_indirect_dma source(%dma_start3A_1365 : memref<1000000x64xf32, #tpu.memory_space<hbm>>) target(%dma_start3A_1359 : memref<128x64xf32, #tpu.memory_space<vmem>>) offsets(%dma_start3A_1362 : memref<128xi32, #tpu.memory_space<vmem>>) semaphore(%arg8 : memref<!tpu.dma_semaphore, #tpu.memory_space<semaphore_mem>>)
      %mul3A_1366 = arith.constant 8 : i32
      %mul3A_1367 = arith.muli %scan3A_965, %mul3A_1366 : i32
      %add3A_1368 = arith.constant 6 : i32
      %add3A_1369 = arith.addi %mul3A_1367, %add3A_1368 : i32
      %dma_wait3A_1370 = arith.constant 6 : i32
      %dma_wait3A_1371 = arith.constant 0 : i32
      %dma_wait3A_1372 = arith.constant 0 : i32
      %dma_wait3A_1373 = tpu.memref_slice %arg6[%dma_wait3A_1370, %dma_wait3A_1371, %dma_wait3A_1372] : memref<8x128x64xf32, #tpu.memory_space<vmem>> -> memref<1x128x64xf32, #tpu.memory_space<vmem>>
      %dma_wait3A_1374 = tpu.memref_squeeze %dma_wait3A_1373 : memref<1x128x64xf32, #tpu.memory_space<vmem>> -> memref<128x64xf32, #tpu.memory_space<vmem>>
      %dma_wait3A_1375 = arith.constant 0 : i32
      %dma_wait3A_1376 = tpu.memref_slice %arg5[%add3A_1369, %dma_wait3A_1375] : memref<200x128xi32, #tpu.memory_space<vmem>> -> memref<1x128xi32, #tpu.memory_space<vmem>>
      %dma_wait3A_1377 = tpu.memref_squeeze %dma_wait3A_1376 : memref<1x128xi32, #tpu.memory_space<vmem>> -> memref<128xi32, #tpu.memory_space<vmem>>
      %dma_wait3A_1378 = arith.constant 0 : i32
      %dma_wait3A_1379 = arith.constant 0 : i32
      %dma_wait3A_1380 = tpu.memref_slice %arg3[%dma_wait3A_1378, %dma_wait3A_1379] : memref<1000000x64xf32, #tpu.memory_space<hbm>> -> memref<1000000x64xf32, #tpu.memory_space<hbm>>
      tpu.wait_indirect_dma semaphore(%arg13 : memref<!tpu.dma_semaphore, #tpu.memory_space<semaphore_mem>>) src(%dma_wait3A_1380 : memref<1000000x64xf32, #tpu.memory_space<hbm>>) dst(%dma_wait3A_1374 : memref<128x64xf32, #tpu.memory_space<vmem>>)
      %dma_start3A_1381 = arith.constant 6 : i32
      %dma_start3A_1382 = arith.constant 0 : i32
      %dma_start3A_1383 = arith.constant 0 : i32
      %dma_start3A_1384 = tpu.memref_slice %arg6[%dma_start3A_1381, %dma_start3A_1382, %dma_start3A_1383] : memref<8x128x64xf32, #tpu.memory_space<vmem>> -> memref<1x128x64xf32, #tpu.memory_space<vmem>>
      %dma_start3A_1385 = tpu.memref_squeeze %dma_start3A_1384 : memref<1x128x64xf32, #tpu.memory_space<vmem>> -> memref<128x64xf32, #tpu.memory_space<vmem>>
      %dma_start3A_1386 = arith.constant 0 : i32
      %dma_start3A_1387 = arith.constant 0 : i32
      %dma_start3A_1388 = tpu.memref_slice %arg4[%add3A, %add3A_1369, %dma_start3A_1386, %dma_start3A_1387] : memref<32x200x128x64xf32, #tpu.memory_space<hbm>> -> memref<1x1x128x64xf32, #tpu.memory_space<hbm>>
      %dma_start3A_1389 = tpu.memref_squeeze %dma_start3A_1388 : memref<1x1x128x64xf32, #tpu.memory_space<hbm>> -> memref<128x64xf32, #tpu.memory_space<hbm>>
      %dma_start3A_1390 = arith.constant 0 : i32
      %dma_start3A_1391 = arith.constant 0 : i32
      %dma_start3A_1392 = tpu.memref_slice %arg4[%add3A, %add3A_1369, %dma_start3A_1390, %dma_start3A_1391] : memref<32x200x128x64xf32, #tpu.memory_space<hbm>> -> memref<1x1x128x64xf32, #tpu.memory_space<hbm>>
      %dma_start3A_1393 = tpu.memref_squeeze %dma_start3A_1392 : memref<1x1x128x64xf32, #tpu.memory_space<hbm>> -> memref<128x64xf32, #tpu.memory_space<hbm>>
      %dma_start3A_1394 = arith.constant 0 : i32
      %dma_start3A_1395 = arith.constant 0 : i32
      %dma_start3A_1396 = tpu.memref_slice %arg6[%dma_start3A_1381, %dma_start3A_1394, %dma_start3A_1395] : memref<8x128x64xf32, #tpu.memory_space<vmem>> -> memref<1x128x64xf32, #tpu.memory_space<vmem>>
      %dma_start3A_1397 = tpu.memref_squeeze %dma_start3A_1396 : memref<1x128x64xf32, #tpu.memory_space<vmem>> -> memref<128x64xf32, #tpu.memory_space<vmem>>
      tpu.enqueue_dma source(%dma_start3A_1397 : memref<128x64xf32, #tpu.memory_space<vmem>>) target(%dma_start3A_1393 : memref<128x64xf32, #tpu.memory_space<hbm>>) target_semaphore(%arg21 : memref<!tpu.dma_semaphore, #tpu.memory_space<semaphore_mem>>)
      %add3A_1398 = arith.constant 1 : i32
      %add3A_1399 = arith.addi %scan3A_965, %add3A_1398 : i32
      %mul3A_1400 = arith.constant 8 : i32
      %mul3A_1401 = arith.muli %add3A_1399, %mul3A_1400 : i32
      %add3A_1402 = arith.constant 2 : i32
      %add3A_1403 = arith.addi %mul3A_1401, %add3A_1402 : i32
      %sub3A_1404 = arith.constant 8 : i32
      %sub3A_1405 = arith.subi %add3A_1403, %sub3A_1404 : i32
      %dma_wait3A_1406 = arith.constant 2 : i32
      %dma_wait3A_1407 = arith.constant 0 : i32
      %dma_wait3A_1408 = arith.constant 0 : i32
      %dma_wait3A_1409 = tpu.memref_slice %arg6[%dma_wait3A_1406, %dma_wait3A_1407, %dma_wait3A_1408] : memref<8x128x64xf32, #tpu.memory_space<vmem>> -> memref<1x128x64xf32, #tpu.memory_space<vmem>>
      %dma_wait3A_1410 = tpu.memref_squeeze %dma_wait3A_1409 : memref<1x128x64xf32, #tpu.memory_space<vmem>> -> memref<128x64xf32, #tpu.memory_space<vmem>>
      %dma_wait3A_1411 = arith.constant 0 : i32
      %dma_wait3A_1412 = arith.constant 0 : i32
      %dma_wait3A_1413 = tpu.memref_slice %arg4[%add3A, %sub3A_1405, %dma_wait3A_1411, %dma_wait3A_1412] : memref<32x200x128x64xf32, #tpu.memory_space<hbm>> -> memref<1x1x128x64xf32, #tpu.memory_space<hbm>>
      %dma_wait3A_1414 = tpu.memref_squeeze %dma_wait3A_1413 : memref<1x1x128x64xf32, #tpu.memory_space<hbm>> -> memref<128x64xf32, #tpu.memory_space<hbm>>
      %dma_wait3A_1415 = arith.constant 0 : i32
      %dma_wait3A_1416 = arith.constant 0 : i32
      %dma_wait3A_1417 = tpu.memref_slice %arg4[%add3A, %sub3A_1405, %dma_wait3A_1415, %dma_wait3A_1416] : memref<32x200x128x64xf32, #tpu.memory_space<hbm>> -> memref<1x1x128x64xf32, #tpu.memory_space<hbm>>
      %dma_wait3A_1418 = tpu.memref_squeeze %dma_wait3A_1417 : memref<1x1x128x64xf32, #tpu.memory_space<hbm>> -> memref<128x64xf32, #tpu.memory_space<hbm>>
      %dma_wait3A_1419 = arith.constant 0 : i32
      %dma_wait3A_1420 = arith.constant 0 : i32
      %dma_wait3A_1421 = tpu.memref_slice %arg6[%dma_wait3A_1406, %dma_wait3A_1419, %dma_wait3A_1420] : memref<8x128x64xf32, #tpu.memory_space<vmem>> -> memref<1x128x64xf32, #tpu.memory_space<vmem>>
      %dma_wait3A_1422 = tpu.memref_squeeze %dma_wait3A_1421 : memref<1x128x64xf32, #tpu.memory_space<vmem>> -> memref<128x64xf32, #tpu.memory_space<vmem>>
      tpu.wait_dma2 semaphore(%arg17 : memref<!tpu.dma_semaphore, #tpu.memory_space<semaphore_mem>>) src(%dma_wait3A_1422 : memref<128x64xf32, #tpu.memory_space<vmem>>) dst(%dma_wait3A_1418 : memref<128x64xf32, #tpu.memory_space<hbm>>)
      %dma_start3A_1423 = arith.constant 2 : i32
      %dma_start3A_1424 = arith.constant 0 : i32
      %dma_start3A_1425 = arith.constant 0 : i32
      %dma_start3A_1426 = tpu.memref_slice %arg6[%dma_start3A_1423, %dma_start3A_1424, %dma_start3A_1425] : memref<8x128x64xf32, #tpu.memory_space<vmem>> -> memref<1x128x64xf32, #tpu.memory_space<vmem>>
      %dma_start3A_1427 = tpu.memref_squeeze %dma_start3A_1426 : memref<1x128x64xf32, #tpu.memory_space<vmem>> -> memref<128x64xf32, #tpu.memory_space<vmem>>
      %dma_start3A_1428 = arith.constant 0 : i32
      %dma_start3A_1429 = tpu.memref_slice %arg5[%add3A_1403, %dma_start3A_1428] : memref<200x128xi32, #tpu.memory_space<vmem>> -> memref<1x128xi32, #tpu.memory_space<vmem>>
      %dma_start3A_1430 = tpu.memref_squeeze %dma_start3A_1429 : memref<1x128xi32, #tpu.memory_space<vmem>> -> memref<128xi32, #tpu.memory_space<vmem>>
      %dma_start3A_1431 = arith.constant 0 : i32
      %dma_start3A_1432 = arith.constant 0 : i32
      %dma_start3A_1433 = tpu.memref_slice %arg3[%dma_start3A_1431, %dma_start3A_1432] : memref<1000000x64xf32, #tpu.memory_space<hbm>> -> memref<1000000x64xf32, #tpu.memory_space<hbm>>
      tpu.enqueue_indirect_dma source(%dma_start3A_1433 : memref<1000000x64xf32, #tpu.memory_space<hbm>>) target(%dma_start3A_1427 : memref<128x64xf32, #tpu.memory_space<vmem>>) offsets(%dma_start3A_1430 : memref<128xi32, #tpu.memory_space<vmem>>) semaphore(%arg9 : memref<!tpu.dma_semaphore, #tpu.memory_space<semaphore_mem>>)
      %mul3A_1434 = arith.constant 8 : i32
      %mul3A_1435 = arith.muli %scan3A_965, %mul3A_1434 : i32
      %add3A_1436 = arith.constant 7 : i32
      %add3A_1437 = arith.addi %mul3A_1435, %add3A_1436 : i32
      %dma_wait3A_1438 = arith.constant 7 : i32
      %dma_wait3A_1439 = arith.constant 0 : i32
      %dma_wait3A_1440 = arith.constant 0 : i32
      %dma_wait3A_1441 = tpu.memref_slice %arg6[%dma_wait3A_1438, %dma_wait3A_1439, %dma_wait3A_1440] : memref<8x128x64xf32, #tpu.memory_space<vmem>> -> memref<1x128x64xf32, #tpu.memory_space<vmem>>
      %dma_wait3A_1442 = tpu.memref_squeeze %dma_wait3A_1441 : memref<1x128x64xf32, #tpu.memory_space<vmem>> -> memref<128x64xf32, #tpu.memory_space<vmem>>
      %dma_wait3A_1443 = arith.constant 0 : i32
      %dma_wait3A_1444 = tpu.memref_slice %arg5[%add3A_1437, %dma_wait3A_1443] : memref<200x128xi32, #tpu.memory_space<vmem>> -> memref<1x128xi32, #tpu.memory_space<vmem>>
      %dma_wait3A_1445 = tpu.memref_squeeze %dma_wait3A_1444 : memref<1x128xi32, #tpu.memory_space<vmem>> -> memref<128xi32, #tpu.memory_space<vmem>>
      %dma_wait3A_1446 = arith.constant 0 : i32
      %dma_wait3A_1447 = arith.constant 0 : i32
      %dma_wait3A_1448 = tpu.memref_slice %arg3[%dma_wait3A_1446, %dma_wait3A_1447] : memref<1000000x64xf32, #tpu.memory_space<hbm>> -> memref<1000000x64xf32, #tpu.memory_space<hbm>>
      tpu.wait_indirect_dma semaphore(%arg14 : memref<!tpu.dma_semaphore, #tpu.memory_space<semaphore_mem>>) src(%dma_wait3A_1448 : memref<1000000x64xf32, #tpu.memory_space<hbm>>) dst(%dma_wait3A_1442 : memref<128x64xf32, #tpu.memory_space<vmem>>)
      %dma_start3A_1449 = arith.constant 7 : i32
      %dma_start3A_1450 = arith.constant 0 : i32
      %dma_start3A_1451 = arith.constant 0 : i32
      %dma_start3A_1452 = tpu.memref_slice %arg6[%dma_start3A_1449, %dma_start3A_1450, %dma_start3A_1451] : memref<8x128x64xf32, #tpu.memory_space<vmem>> -> memref<1x128x64xf32, #tpu.memory_space<vmem>>
      %dma_start3A_1453 = tpu.memref_squeeze %dma_start3A_1452 : memref<1x128x64xf32, #tpu.memory_space<vmem>> -> memref<128x64xf32, #tpu.memory_space<vmem>>
      %dma_start3A_1454 = arith.constant 0 : i32
      %dma_start3A_1455 = arith.constant 0 : i32
      %dma_start3A_1456 = tpu.memref_slice %arg4[%add3A, %add3A_1437, %dma_start3A_1454, %dma_start3A_1455] : memref<32x200x128x64xf32, #tpu.memory_space<hbm>> -> memref<1x1x128x64xf32, #tpu.memory_space<hbm>>
      %dma_start3A_1457 = tpu.memref_squeeze %dma_start3A_1456 : memref<1x1x128x64xf32, #tpu.memory_space<hbm>> -> memref<128x64xf32, #tpu.memory_space<hbm>>
      %dma_start3A_1458 = arith.constant 0 : i32
      %dma_start3A_1459 = arith.constant 0 : i32
      %dma_start3A_1460 = tpu.memref_slice %arg4[%add3A, %add3A_1437, %dma_start3A_1458, %dma_start3A_1459] : memref<32x200x128x64xf32, #tpu.memory_space<hbm>> -> memref<1x1x128x64xf32, #tpu.memory_space<hbm>>
      %dma_start3A_1461 = tpu.memref_squeeze %dma_start3A_1460 : memref<1x1x128x64xf32, #tpu.memory_space<hbm>> -> memref<128x64xf32, #tpu.memory_space<hbm>>
      %dma_start3A_1462 = arith.constant 0 : i32
      %dma_start3A_1463 = arith.constant 0 : i32
      %dma_start3A_1464 = tpu.memref_slice %arg6[%dma_start3A_1449, %dma_start3A_1462, %dma_start3A_1463] : memref<8x128x64xf32, #tpu.memory_space<vmem>> -> memref<1x128x64xf32, #tpu.memory_space<vmem>>
      %dma_start3A_1465 = tpu.memref_squeeze %dma_start3A_1464 : memref<1x128x64xf32, #tpu.memory_space<vmem>> -> memref<128x64xf32, #tpu.memory_space<vmem>>
      tpu.enqueue_dma source(%dma_start3A_1465 : memref<128x64xf32, #tpu.memory_space<vmem>>) target(%dma_start3A_1461 : memref<128x64xf32, #tpu.memory_space<hbm>>) target_semaphore(%arg22 : memref<!tpu.dma_semaphore, #tpu.memory_space<semaphore_mem>>)
      %add3A_1466 = arith.constant 1 : i32
      %add3A_1467 = arith.addi %scan3A_965, %add3A_1466 : i32
      %mul3A_1468 = arith.constant 8 : i32
      %mul3A_1469 = arith.muli %add3A_1467, %mul3A_1468 : i32
      %add3A_1470 = arith.constant 3 : i32
      %add3A_1471 = arith.addi %mul3A_1469, %add3A_1470 : i32
      %sub3A_1472 = arith.constant 8 : i32
      %sub3A_1473 = arith.subi %add3A_1471, %sub3A_1472 : i32
      %dma_wait3A_1474 = arith.constant 3 : i32
      %dma_wait3A_1475 = arith.constant 0 : i32
      %dma_wait3A_1476 = arith.constant 0 : i32
      %dma_wait3A_1477 = tpu.memref_slice %arg6[%dma_wait3A_1474, %dma_wait3A_1475, %dma_wait3A_1476] : memref<8x128x64xf32, #tpu.memory_space<vmem>> -> memref<1x128x64xf32, #tpu.memory_space<vmem>>
      %dma_wait3A_1478 = tpu.memref_squeeze %dma_wait3A_1477 : memref<1x128x64xf32, #tpu.memory_space<vmem>> -> memref<128x64xf32, #tpu.memory_space<vmem>>
      %dma_wait3A_1479 = arith.constant 0 : i32
      %dma_wait3A_1480 = arith.constant 0 : i32
      %dma_wait3A_1481 = tpu.memref_slice %arg4[%add3A, %sub3A_1473, %dma_wait3A_1479, %dma_wait3A_1480] : memref<32x200x128x64xf32, #tpu.memory_space<hbm>> -> memref<1x1x128x64xf32, #tpu.memory_space<hbm>>
      %dma_wait3A_1482 = tpu.memref_squeeze %dma_wait3A_1481 : memref<1x1x128x64xf32, #tpu.memory_space<hbm>> -> memref<128x64xf32, #tpu.memory_space<hbm>>
      %dma_wait3A_1483 = arith.constant 0 : i32
      %dma_wait3A_1484 = arith.constant 0 : i32
      %dma_wait3A_1485 = tpu.memref_slice %arg4[%add3A, %sub3A_1473, %dma_wait3A_1483, %dma_wait3A_1484] : memref<32x200x128x64xf32, #tpu.memory_space<hbm>> -> memref<1x1x128x64xf32, #tpu.memory_space<hbm>>
      %dma_wait3A_1486 = tpu.memref_squeeze %dma_wait3A_1485 : memref<1x1x128x64xf32, #tpu.memory_space<hbm>> -> memref<128x64xf32, #tpu.memory_space<hbm>>
      %dma_wait3A_1487 = arith.constant 0 : i32
      %dma_wait3A_1488 = arith.constant 0 : i32
      %dma_wait3A_1489 = tpu.memref_slice %arg6[%dma_wait3A_1474, %dma_wait3A_1487, %dma_wait3A_1488] : memref<8x128x64xf32, #tpu.memory_space<vmem>> -> memref<1x128x64xf32, #tpu.memory_space<vmem>>
      %dma_wait3A_1490 = tpu.memref_squeeze %dma_wait3A_1489 : memref<1x128x64xf32, #tpu.memory_space<vmem>> -> memref<128x64xf32, #tpu.memory_space<vmem>>
      tpu.wait_dma2 semaphore(%arg18 : memref<!tpu.dma_semaphore, #tpu.memory_space<semaphore_mem>>) src(%dma_wait3A_1490 : memref<128x64xf32, #tpu.memory_space<vmem>>) dst(%dma_wait3A_1486 : memref<128x64xf32, #tpu.memory_space<hbm>>)
      %dma_start3A_1491 = arith.constant 3 : i32
      %dma_start3A_1492 = arith.constant 0 : i32
      %dma_start3A_1493 = arith.constant 0 : i32
      %dma_start3A_1494 = tpu.memref_slice %arg6[%dma_start3A_1491, %dma_start3A_1492, %dma_start3A_1493] : memref<8x128x64xf32, #tpu.memory_space<vmem>> -> memref<1x128x64xf32, #tpu.memory_space<vmem>>
      %dma_start3A_1495 = tpu.memref_squeeze %dma_start3A_1494 : memref<1x128x64xf32, #tpu.memory_space<vmem>> -> memref<128x64xf32, #tpu.memory_space<vmem>>
      %dma_start3A_1496 = arith.constant 0 : i32
      %dma_start3A_1497 = tpu.memref_slice %arg5[%add3A_1471, %dma_start3A_1496] : memref<200x128xi32, #tpu.memory_space<vmem>> -> memref<1x128xi32, #tpu.memory_space<vmem>>
      %dma_start3A_1498 = tpu.memref_squeeze %dma_start3A_1497 : memref<1x128xi32, #tpu.memory_space<vmem>> -> memref<128xi32, #tpu.memory_space<vmem>>
      %dma_start3A_1499 = arith.constant 0 : i32
      %dma_start3A_1500 = arith.constant 0 : i32
      %dma_start3A_1501 = tpu.memref_slice %arg3[%dma_start3A_1499, %dma_start3A_1500] : memref<1000000x64xf32, #tpu.memory_space<hbm>> -> memref<1000000x64xf32, #tpu.memory_space<hbm>>
      tpu.enqueue_indirect_dma source(%dma_start3A_1501 : memref<1000000x64xf32, #tpu.memory_space<hbm>>) target(%dma_start3A_1495 : memref<128x64xf32, #tpu.memory_space<vmem>>) offsets(%dma_start3A_1498 : memref<128xi32, #tpu.memory_space<vmem>>) semaphore(%arg10 : memref<!tpu.dma_semaphore, #tpu.memory_space<semaphore_mem>>)
      %scan3A_1502 = arith.constant 0 : i32
      scf.yield %scan3A_1502 : i32
    }
    %scan3A_460 = arith.constant 23 : i32
    %dma_wait3A_461 = arith.constant 192 : i32
    %dma_wait3A_462 = arith.constant 0 : i32
    %dma_wait3A_463 = arith.constant 0 : i32
    %dma_wait3A_464 = arith.constant 0 : i32
    %dma_wait3A_465 = tpu.memref_slice %arg6[%dma_wait3A_462, %dma_wait3A_463, %dma_wait3A_464] : memref<8x128x64xf32, #tpu.memory_space<vmem>> -> memref<1x128x64xf32, #tpu.memory_space<vmem>>
    %dma_wait3A_466 = tpu.memref_squeeze %dma_wait3A_465 : memref<1x128x64xf32, #tpu.memory_space<vmem>> -> memref<128x64xf32, #tpu.memory_space<vmem>>
    %dma_wait3A_467 = arith.constant 0 : i32
    %dma_wait3A_468 = tpu.memref_slice %arg5[%dma_wait3A_461, %dma_wait3A_467] : memref<200x128xi32, #tpu.memory_space<vmem>> -> memref<1x128xi32, #tpu.memory_space<vmem>>
    %dma_wait3A_469 = tpu.memref_squeeze %dma_wait3A_468 : memref<1x128xi32, #tpu.memory_space<vmem>> -> memref<128xi32, #tpu.memory_space<vmem>>
    %dma_wait3A_470 = arith.constant 0 : i32
    %dma_wait3A_471 = arith.constant 0 : i32
    %dma_wait3A_472 = tpu.memref_slice %arg3[%dma_wait3A_470, %dma_wait3A_471] : memref<1000000x64xf32, #tpu.memory_space<hbm>> -> memref<1000000x64xf32, #tpu.memory_space<hbm>>
    tpu.wait_indirect_dma semaphore(%arg7 : memref<!tpu.dma_semaphore, #tpu.memory_space<semaphore_mem>>) src(%dma_wait3A_472 : memref<1000000x64xf32, #tpu.memory_space<hbm>>) dst(%dma_wait3A_466 : memref<128x64xf32, #tpu.memory_space<vmem>>)
    %dma_start3A_473 = arith.constant 0 : i32
    %dma_start3A_474 = arith.constant 192 : i32
    %dma_start3A_475 = arith.constant 0 : i32
    %dma_start3A_476 = arith.constant 0 : i32
    %dma_start3A_477 = tpu.memref_slice %arg6[%dma_start3A_473, %dma_start3A_475, %dma_start3A_476] : memref<8x128x64xf32, #tpu.memory_space<vmem>> -> memref<1x128x64xf32, #tpu.memory_space<vmem>>
    %dma_start3A_478 = tpu.memref_squeeze %dma_start3A_477 : memref<1x128x64xf32, #tpu.memory_space<vmem>> -> memref<128x64xf32, #tpu.memory_space<vmem>>
    %dma_start3A_479 = arith.constant 0 : i32
    %dma_start3A_480 = arith.constant 0 : i32
    %dma_start3A_481 = tpu.memref_slice %arg4[%add3A, %dma_start3A_474, %dma_start3A_479, %dma_start3A_480] : memref<32x200x128x64xf32, #tpu.memory_space<hbm>> -> memref<1x1x128x64xf32, #tpu.memory_space<hbm>>
    %dma_start3A_482 = tpu.memref_squeeze %dma_start3A_481 : memref<1x1x128x64xf32, #tpu.memory_space<hbm>> -> memref<128x64xf32, #tpu.memory_space<hbm>>
    %dma_start3A_483 = arith.constant 0 : i32
    %dma_start3A_484 = arith.constant 0 : i32
    %dma_start3A_485 = tpu.memref_slice %arg4[%add3A, %dma_start3A_474, %dma_start3A_483, %dma_start3A_484] : memref<32x200x128x64xf32, #tpu.memory_space<hbm>> -> memref<1x1x128x64xf32, #tpu.memory_space<hbm>>
    %dma_start3A_486 = tpu.memref_squeeze %dma_start3A_485 : memref<1x1x128x64xf32, #tpu.memory_space<hbm>> -> memref<128x64xf32, #tpu.memory_space<hbm>>
    %dma_start3A_487 = arith.constant 0 : i32
    %dma_start3A_488 = arith.constant 0 : i32
    %dma_start3A_489 = tpu.memref_slice %arg6[%dma_start3A_473, %dma_start3A_487, %dma_start3A_488] : memref<8x128x64xf32, #tpu.memory_space<vmem>> -> memref<1x128x64xf32, #tpu.memory_space<vmem>>
    %dma_start3A_490 = tpu.memref_squeeze %dma_start3A_489 : memref<1x128x64xf32, #tpu.memory_space<vmem>> -> memref<128x64xf32, #tpu.memory_space<vmem>>
    tpu.enqueue_dma source(%dma_start3A_490 : memref<128x64xf32, #tpu.memory_space<vmem>>) target(%dma_start3A_486 : memref<128x64xf32, #tpu.memory_space<hbm>>) target_semaphore(%arg15 : memref<!tpu.dma_semaphore, #tpu.memory_space<semaphore_mem>>)
    %dma_wait3A_491 = arith.constant 4 : i32
    %dma_wait3A_492 = arith.constant 188 : i32
    %dma_wait3A_493 = arith.constant 0 : i32
    %dma_wait3A_494 = arith.constant 0 : i32
    %dma_wait3A_495 = tpu.memref_slice %arg6[%dma_wait3A_491, %dma_wait3A_493, %dma_wait3A_494] : memref<8x128x64xf32, #tpu.memory_space<vmem>> -> memref<1x128x64xf32, #tpu.memory_space<vmem>>
    %dma_wait3A_496 = tpu.memref_squeeze %dma_wait3A_495 : memref<1x128x64xf32, #tpu.memory_space<vmem>> -> memref<128x64xf32, #tpu.memory_space<vmem>>
    %dma_wait3A_497 = arith.constant 0 : i32
    %dma_wait3A_498 = arith.constant 0 : i32
    %dma_wait3A_499 = tpu.memref_slice %arg4[%add3A, %dma_wait3A_492, %dma_wait3A_497, %dma_wait3A_498] : memref<32x200x128x64xf32, #tpu.memory_space<hbm>> -> memref<1x1x128x64xf32, #tpu.memory_space<hbm>>
    %dma_wait3A_500 = tpu.memref_squeeze %dma_wait3A_499 : memref<1x1x128x64xf32, #tpu.memory_space<hbm>> -> memref<128x64xf32, #tpu.memory_space<hbm>>
    %dma_wait3A_501 = arith.constant 0 : i32
    %dma_wait3A_502 = arith.constant 0 : i32
    %dma_wait3A_503 = tpu.memref_slice %arg4[%add3A, %dma_wait3A_492, %dma_wait3A_501, %dma_wait3A_502] : memref<32x200x128x64xf32, #tpu.memory_space<hbm>> -> memref<1x1x128x64xf32, #tpu.memory_space<hbm>>
    %dma_wait3A_504 = tpu.memref_squeeze %dma_wait3A_503 : memref<1x1x128x64xf32, #tpu.memory_space<hbm>> -> memref<128x64xf32, #tpu.memory_space<hbm>>
    %dma_wait3A_505 = arith.constant 0 : i32
    %dma_wait3A_506 = arith.constant 0 : i32
    %dma_wait3A_507 = tpu.memref_slice %arg6[%dma_wait3A_491, %dma_wait3A_505, %dma_wait3A_506] : memref<8x128x64xf32, #tpu.memory_space<vmem>> -> memref<1x128x64xf32, #tpu.memory_space<vmem>>
    %dma_wait3A_508 = tpu.memref_squeeze %dma_wait3A_507 : memref<1x128x64xf32, #tpu.memory_space<vmem>> -> memref<128x64xf32, #tpu.memory_space<vmem>>
    tpu.wait_dma2 semaphore(%arg19 : memref<!tpu.dma_semaphore, #tpu.memory_space<semaphore_mem>>) src(%dma_wait3A_508 : memref<128x64xf32, #tpu.memory_space<vmem>>) dst(%dma_wait3A_504 : memref<128x64xf32, #tpu.memory_space<hbm>>)
    %dma_start3A_509 = arith.constant 196 : i32
    %dma_start3A_510 = arith.constant 4 : i32
    %dma_start3A_511 = arith.constant 0 : i32
    %dma_start3A_512 = arith.constant 0 : i32
    %dma_start3A_513 = tpu.memref_slice %arg6[%dma_start3A_510, %dma_start3A_511, %dma_start3A_512] : memref<8x128x64xf32, #tpu.memory_space<vmem>> -> memref<1x128x64xf32, #tpu.memory_space<vmem>>
    %dma_start3A_514 = tpu.memref_squeeze %dma_start3A_513 : memref<1x128x64xf32, #tpu.memory_space<vmem>> -> memref<128x64xf32, #tpu.memory_space<vmem>>
    %dma_start3A_515 = arith.constant 0 : i32
    %dma_start3A_516 = tpu.memref_slice %arg5[%dma_start3A_509, %dma_start3A_515] : memref<200x128xi32, #tpu.memory_space<vmem>> -> memref<1x128xi32, #tpu.memory_space<vmem>>
    %dma_start3A_517 = tpu.memref_squeeze %dma_start3A_516 : memref<1x128xi32, #tpu.memory_space<vmem>> -> memref<128xi32, #tpu.memory_space<vmem>>
    %dma_start3A_518 = arith.constant 0 : i32
    %dma_start3A_519 = arith.constant 0 : i32
    %dma_start3A_520 = tpu.memref_slice %arg3[%dma_start3A_518, %dma_start3A_519] : memref<1000000x64xf32, #tpu.memory_space<hbm>> -> memref<1000000x64xf32, #tpu.memory_space<hbm>>
    tpu.enqueue_indirect_dma source(%dma_start3A_520 : memref<1000000x64xf32, #tpu.memory_space<hbm>>) target(%dma_start3A_514 : memref<128x64xf32, #tpu.memory_space<vmem>>) offsets(%dma_start3A_517 : memref<128xi32, #tpu.memory_space<vmem>>) semaphore(%arg11 : memref<!tpu.dma_semaphore, #tpu.memory_space<semaphore_mem>>)
    %dma_wait3A_521 = arith.constant 193 : i32
    %dma_wait3A_522 = arith.constant 1 : i32
    %dma_wait3A_523 = arith.constant 0 : i32
    %dma_wait3A_524 = arith.constant 0 : i32
    %dma_wait3A_525 = tpu.memref_slice %arg6[%dma_wait3A_522, %dma_wait3A_523, %dma_wait3A_524] : memref<8x128x64xf32, #tpu.memory_space<vmem>> -> memref<1x128x64xf32, #tpu.memory_space<vmem>>
    %dma_wait3A_526 = tpu.memref_squeeze %dma_wait3A_525 : memref<1x128x64xf32, #tpu.memory_space<vmem>> -> memref<128x64xf32, #tpu.memory_space<vmem>>
    %dma_wait3A_527 = arith.constant 0 : i32
    %dma_wait3A_528 = tpu.memref_slice %arg5[%dma_wait3A_521, %dma_wait3A_527] : memref<200x128xi32, #tpu.memory_space<vmem>> -> memref<1x128xi32, #tpu.memory_space<vmem>>
    %dma_wait3A_529 = tpu.memref_squeeze %dma_wait3A_528 : memref<1x128xi32, #tpu.memory_space<vmem>> -> memref<128xi32, #tpu.memory_space<vmem>>
    %dma_wait3A_530 = arith.constant 0 : i32
    %dma_wait3A_531 = arith.constant 0 : i32
    %dma_wait3A_532 = tpu.memref_slice %arg3[%dma_wait3A_530, %dma_wait3A_531] : memref<1000000x64xf32, #tpu.memory_space<hbm>> -> memref<1000000x64xf32, #tpu.memory_space<hbm>>
    tpu.wait_indirect_dma semaphore(%arg8 : memref<!tpu.dma_semaphore, #tpu.memory_space<semaphore_mem>>) src(%dma_wait3A_532 : memref<1000000x64xf32, #tpu.memory_space<hbm>>) dst(%dma_wait3A_526 : memref<128x64xf32, #tpu.memory_space<vmem>>)
    %dma_start3A_533 = arith.constant 1 : i32
    %dma_start3A_534 = arith.constant 193 : i32
    %dma_start3A_535 = arith.constant 0 : i32
    %dma_start3A_536 = arith.constant 0 : i32
    %dma_start3A_537 = tpu.memref_slice %arg6[%dma_start3A_533, %dma_start3A_535, %dma_start3A_536] : memref<8x128x64xf32, #tpu.memory_space<vmem>> -> memref<1x128x64xf32, #tpu.memory_space<vmem>>
    %dma_start3A_538 = tpu.memref_squeeze %dma_start3A_537 : memref<1x128x64xf32, #tpu.memory_space<vmem>> -> memref<128x64xf32, #tpu.memory_space<vmem>>
    %dma_start3A_539 = arith.constant 0 : i32
    %dma_start3A_540 = arith.constant 0 : i32
    %dma_start3A_541 = tpu.memref_slice %arg4[%add3A, %dma_start3A_534, %dma_start3A_539, %dma_start3A_540] : memref<32x200x128x64xf32, #tpu.memory_space<hbm>> -> memref<1x1x128x64xf32, #tpu.memory_space<hbm>>
    %dma_start3A_542 = tpu.memref_squeeze %dma_start3A_541 : memref<1x1x128x64xf32, #tpu.memory_space<hbm>> -> memref<128x64xf32, #tpu.memory_space<hbm>>
    %dma_start3A_543 = arith.constant 0 : i32
    %dma_start3A_544 = arith.constant 0 : i32
    %dma_start3A_545 = tpu.memref_slice %arg4[%add3A, %dma_start3A_534, %dma_start3A_543, %dma_start3A_544] : memref<32x200x128x64xf32, #tpu.memory_space<hbm>> -> memref<1x1x128x64xf32, #tpu.memory_space<hbm>>
    %dma_start3A_546 = tpu.memref_squeeze %dma_start3A_545 : memref<1x1x128x64xf32, #tpu.memory_space<hbm>> -> memref<128x64xf32, #tpu.memory_space<hbm>>
    %dma_start3A_547 = arith.constant 0 : i32
    %dma_start3A_548 = arith.constant 0 : i32
    %dma_start3A_549 = tpu.memref_slice %arg6[%dma_start3A_533, %dma_start3A_547, %dma_start3A_548] : memref<8x128x64xf32, #tpu.memory_space<vmem>> -> memref<1x128x64xf32, #tpu.memory_space<vmem>>
    %dma_start3A_550 = tpu.memref_squeeze %dma_start3A_549 : memref<1x128x64xf32, #tpu.memory_space<vmem>> -> memref<128x64xf32, #tpu.memory_space<vmem>>
    tpu.enqueue_dma source(%dma_start3A_550 : memref<128x64xf32, #tpu.memory_space<vmem>>) target(%dma_start3A_546 : memref<128x64xf32, #tpu.memory_space<hbm>>) target_semaphore(%arg16 : memref<!tpu.dma_semaphore, #tpu.memory_space<semaphore_mem>>)
    %dma_wait3A_551 = arith.constant 5 : i32
    %dma_wait3A_552 = arith.constant 189 : i32
    %dma_wait3A_553 = arith.constant 0 : i32
    %dma_wait3A_554 = arith.constant 0 : i32
    %dma_wait3A_555 = tpu.memref_slice %arg6[%dma_wait3A_551, %dma_wait3A_553, %dma_wait3A_554] : memref<8x128x64xf32, #tpu.memory_space<vmem>> -> memref<1x128x64xf32, #tpu.memory_space<vmem>>
    %dma_wait3A_556 = tpu.memref_squeeze %dma_wait3A_555 : memref<1x128x64xf32, #tpu.memory_space<vmem>> -> memref<128x64xf32, #tpu.memory_space<vmem>>
    %dma_wait3A_557 = arith.constant 0 : i32
    %dma_wait3A_558 = arith.constant 0 : i32
    %dma_wait3A_559 = tpu.memref_slice %arg4[%add3A, %dma_wait3A_552, %dma_wait3A_557, %dma_wait3A_558] : memref<32x200x128x64xf32, #tpu.memory_space<hbm>> -> memref<1x1x128x64xf32, #tpu.memory_space<hbm>>
    %dma_wait3A_560 = tpu.memref_squeeze %dma_wait3A_559 : memref<1x1x128x64xf32, #tpu.memory_space<hbm>> -> memref<128x64xf32, #tpu.memory_space<hbm>>
    %dma_wait3A_561 = arith.constant 0 : i32
    %dma_wait3A_562 = arith.constant 0 : i32
    %dma_wait3A_563 = tpu.memref_slice %arg4[%add3A, %dma_wait3A_552, %dma_wait3A_561, %dma_wait3A_562] : memref<32x200x128x64xf32, #tpu.memory_space<hbm>> -> memref<1x1x128x64xf32, #tpu.memory_space<hbm>>
    %dma_wait3A_564 = tpu.memref_squeeze %dma_wait3A_563 : memref<1x1x128x64xf32, #tpu.memory_space<hbm>> -> memref<128x64xf32, #tpu.memory_space<hbm>>
    %dma_wait3A_565 = arith.constant 0 : i32
    %dma_wait3A_566 = arith.constant 0 : i32
    %dma_wait3A_567 = tpu.memref_slice %arg6[%dma_wait3A_551, %dma_wait3A_565, %dma_wait3A_566] : memref<8x128x64xf32, #tpu.memory_space<vmem>> -> memref<1x128x64xf32, #tpu.memory_space<vmem>>
    %dma_wait3A_568 = tpu.memref_squeeze %dma_wait3A_567 : memref<1x128x64xf32, #tpu.memory_space<vmem>> -> memref<128x64xf32, #tpu.memory_space<vmem>>
    tpu.wait_dma2 semaphore(%arg20 : memref<!tpu.dma_semaphore, #tpu.memory_space<semaphore_mem>>) src(%dma_wait3A_568 : memref<128x64xf32, #tpu.memory_space<vmem>>) dst(%dma_wait3A_564 : memref<128x64xf32, #tpu.memory_space<hbm>>)
    %dma_start3A_569 = arith.constant 197 : i32
    %dma_start3A_570 = arith.constant 5 : i32
    %dma_start3A_571 = arith.constant 0 : i32
    %dma_start3A_572 = arith.constant 0 : i32
    %dma_start3A_573 = tpu.memref_slice %arg6[%dma_start3A_570, %dma_start3A_571, %dma_start3A_572] : memref<8x128x64xf32, #tpu.memory_space<vmem>> -> memref<1x128x64xf32, #tpu.memory_space<vmem>>
    %dma_start3A_574 = tpu.memref_squeeze %dma_start3A_573 : memref<1x128x64xf32, #tpu.memory_space<vmem>> -> memref<128x64xf32, #tpu.memory_space<vmem>>
    %dma_start3A_575 = arith.constant 0 : i32
    %dma_start3A_576 = tpu.memref_slice %arg5[%dma_start3A_569, %dma_start3A_575] : memref<200x128xi32, #tpu.memory_space<vmem>> -> memref<1x128xi32, #tpu.memory_space<vmem>>
    %dma_start3A_577 = tpu.memref_squeeze %dma_start3A_576 : memref<1x128xi32, #tpu.memory_space<vmem>> -> memref<128xi32, #tpu.memory_space<vmem>>
    %dma_start3A_578 = arith.constant 0 : i32
    %dma_start3A_579 = arith.constant 0 : i32
    %dma_start3A_580 = tpu.memref_slice %arg3[%dma_start3A_578, %dma_start3A_579] : memref<1000000x64xf32, #tpu.memory_space<hbm>> -> memref<1000000x64xf32, #tpu.memory_space<hbm>>
    tpu.enqueue_indirect_dma source(%dma_start3A_580 : memref<1000000x64xf32, #tpu.memory_space<hbm>>) target(%dma_start3A_574 : memref<128x64xf32, #tpu.memory_space<vmem>>) offsets(%dma_start3A_577 : memref<128xi32, #tpu.memory_space<vmem>>) semaphore(%arg12 : memref<!tpu.dma_semaphore, #tpu.memory_space<semaphore_mem>>)
    %dma_wait3A_581 = arith.constant 194 : i32
    %dma_wait3A_582 = arith.constant 2 : i32
    %dma_wait3A_583 = arith.constant 0 : i32
    %dma_wait3A_584 = arith.constant 0 : i32
    %dma_wait3A_585 = tpu.memref_slice %arg6[%dma_wait3A_582, %dma_wait3A_583, %dma_wait3A_584] : memref<8x128x64xf32, #tpu.memory_space<vmem>> -> memref<1x128x64xf32, #tpu.memory_space<vmem>>
    %dma_wait3A_586 = tpu.memref_squeeze %dma_wait3A_585 : memref<1x128x64xf32, #tpu.memory_space<vmem>> -> memref<128x64xf32, #tpu.memory_space<vmem>>
    %dma_wait3A_587 = arith.constant 0 : i32
    %dma_wait3A_588 = tpu.memref_slice %arg5[%dma_wait3A_581, %dma_wait3A_587] : memref<200x128xi32, #tpu.memory_space<vmem>> -> memref<1x128xi32, #tpu.memory_space<vmem>>
    %dma_wait3A_589 = tpu.memref_squeeze %dma_wait3A_588 : memref<1x128xi32, #tpu.memory_space<vmem>> -> memref<128xi32, #tpu.memory_space<vmem>>
    %dma_wait3A_590 = arith.constant 0 : i32
    %dma_wait3A_591 = arith.constant 0 : i32
    %dma_wait3A_592 = tpu.memref_slice %arg3[%dma_wait3A_590, %dma_wait3A_591] : memref<1000000x64xf32, #tpu.memory_space<hbm>> -> memref<1000000x64xf32, #tpu.memory_space<hbm>>
    tpu.wait_indirect_dma semaphore(%arg9 : memref<!tpu.dma_semaphore, #tpu.memory_space<semaphore_mem>>) src(%dma_wait3A_592 : memref<1000000x64xf32, #tpu.memory_space<hbm>>) dst(%dma_wait3A_586 : memref<128x64xf32, #tpu.memory_space<vmem>>)
    %dma_start3A_593 = arith.constant 2 : i32
    %dma_start3A_594 = arith.constant 194 : i32
    %dma_start3A_595 = arith.constant 0 : i32
    %dma_start3A_596 = arith.constant 0 : i32
    %dma_start3A_597 = tpu.memref_slice %arg6[%dma_start3A_593, %dma_start3A_595, %dma_start3A_596] : memref<8x128x64xf32, #tpu.memory_space<vmem>> -> memref<1x128x64xf32, #tpu.memory_space<vmem>>
    %dma_start3A_598 = tpu.memref_squeeze %dma_start3A_597 : memref<1x128x64xf32, #tpu.memory_space<vmem>> -> memref<128x64xf32, #tpu.memory_space<vmem>>
    %dma_start3A_599 = arith.constant 0 : i32
    %dma_start3A_600 = arith.constant 0 : i32
    %dma_start3A_601 = tpu.memref_slice %arg4[%add3A, %dma_start3A_594, %dma_start3A_599, %dma_start3A_600] : memref<32x200x128x64xf32, #tpu.memory_space<hbm>> -> memref<1x1x128x64xf32, #tpu.memory_space<hbm>>
    %dma_start3A_602 = tpu.memref_squeeze %dma_start3A_601 : memref<1x1x128x64xf32, #tpu.memory_space<hbm>> -> memref<128x64xf32, #tpu.memory_space<hbm>>
    %dma_start3A_603 = arith.constant 0 : i32
    %dma_start3A_604 = arith.constant 0 : i32
    %dma_start3A_605 = tpu.memref_slice %arg4[%add3A, %dma_start3A_594, %dma_start3A_603, %dma_start3A_604] : memref<32x200x128x64xf32, #tpu.memory_space<hbm>> -> memref<1x1x128x64xf32, #tpu.memory_space<hbm>>
    %dma_start3A_606 = tpu.memref_squeeze %dma_start3A_605 : memref<1x1x128x64xf32, #tpu.memory_space<hbm>> -> memref<128x64xf32, #tpu.memory_space<hbm>>
    %dma_start3A_607 = arith.constant 0 : i32
    %dma_start3A_608 = arith.constant 0 : i32
    %dma_start3A_609 = tpu.memref_slice %arg6[%dma_start3A_593, %dma_start3A_607, %dma_start3A_608] : memref<8x128x64xf32, #tpu.memory_space<vmem>> -> memref<1x128x64xf32, #tpu.memory_space<vmem>>
    %dma_start3A_610 = tpu.memref_squeeze %dma_start3A_609 : memref<1x128x64xf32, #tpu.memory_space<vmem>> -> memref<128x64xf32, #tpu.memory_space<vmem>>
    tpu.enqueue_dma source(%dma_start3A_610 : memref<128x64xf32, #tpu.memory_space<vmem>>) target(%dma_start3A_606 : memref<128x64xf32, #tpu.memory_space<hbm>>) target_semaphore(%arg17 : memref<!tpu.dma_semaphore, #tpu.memory_space<semaphore_mem>>)
    %dma_wait3A_611 = arith.constant 6 : i32
    %dma_wait3A_612 = arith.constant 190 : i32
    %dma_wait3A_613 = arith.constant 0 : i32
    %dma_wait3A_614 = arith.constant 0 : i32
    %dma_wait3A_615 = tpu.memref_slice %arg6[%dma_wait3A_611, %dma_wait3A_613, %dma_wait3A_614] : memref<8x128x64xf32, #tpu.memory_space<vmem>> -> memref<1x128x64xf32, #tpu.memory_space<vmem>>
    %dma_wait3A_616 = tpu.memref_squeeze %dma_wait3A_615 : memref<1x128x64xf32, #tpu.memory_space<vmem>> -> memref<128x64xf32, #tpu.memory_space<vmem>>
    %dma_wait3A_617 = arith.constant 0 : i32
    %dma_wait3A_618 = arith.constant 0 : i32
    %dma_wait3A_619 = tpu.memref_slice %arg4[%add3A, %dma_wait3A_612, %dma_wait3A_617, %dma_wait3A_618] : memref<32x200x128x64xf32, #tpu.memory_space<hbm>> -> memref<1x1x128x64xf32, #tpu.memory_space<hbm>>
    %dma_wait3A_620 = tpu.memref_squeeze %dma_wait3A_619 : memref<1x1x128x64xf32, #tpu.memory_space<hbm>> -> memref<128x64xf32, #tpu.memory_space<hbm>>
    %dma_wait3A_621 = arith.constant 0 : i32
    %dma_wait3A_622 = arith.constant 0 : i32
    %dma_wait3A_623 = tpu.memref_slice %arg4[%add3A, %dma_wait3A_612, %dma_wait3A_621, %dma_wait3A_622] : memref<32x200x128x64xf32, #tpu.memory_space<hbm>> -> memref<1x1x128x64xf32, #tpu.memory_space<hbm>>
    %dma_wait3A_624 = tpu.memref_squeeze %dma_wait3A_623 : memref<1x1x128x64xf32, #tpu.memory_space<hbm>> -> memref<128x64xf32, #tpu.memory_space<hbm>>
    %dma_wait3A_625 = arith.constant 0 : i32
    %dma_wait3A_626 = arith.constant 0 : i32
    %dma_wait3A_627 = tpu.memref_slice %arg6[%dma_wait3A_611, %dma_wait3A_625, %dma_wait3A_626] : memref<8x128x64xf32, #tpu.memory_space<vmem>> -> memref<1x128x64xf32, #tpu.memory_space<vmem>>
    %dma_wait3A_628 = tpu.memref_squeeze %dma_wait3A_627 : memref<1x128x64xf32, #tpu.memory_space<vmem>> -> memref<128x64xf32, #tpu.memory_space<vmem>>
    tpu.wait_dma2 semaphore(%arg21 : memref<!tpu.dma_semaphore, #tpu.memory_space<semaphore_mem>>) src(%dma_wait3A_628 : memref<128x64xf32, #tpu.memory_space<vmem>>) dst(%dma_wait3A_624 : memref<128x64xf32, #tpu.memory_space<hbm>>)
    %dma_start3A_629 = arith.constant 198 : i32
    %dma_start3A_630 = arith.constant 6 : i32
    %dma_start3A_631 = arith.constant 0 : i32
    %dma_start3A_632 = arith.constant 0 : i32
    %dma_start3A_633 = tpu.memref_slice %arg6[%dma_start3A_630, %dma_start3A_631, %dma_start3A_632] : memref<8x128x64xf32, #tpu.memory_space<vmem>> -> memref<1x128x64xf32, #tpu.memory_space<vmem>>
    %dma_start3A_634 = tpu.memref_squeeze %dma_start3A_633 : memref<1x128x64xf32, #tpu.memory_space<vmem>> -> memref<128x64xf32, #tpu.memory_space<vmem>>
    %dma_start3A_635 = arith.constant 0 : i32
    %dma_start3A_636 = tpu.memref_slice %arg5[%dma_start3A_629, %dma_start3A_635] : memref<200x128xi32, #tpu.memory_space<vmem>> -> memref<1x128xi32, #tpu.memory_space<vmem>>
    %dma_start3A_637 = tpu.memref_squeeze %dma_start3A_636 : memref<1x128xi32, #tpu.memory_space<vmem>> -> memref<128xi32, #tpu.memory_space<vmem>>
    %dma_start3A_638 = arith.constant 0 : i32
    %dma_start3A_639 = arith.constant 0 : i32
    %dma_start3A_640 = tpu.memref_slice %arg3[%dma_start3A_638, %dma_start3A_639] : memref<1000000x64xf32, #tpu.memory_space<hbm>> -> memref<1000000x64xf32, #tpu.memory_space<hbm>>
    tpu.enqueue_indirect_dma source(%dma_start3A_640 : memref<1000000x64xf32, #tpu.memory_space<hbm>>) target(%dma_start3A_634 : memref<128x64xf32, #tpu.memory_space<vmem>>) offsets(%dma_start3A_637 : memref<128xi32, #tpu.memory_space<vmem>>) semaphore(%arg13 : memref<!tpu.dma_semaphore, #tpu.memory_space<semaphore_mem>>)
    %dma_wait3A_641 = arith.constant 195 : i32
    %dma_wait3A_642 = arith.constant 3 : i32
    %dma_wait3A_643 = arith.constant 0 : i32
    %dma_wait3A_644 = arith.constant 0 : i32
    %dma_wait3A_645 = tpu.memref_slice %arg6[%dma_wait3A_642, %dma_wait3A_643, %dma_wait3A_644] : memref<8x128x64xf32, #tpu.memory_space<vmem>> -> memref<1x128x64xf32, #tpu.memory_space<vmem>>
    %dma_wait3A_646 = tpu.memref_squeeze %dma_wait3A_645 : memref<1x128x64xf32, #tpu.memory_space<vmem>> -> memref<128x64xf32, #tpu.memory_space<vmem>>
    %dma_wait3A_647 = arith.constant 0 : i32
    %dma_wait3A_648 = tpu.memref_slice %arg5[%dma_wait3A_641, %dma_wait3A_647] : memref<200x128xi32, #tpu.memory_space<vmem>> -> memref<1x128xi32, #tpu.memory_space<vmem>>
    %dma_wait3A_649 = tpu.memref_squeeze %dma_wait3A_648 : memref<1x128xi32, #tpu.memory_space<vmem>> -> memref<128xi32, #tpu.memory_space<vmem>>
    %dma_wait3A_650 = arith.constant 0 : i32
    %dma_wait3A_651 = arith.constant 0 : i32
    %dma_wait3A_652 = tpu.memref_slice %arg3[%dma_wait3A_650, %dma_wait3A_651] : memref<1000000x64xf32, #tpu.memory_space<hbm>> -> memref<1000000x64xf32, #tpu.memory_space<hbm>>
    tpu.wait_indirect_dma semaphore(%arg10 : memref<!tpu.dma_semaphore, #tpu.memory_space<semaphore_mem>>) src(%dma_wait3A_652 : memref<1000000x64xf32, #tpu.memory_space<hbm>>) dst(%dma_wait3A_646 : memref<128x64xf32, #tpu.memory_space<vmem>>)
    %dma_start3A_653 = arith.constant 3 : i32
    %dma_start3A_654 = arith.constant 195 : i32
    %dma_start3A_655 = arith.constant 0 : i32
    %dma_start3A_656 = arith.constant 0 : i32
    %dma_start3A_657 = tpu.memref_slice %arg6[%dma_start3A_653, %dma_start3A_655, %dma_start3A_656] : memref<8x128x64xf32, #tpu.memory_space<vmem>> -> memref<1x128x64xf32, #tpu.memory_space<vmem>>
    %dma_start3A_658 = tpu.memref_squeeze %dma_start3A_657 : memref<1x128x64xf32, #tpu.memory_space<vmem>> -> memref<128x64xf32, #tpu.memory_space<vmem>>
    %dma_start3A_659 = arith.constant 0 : i32
    %dma_start3A_660 = arith.constant 0 : i32
    %dma_start3A_661 = tpu.memref_slice %arg4[%add3A, %dma_start3A_654, %dma_start3A_659, %dma_start3A_660] : memref<32x200x128x64xf32, #tpu.memory_space<hbm>> -> memref<1x1x128x64xf32, #tpu.memory_space<hbm>>
    %dma_start3A_662 = tpu.memref_squeeze %dma_start3A_661 : memref<1x1x128x64xf32, #tpu.memory_space<hbm>> -> memref<128x64xf32, #tpu.memory_space<hbm>>
    %dma_start3A_663 = arith.constant 0 : i32
    %dma_start3A_664 = arith.constant 0 : i32
    %dma_start3A_665 = tpu.memref_slice %arg4[%add3A, %dma_start3A_654, %dma_start3A_663, %dma_start3A_664] : memref<32x200x128x64xf32, #tpu.memory_space<hbm>> -> memref<1x1x128x64xf32, #tpu.memory_space<hbm>>
    %dma_start3A_666 = tpu.memref_squeeze %dma_start3A_665 : memref<1x1x128x64xf32, #tpu.memory_space<hbm>> -> memref<128x64xf32, #tpu.memory_space<hbm>>
    %dma_start3A_667 = arith.constant 0 : i32
    %dma_start3A_668 = arith.constant 0 : i32
    %dma_start3A_669 = tpu.memref_slice %arg6[%dma_start3A_653, %dma_start3A_667, %dma_start3A_668] : memref<8x128x64xf32, #tpu.memory_space<vmem>> -> memref<1x128x64xf32, #tpu.memory_space<vmem>>
    %dma_start3A_670 = tpu.memref_squeeze %dma_start3A_669 : memref<1x128x64xf32, #tpu.memory_space<vmem>> -> memref<128x64xf32, #tpu.memory_space<vmem>>
    tpu.enqueue_dma source(%dma_start3A_670 : memref<128x64xf32, #tpu.memory_space<vmem>>) target(%dma_start3A_666 : memref<128x64xf32, #tpu.memory_space<hbm>>) target_semaphore(%arg18 : memref<!tpu.dma_semaphore, #tpu.memory_space<semaphore_mem>>)
    %dma_wait3A_671 = arith.constant 7 : i32
    %dma_wait3A_672 = arith.constant 191 : i32
    %dma_wait3A_673 = arith.constant 0 : i32
    %dma_wait3A_674 = arith.constant 0 : i32
    %dma_wait3A_675 = tpu.memref_slice %arg6[%dma_wait3A_671, %dma_wait3A_673, %dma_wait3A_674] : memref<8x128x64xf32, #tpu.memory_space<vmem>> -> memref<1x128x64xf32, #tpu.memory_space<vmem>>
    %dma_wait3A_676 = tpu.memref_squeeze %dma_wait3A_675 : memref<1x128x64xf32, #tpu.memory_space<vmem>> -> memref<128x64xf32, #tpu.memory_space<vmem>>
    %dma_wait3A_677 = arith.constant 0 : i32
    %dma_wait3A_678 = arith.constant 0 : i32
    %dma_wait3A_679 = tpu.memref_slice %arg4[%add3A, %dma_wait3A_672, %dma_wait3A_677, %dma_wait3A_678] : memref<32x200x128x64xf32, #tpu.memory_space<hbm>> -> memref<1x1x128x64xf32, #tpu.memory_space<hbm>>
    %dma_wait3A_680 = tpu.memref_squeeze %dma_wait3A_679 : memref<1x1x128x64xf32, #tpu.memory_space<hbm>> -> memref<128x64xf32, #tpu.memory_space<hbm>>
    %dma_wait3A_681 = arith.constant 0 : i32
    %dma_wait3A_682 = arith.constant 0 : i32
    %dma_wait3A_683 = tpu.memref_slice %arg4[%add3A, %dma_wait3A_672, %dma_wait3A_681, %dma_wait3A_682] : memref<32x200x128x64xf32, #tpu.memory_space<hbm>> -> memref<1x1x128x64xf32, #tpu.memory_space<hbm>>
    %dma_wait3A_684 = tpu.memref_squeeze %dma_wait3A_683 : memref<1x1x128x64xf32, #tpu.memory_space<hbm>> -> memref<128x64xf32, #tpu.memory_space<hbm>>
    %dma_wait3A_685 = arith.constant 0 : i32
    %dma_wait3A_686 = arith.constant 0 : i32
    %dma_wait3A_687 = tpu.memref_slice %arg6[%dma_wait3A_671, %dma_wait3A_685, %dma_wait3A_686] : memref<8x128x64xf32, #tpu.memory_space<vmem>> -> memref<1x128x64xf32, #tpu.memory_space<vmem>>
    %dma_wait3A_688 = tpu.memref_squeeze %dma_wait3A_687 : memref<1x128x64xf32, #tpu.memory_space<vmem>> -> memref<128x64xf32, #tpu.memory_space<vmem>>
    tpu.wait_dma2 semaphore(%arg22 : memref<!tpu.dma_semaphore, #tpu.memory_space<semaphore_mem>>) src(%dma_wait3A_688 : memref<128x64xf32, #tpu.memory_space<vmem>>) dst(%dma_wait3A_684 : memref<128x64xf32, #tpu.memory_space<hbm>>)
    %dma_start3A_689 = arith.constant 199 : i32
    %dma_start3A_690 = arith.constant 7 : i32
    %dma_start3A_691 = arith.constant 0 : i32
    %dma_start3A_692 = arith.constant 0 : i32
    %dma_start3A_693 = tpu.memref_slice %arg6[%dma_start3A_690, %dma_start3A_691, %dma_start3A_692] : memref<8x128x64xf32, #tpu.memory_space<vmem>> -> memref<1x128x64xf32, #tpu.memory_space<vmem>>
    %dma_start3A_694 = tpu.memref_squeeze %dma_start3A_693 : memref<1x128x64xf32, #tpu.memory_space<vmem>> -> memref<128x64xf32, #tpu.memory_space<vmem>>
    %dma_start3A_695 = arith.constant 0 : i32
    %dma_start3A_696 = tpu.memref_slice %arg5[%dma_start3A_689, %dma_start3A_695] : memref<200x128xi32, #tpu.memory_space<vmem>> -> memref<1x128xi32, #tpu.memory_space<vmem>>
    %dma_start3A_697 = tpu.memref_squeeze %dma_start3A_696 : memref<1x128xi32, #tpu.memory_space<vmem>> -> memref<128xi32, #tpu.memory_space<vmem>>
    %dma_start3A_698 = arith.constant 0 : i32
    %dma_start3A_699 = arith.constant 0 : i32
    %dma_start3A_700 = tpu.memref_slice %arg3[%dma_start3A_698, %dma_start3A_699] : memref<1000000x64xf32, #tpu.memory_space<hbm>> -> memref<1000000x64xf32, #tpu.memory_space<hbm>>
    tpu.enqueue_indirect_dma source(%dma_start3A_700 : memref<1000000x64xf32, #tpu.memory_space<hbm>>) target(%dma_start3A_694 : memref<128x64xf32, #tpu.memory_space<vmem>>) offsets(%dma_start3A_697 : memref<128xi32, #tpu.memory_space<vmem>>) semaphore(%arg14 : memref<!tpu.dma_semaphore, #tpu.memory_space<semaphore_mem>>)
    %dma_wait3A_701 = arith.constant 196 : i32
    %dma_wait3A_702 = arith.constant 4 : i32
    %dma_wait3A_703 = arith.constant 0 : i32
    %dma_wait3A_704 = arith.constant 0 : i32
    %dma_wait3A_705 = tpu.memref_slice %arg6[%dma_wait3A_702, %dma_wait3A_703, %dma_wait3A_704] : memref<8x128x64xf32, #tpu.memory_space<vmem>> -> memref<1x128x64xf32, #tpu.memory_space<vmem>>
    %dma_wait3A_706 = tpu.memref_squeeze %dma_wait3A_705 : memref<1x128x64xf32, #tpu.memory_space<vmem>> -> memref<128x64xf32, #tpu.memory_space<vmem>>
    %dma_wait3A_707 = arith.constant 0 : i32
    %dma_wait3A_708 = tpu.memref_slice %arg5[%dma_wait3A_701, %dma_wait3A_707] : memref<200x128xi32, #tpu.memory_space<vmem>> -> memref<1x128xi32, #tpu.memory_space<vmem>>
    %dma_wait3A_709 = tpu.memref_squeeze %dma_wait3A_708 : memref<1x128xi32, #tpu.memory_space<vmem>> -> memref<128xi32, #tpu.memory_space<vmem>>
    %dma_wait3A_710 = arith.constant 0 : i32
    %dma_wait3A_711 = arith.constant 0 : i32
    %dma_wait3A_712 = tpu.memref_slice %arg3[%dma_wait3A_710, %dma_wait3A_711] : memref<1000000x64xf32, #tpu.memory_space<hbm>> -> memref<1000000x64xf32, #tpu.memory_space<hbm>>
    tpu.wait_indirect_dma semaphore(%arg11 : memref<!tpu.dma_semaphore, #tpu.memory_space<semaphore_mem>>) src(%dma_wait3A_712 : memref<1000000x64xf32, #tpu.memory_space<hbm>>) dst(%dma_wait3A_706 : memref<128x64xf32, #tpu.memory_space<vmem>>)
    %dma_start3A_713 = arith.constant 4 : i32
    %dma_start3A_714 = arith.constant 196 : i32
    %dma_start3A_715 = arith.constant 0 : i32
    %dma_start3A_716 = arith.constant 0 : i32
    %dma_start3A_717 = tpu.memref_slice %arg6[%dma_start3A_713, %dma_start3A_715, %dma_start3A_716] : memref<8x128x64xf32, #tpu.memory_space<vmem>> -> memref<1x128x64xf32, #tpu.memory_space<vmem>>
    %dma_start3A_718 = tpu.memref_squeeze %dma_start3A_717 : memref<1x128x64xf32, #tpu.memory_space<vmem>> -> memref<128x64xf32, #tpu.memory_space<vmem>>
    %dma_start3A_719 = arith.constant 0 : i32
    %dma_start3A_720 = arith.constant 0 : i32
    %dma_start3A_721 = tpu.memref_slice %arg4[%add3A, %dma_start3A_714, %dma_start3A_719, %dma_start3A_720] : memref<32x200x128x64xf32, #tpu.memory_space<hbm>> -> memref<1x1x128x64xf32, #tpu.memory_space<hbm>>
    %dma_start3A_722 = tpu.memref_squeeze %dma_start3A_721 : memref<1x1x128x64xf32, #tpu.memory_space<hbm>> -> memref<128x64xf32, #tpu.memory_space<hbm>>
    %dma_start3A_723 = arith.constant 0 : i32
    %dma_start3A_724 = arith.constant 0 : i32
    %dma_start3A_725 = tpu.memref_slice %arg4[%add3A, %dma_start3A_714, %dma_start3A_723, %dma_start3A_724] : memref<32x200x128x64xf32, #tpu.memory_space<hbm>> -> memref<1x1x128x64xf32, #tpu.memory_space<hbm>>
    %dma_start3A_726 = tpu.memref_squeeze %dma_start3A_725 : memref<1x1x128x64xf32, #tpu.memory_space<hbm>> -> memref<128x64xf32, #tpu.memory_space<hbm>>
    %dma_start3A_727 = arith.constant 0 : i32
    %dma_start3A_728 = arith.constant 0 : i32
    %dma_start3A_729 = tpu.memref_slice %arg6[%dma_start3A_713, %dma_start3A_727, %dma_start3A_728] : memref<8x128x64xf32, #tpu.memory_space<vmem>> -> memref<1x128x64xf32, #tpu.memory_space<vmem>>
    %dma_start3A_730 = tpu.memref_squeeze %dma_start3A_729 : memref<1x128x64xf32, #tpu.memory_space<vmem>> -> memref<128x64xf32, #tpu.memory_space<vmem>>
    tpu.enqueue_dma source(%dma_start3A_730 : memref<128x64xf32, #tpu.memory_space<vmem>>) target(%dma_start3A_726 : memref<128x64xf32, #tpu.memory_space<hbm>>) target_semaphore(%arg19 : memref<!tpu.dma_semaphore, #tpu.memory_space<semaphore_mem>>)
    %dma_wait3A_731 = arith.constant 197 : i32
    %dma_wait3A_732 = arith.constant 5 : i32
    %dma_wait3A_733 = arith.constant 0 : i32
    %dma_wait3A_734 = arith.constant 0 : i32
    %dma_wait3A_735 = tpu.memref_slice %arg6[%dma_wait3A_732, %dma_wait3A_733, %dma_wait3A_734] : memref<8x128x64xf32, #tpu.memory_space<vmem>> -> memref<1x128x64xf32, #tpu.memory_space<vmem>>
    %dma_wait3A_736 = tpu.memref_squeeze %dma_wait3A_735 : memref<1x128x64xf32, #tpu.memory_space<vmem>> -> memref<128x64xf32, #tpu.memory_space<vmem>>
    %dma_wait3A_737 = arith.constant 0 : i32
    %dma_wait3A_738 = tpu.memref_slice %arg5[%dma_wait3A_731, %dma_wait3A_737] : memref<200x128xi32, #tpu.memory_space<vmem>> -> memref<1x128xi32, #tpu.memory_space<vmem>>
    %dma_wait3A_739 = tpu.memref_squeeze %dma_wait3A_738 : memref<1x128xi32, #tpu.memory_space<vmem>> -> memref<128xi32, #tpu.memory_space<vmem>>
    %dma_wait3A_740 = arith.constant 0 : i32
    %dma_wait3A_741 = arith.constant 0 : i32
    %dma_wait3A_742 = tpu.memref_slice %arg3[%dma_wait3A_740, %dma_wait3A_741] : memref<1000000x64xf32, #tpu.memory_space<hbm>> -> memref<1000000x64xf32, #tpu.memory_space<hbm>>
    tpu.wait_indirect_dma semaphore(%arg12 : memref<!tpu.dma_semaphore, #tpu.memory_space<semaphore_mem>>) src(%dma_wait3A_742 : memref<1000000x64xf32, #tpu.memory_space<hbm>>) dst(%dma_wait3A_736 : memref<128x64xf32, #tpu.memory_space<vmem>>)
    %dma_start3A_743 = arith.constant 5 : i32
    %dma_start3A_744 = arith.constant 197 : i32
    %dma_start3A_745 = arith.constant 0 : i32
    %dma_start3A_746 = arith.constant 0 : i32
    %dma_start3A_747 = tpu.memref_slice %arg6[%dma_start3A_743, %dma_start3A_745, %dma_start3A_746] : memref<8x128x64xf32, #tpu.memory_space<vmem>> -> memref<1x128x64xf32, #tpu.memory_space<vmem>>
    %dma_start3A_748 = tpu.memref_squeeze %dma_start3A_747 : memref<1x128x64xf32, #tpu.memory_space<vmem>> -> memref<128x64xf32, #tpu.memory_space<vmem>>
    %dma_start3A_749 = arith.constant 0 : i32
    %dma_start3A_750 = arith.constant 0 : i32
    %dma_start3A_751 = tpu.memref_slice %arg4[%add3A, %dma_start3A_744, %dma_start3A_749, %dma_start3A_750] : memref<32x200x128x64xf32, #tpu.memory_space<hbm>> -> memref<1x1x128x64xf32, #tpu.memory_space<hbm>>
    %dma_start3A_752 = tpu.memref_squeeze %dma_start3A_751 : memref<1x1x128x64xf32, #tpu.memory_space<hbm>> -> memref<128x64xf32, #tpu.memory_space<hbm>>
    %dma_start3A_753 = arith.constant 0 : i32
    %dma_start3A_754 = arith.constant 0 : i32
    %dma_start3A_755 = tpu.memref_slice %arg4[%add3A, %dma_start3A_744, %dma_start3A_753, %dma_start3A_754] : memref<32x200x128x64xf32, #tpu.memory_space<hbm>> -> memref<1x1x128x64xf32, #tpu.memory_space<hbm>>
    %dma_start3A_756 = tpu.memref_squeeze %dma_start3A_755 : memref<1x1x128x64xf32, #tpu.memory_space<hbm>> -> memref<128x64xf32, #tpu.memory_space<hbm>>
    %dma_start3A_757 = arith.constant 0 : i32
    %dma_start3A_758 = arith.constant 0 : i32
    %dma_start3A_759 = tpu.memref_slice %arg6[%dma_start3A_743, %dma_start3A_757, %dma_start3A_758] : memref<8x128x64xf32, #tpu.memory_space<vmem>> -> memref<1x128x64xf32, #tpu.memory_space<vmem>>
    %dma_start3A_760 = tpu.memref_squeeze %dma_start3A_759 : memref<1x128x64xf32, #tpu.memory_space<vmem>> -> memref<128x64xf32, #tpu.memory_space<vmem>>
    tpu.enqueue_dma source(%dma_start3A_760 : memref<128x64xf32, #tpu.memory_space<vmem>>) target(%dma_start3A_756 : memref<128x64xf32, #tpu.memory_space<hbm>>) target_semaphore(%arg20 : memref<!tpu.dma_semaphore, #tpu.memory_space<semaphore_mem>>)
    %dma_wait3A_761 = arith.constant 198 : i32
    %dma_wait3A_762 = arith.constant 6 : i32
    %dma_wait3A_763 = arith.constant 0 : i32
    %dma_wait3A_764 = arith.constant 0 : i32
    %dma_wait3A_765 = tpu.memref_slice %arg6[%dma_wait3A_762, %dma_wait3A_763, %dma_wait3A_764] : memref<8x128x64xf32, #tpu.memory_space<vmem>> -> memref<1x128x64xf32, #tpu.memory_space<vmem>>
    %dma_wait3A_766 = tpu.memref_squeeze %dma_wait3A_765 : memref<1x128x64xf32, #tpu.memory_space<vmem>> -> memref<128x64xf32, #tpu.memory_space<vmem>>
    %dma_wait3A_767 = arith.constant 0 : i32
    %dma_wait3A_768 = tpu.memref_slice %arg5[%dma_wait3A_761, %dma_wait3A_767] : memref<200x128xi32, #tpu.memory_space<vmem>> -> memref<1x128xi32, #tpu.memory_space<vmem>>
    %dma_wait3A_769 = tpu.memref_squeeze %dma_wait3A_768 : memref<1x128xi32, #tpu.memory_space<vmem>> -> memref<128xi32, #tpu.memory_space<vmem>>
    %dma_wait3A_770 = arith.constant 0 : i32
    %dma_wait3A_771 = arith.constant 0 : i32
    %dma_wait3A_772 = tpu.memref_slice %arg3[%dma_wait3A_770, %dma_wait3A_771] : memref<1000000x64xf32, #tpu.memory_space<hbm>> -> memref<1000000x64xf32, #tpu.memory_space<hbm>>
    tpu.wait_indirect_dma semaphore(%arg13 : memref<!tpu.dma_semaphore, #tpu.memory_space<semaphore_mem>>) src(%dma_wait3A_772 : memref<1000000x64xf32, #tpu.memory_space<hbm>>) dst(%dma_wait3A_766 : memref<128x64xf32, #tpu.memory_space<vmem>>)
    %dma_start3A_773 = arith.constant 6 : i32
    %dma_start3A_774 = arith.constant 198 : i32
    %dma_start3A_775 = arith.constant 0 : i32
    %dma_start3A_776 = arith.constant 0 : i32
    %dma_start3A_777 = tpu.memref_slice %arg6[%dma_start3A_773, %dma_start3A_775, %dma_start3A_776] : memref<8x128x64xf32, #tpu.memory_space<vmem>> -> memref<1x128x64xf32, #tpu.memory_space<vmem>>
    %dma_start3A_778 = tpu.memref_squeeze %dma_start3A_777 : memref<1x128x64xf32, #tpu.memory_space<vmem>> -> memref<128x64xf32, #tpu.memory_space<vmem>>
    %dma_start3A_779 = arith.constant 0 : i32
    %dma_start3A_780 = arith.constant 0 : i32
    %dma_start3A_781 = tpu.memref_slice %arg4[%add3A, %dma_start3A_774, %dma_start3A_779, %dma_start3A_780] : memref<32x200x128x64xf32, #tpu.memory_space<hbm>> -> memref<1x1x128x64xf32, #tpu.memory_space<hbm>>
    %dma_start3A_782 = tpu.memref_squeeze %dma_start3A_781 : memref<1x1x128x64xf32, #tpu.memory_space<hbm>> -> memref<128x64xf32, #tpu.memory_space<hbm>>
    %dma_start3A_783 = arith.constant 0 : i32
    %dma_start3A_784 = arith.constant 0 : i32
    %dma_start3A_785 = tpu.memref_slice %arg4[%add3A, %dma_start3A_774, %dma_start3A_783, %dma_start3A_784] : memref<32x200x128x64xf32, #tpu.memory_space<hbm>> -> memref<1x1x128x64xf32, #tpu.memory_space<hbm>>
    %dma_start3A_786 = tpu.memref_squeeze %dma_start3A_785 : memref<1x1x128x64xf32, #tpu.memory_space<hbm>> -> memref<128x64xf32, #tpu.memory_space<hbm>>
    %dma_start3A_787 = arith.constant 0 : i32
    %dma_start3A_788 = arith.constant 0 : i32
    %dma_start3A_789 = tpu.memref_slice %arg6[%dma_start3A_773, %dma_start3A_787, %dma_start3A_788] : memref<8x128x64xf32, #tpu.memory_space<vmem>> -> memref<1x128x64xf32, #tpu.memory_space<vmem>>
    %dma_start3A_790 = tpu.memref_squeeze %dma_start3A_789 : memref<1x128x64xf32, #tpu.memory_space<vmem>> -> memref<128x64xf32, #tpu.memory_space<vmem>>
    tpu.enqueue_dma source(%dma_start3A_790 : memref<128x64xf32, #tpu.memory_space<vmem>>) target(%dma_start3A_786 : memref<128x64xf32, #tpu.memory_space<hbm>>) target_semaphore(%arg21 : memref<!tpu.dma_semaphore, #tpu.memory_space<semaphore_mem>>)
    %dma_wait3A_791 = arith.constant 199 : i32
    %dma_wait3A_792 = arith.constant 7 : i32
    %dma_wait3A_793 = arith.constant 0 : i32
    %dma_wait3A_794 = arith.constant 0 : i32
    %dma_wait3A_795 = tpu.memref_slice %arg6[%dma_wait3A_792, %dma_wait3A_793, %dma_wait3A_794] : memref<8x128x64xf32, #tpu.memory_space<vmem>> -> memref<1x128x64xf32, #tpu.memory_space<vmem>>
    %dma_wait3A_796 = tpu.memref_squeeze %dma_wait3A_795 : memref<1x128x64xf32, #tpu.memory_space<vmem>> -> memref<128x64xf32, #tpu.memory_space<vmem>>
    %dma_wait3A_797 = arith.constant 0 : i32
    %dma_wait3A_798 = tpu.memref_slice %arg5[%dma_wait3A_791, %dma_wait3A_797] : memref<200x128xi32, #tpu.memory_space<vmem>> -> memref<1x128xi32, #tpu.memory_space<vmem>>
    %dma_wait3A_799 = tpu.memref_squeeze %dma_wait3A_798 : memref<1x128xi32, #tpu.memory_space<vmem>> -> memref<128xi32, #tpu.memory_space<vmem>>
    %dma_wait3A_800 = arith.constant 0 : i32
    %dma_wait3A_801 = arith.constant 0 : i32
    %dma_wait3A_802 = tpu.memref_slice %arg3[%dma_wait3A_800, %dma_wait3A_801] : memref<1000000x64xf32, #tpu.memory_space<hbm>> -> memref<1000000x64xf32, #tpu.memory_space<hbm>>
    tpu.wait_indirect_dma semaphore(%arg14 : memref<!tpu.dma_semaphore, #tpu.memory_space<semaphore_mem>>) src(%dma_wait3A_802 : memref<1000000x64xf32, #tpu.memory_space<hbm>>) dst(%dma_wait3A_796 : memref<128x64xf32, #tpu.memory_space<vmem>>)
    %dma_start3A_803 = arith.constant 7 : i32
    %dma_start3A_804 = arith.constant 199 : i32
    %dma_start3A_805 = arith.constant 0 : i32
    %dma_start3A_806 = arith.constant 0 : i32
    %dma_start3A_807 = tpu.memref_slice %arg6[%dma_start3A_803, %dma_start3A_805, %dma_start3A_806] : memref<8x128x64xf32, #tpu.memory_space<vmem>> -> memref<1x128x64xf32, #tpu.memory_space<vmem>>
    %dma_start3A_808 = tpu.memref_squeeze %dma_start3A_807 : memref<1x128x64xf32, #tpu.memory_space<vmem>> -> memref<128x64xf32, #tpu.memory_space<vmem>>
    %dma_start3A_809 = arith.constant 0 : i32
    %dma_start3A_810 = arith.constant 0 : i32
    %dma_start3A_811 = tpu.memref_slice %arg4[%add3A, %dma_start3A_804, %dma_start3A_809, %dma_start3A_810] : memref<32x200x128x64xf32, #tpu.memory_space<hbm>> -> memref<1x1x128x64xf32, #tpu.memory_space<hbm>>
    %dma_start3A_812 = tpu.memref_squeeze %dma_start3A_811 : memref<1x1x128x64xf32, #tpu.memory_space<hbm>> -> memref<128x64xf32, #tpu.memory_space<hbm>>
    %dma_start3A_813 = arith.constant 0 : i32
    %dma_start3A_814 = arith.constant 0 : i32
    %dma_start3A_815 = tpu.memref_slice %arg4[%add3A, %dma_start3A_804, %dma_start3A_813, %dma_start3A_814] : memref<32x200x128x64xf32, #tpu.memory_space<hbm>> -> memref<1x1x128x64xf32, #tpu.memory_space<hbm>>
    %dma_start3A_816 = tpu.memref_squeeze %dma_start3A_815 : memref<1x1x128x64xf32, #tpu.memory_space<hbm>> -> memref<128x64xf32, #tpu.memory_space<hbm>>
    %dma_start3A_817 = arith.constant 0 : i32
    %dma_start3A_818 = arith.constant 0 : i32
    %dma_start3A_819 = tpu.memref_slice %arg6[%dma_start3A_803, %dma_start3A_817, %dma_start3A_818] : memref<8x128x64xf32, #tpu.memory_space<vmem>> -> memref<1x128x64xf32, #tpu.memory_space<vmem>>
    %dma_start3A_820 = tpu.memref_squeeze %dma_start3A_819 : memref<1x128x64xf32, #tpu.memory_space<vmem>> -> memref<128x64xf32, #tpu.memory_space<vmem>>
    tpu.enqueue_dma source(%dma_start3A_820 : memref<128x64xf32, #tpu.memory_space<vmem>>) target(%dma_start3A_816 : memref<128x64xf32, #tpu.memory_space<hbm>>) target_semaphore(%arg22 : memref<!tpu.dma_semaphore, #tpu.memory_space<semaphore_mem>>)
    %dma_wait3A_821 = arith.constant 0 : i32
    %dma_wait3A_822 = arith.constant 192 : i32
    %dma_wait3A_823 = arith.constant 0 : i32
    %dma_wait3A_824 = arith.constant 0 : i32
    %dma_wait3A_825 = tpu.memref_slice %arg6[%dma_wait3A_821, %dma_wait3A_823, %dma_wait3A_824] : memref<8x128x64xf32, #tpu.memory_space<vmem>> -> memref<1x128x64xf32, #tpu.memory_space<vmem>>
    %dma_wait3A_826 = tpu.memref_squeeze %dma_wait3A_825 : memref<1x128x64xf32, #tpu.memory_space<vmem>> -> memref<128x64xf32, #tpu.memory_space<vmem>>
    %dma_wait3A_827 = arith.constant 0 : i32
    %dma_wait3A_828 = arith.constant 0 : i32
    %dma_wait3A_829 = tpu.memref_slice %arg4[%add3A, %dma_wait3A_822, %dma_wait3A_827, %dma_wait3A_828] : memref<32x200x128x64xf32, #tpu.memory_space<hbm>> -> memref<1x1x128x64xf32, #tpu.memory_space<hbm>>
    %dma_wait3A_830 = tpu.memref_squeeze %dma_wait3A_829 : memref<1x1x128x64xf32, #tpu.memory_space<hbm>> -> memref<128x64xf32, #tpu.memory_space<hbm>>
    %dma_wait3A_831 = arith.constant 0 : i32
    %dma_wait3A_832 = arith.constant 0 : i32
    %dma_wait3A_833 = tpu.memref_slice %arg4[%add3A, %dma_wait3A_822, %dma_wait3A_831, %dma_wait3A_832] : memref<32x200x128x64xf32, #tpu.memory_space<hbm>> -> memref<1x1x128x64xf32, #tpu.memory_space<hbm>>
    %dma_wait3A_834 = tpu.memref_squeeze %dma_wait3A_833 : memref<1x1x128x64xf32, #tpu.memory_space<hbm>> -> memref<128x64xf32, #tpu.memory_space<hbm>>
    %dma_wait3A_835 = arith.constant 0 : i32
    %dma_wait3A_836 = arith.constant 0 : i32
    %dma_wait3A_837 = tpu.memref_slice %arg6[%dma_wait3A_821, %dma_wait3A_835, %dma_wait3A_836] : memref<8x128x64xf32, #tpu.memory_space<vmem>> -> memref<1x128x64xf32, #tpu.memory_space<vmem>>
    %dma_wait3A_838 = tpu.memref_squeeze %dma_wait3A_837 : memref<1x128x64xf32, #tpu.memory_space<vmem>> -> memref<128x64xf32, #tpu.memory_space<vmem>>
    tpu.wait_dma2 semaphore(%arg15 : memref<!tpu.dma_semaphore, #tpu.memory_space<semaphore_mem>>) src(%dma_wait3A_838 : memref<128x64xf32, #tpu.memory_space<vmem>>) dst(%dma_wait3A_834 : memref<128x64xf32, #tpu.memory_space<hbm>>)
    %dma_wait3A_839 = arith.constant 1 : i32
    %dma_wait3A_840 = arith.constant 193 : i32
    %dma_wait3A_841 = arith.constant 0 : i32
    %dma_wait3A_842 = arith.constant 0 : i32
    %dma_wait3A_843 = tpu.memref_slice %arg6[%dma_wait3A_839, %dma_wait3A_841, %dma_wait3A_842] : memref<8x128x64xf32, #tpu.memory_space<vmem>> -> memref<1x128x64xf32, #tpu.memory_space<vmem>>
    %dma_wait3A_844 = tpu.memref_squeeze %dma_wait3A_843 : memref<1x128x64xf32, #tpu.memory_space<vmem>> -> memref<128x64xf32, #tpu.memory_space<vmem>>
    %dma_wait3A_845 = arith.constant 0 : i32
    %dma_wait3A_846 = arith.constant 0 : i32
    %dma_wait3A_847 = tpu.memref_slice %arg4[%add3A, %dma_wait3A_840, %dma_wait3A_845, %dma_wait3A_846] : memref<32x200x128x64xf32, #tpu.memory_space<hbm>> -> memref<1x1x128x64xf32, #tpu.memory_space<hbm>>
    %dma_wait3A_848 = tpu.memref_squeeze %dma_wait3A_847 : memref<1x1x128x64xf32, #tpu.memory_space<hbm>> -> memref<128x64xf32, #tpu.memory_space<hbm>>
    %dma_wait3A_849 = arith.constant 0 : i32
    %dma_wait3A_850 = arith.constant 0 : i32
    %dma_wait3A_851 = tpu.memref_slice %arg4[%add3A, %dma_wait3A_840, %dma_wait3A_849, %dma_wait3A_850] : memref<32x200x128x64xf32, #tpu.memory_space<hbm>> -> memref<1x1x128x64xf32, #tpu.memory_space<hbm>>
    %dma_wait3A_852 = tpu.memref_squeeze %dma_wait3A_851 : memref<1x1x128x64xf32, #tpu.memory_space<hbm>> -> memref<128x64xf32, #tpu.memory_space<hbm>>
    %dma_wait3A_853 = arith.constant 0 : i32
    %dma_wait3A_854 = arith.constant 0 : i32
    %dma_wait3A_855 = tpu.memref_slice %arg6[%dma_wait3A_839, %dma_wait3A_853, %dma_wait3A_854] : memref<8x128x64xf32, #tpu.memory_space<vmem>> -> memref<1x128x64xf32, #tpu.memory_space<vmem>>
    %dma_wait3A_856 = tpu.memref_squeeze %dma_wait3A_855 : memref<1x128x64xf32, #tpu.memory_space<vmem>> -> memref<128x64xf32, #tpu.memory_space<vmem>>
    tpu.wait_dma2 semaphore(%arg16 : memref<!tpu.dma_semaphore, #tpu.memory_space<semaphore_mem>>) src(%dma_wait3A_856 : memref<128x64xf32, #tpu.memory_space<vmem>>) dst(%dma_wait3A_852 : memref<128x64xf32, #tpu.memory_space<hbm>>)
    %dma_wait3A_857 = arith.constant 2 : i32
    %dma_wait3A_858 = arith.constant 194 : i32
    %dma_wait3A_859 = arith.constant 0 : i32
    %dma_wait3A_860 = arith.constant 0 : i32
    %dma_wait3A_861 = tpu.memref_slice %arg6[%dma_wait3A_857, %dma_wait3A_859, %dma_wait3A_860] : memref<8x128x64xf32, #tpu.memory_space<vmem>> -> memref<1x128x64xf32, #tpu.memory_space<vmem>>
    %dma_wait3A_862 = tpu.memref_squeeze %dma_wait3A_861 : memref<1x128x64xf32, #tpu.memory_space<vmem>> -> memref<128x64xf32, #tpu.memory_space<vmem>>
    %dma_wait3A_863 = arith.constant 0 : i32
    %dma_wait3A_864 = arith.constant 0 : i32
    %dma_wait3A_865 = tpu.memref_slice %arg4[%add3A, %dma_wait3A_858, %dma_wait3A_863, %dma_wait3A_864] : memref<32x200x128x64xf32, #tpu.memory_space<hbm>> -> memref<1x1x128x64xf32, #tpu.memory_space<hbm>>
    %dma_wait3A_866 = tpu.memref_squeeze %dma_wait3A_865 : memref<1x1x128x64xf32, #tpu.memory_space<hbm>> -> memref<128x64xf32, #tpu.memory_space<hbm>>
    %dma_wait3A_867 = arith.constant 0 : i32
    %dma_wait3A_868 = arith.constant 0 : i32
    %dma_wait3A_869 = tpu.memref_slice %arg4[%add3A, %dma_wait3A_858, %dma_wait3A_867, %dma_wait3A_868] : memref<32x200x128x64xf32, #tpu.memory_space<hbm>> -> memref<1x1x128x64xf32, #tpu.memory_space<hbm>>
    %dma_wait3A_870 = tpu.memref_squeeze %dma_wait3A_869 : memref<1x1x128x64xf32, #tpu.memory_space<hbm>> -> memref<128x64xf32, #tpu.memory_space<hbm>>
    %dma_wait3A_871 = arith.constant 0 : i32
    %dma_wait3A_872 = arith.constant 0 : i32
    %dma_wait3A_873 = tpu.memref_slice %arg6[%dma_wait3A_857, %dma_wait3A_871, %dma_wait3A_872] : memref<8x128x64xf32, #tpu.memory_space<vmem>> -> memref<1x128x64xf32, #tpu.memory_space<vmem>>
    %dma_wait3A_874 = tpu.memref_squeeze %dma_wait3A_873 : memref<1x128x64xf32, #tpu.memory_space<vmem>> -> memref<128x64xf32, #tpu.memory_space<vmem>>
    tpu.wait_dma2 semaphore(%arg17 : memref<!tpu.dma_semaphore, #tpu.memory_space<semaphore_mem>>) src(%dma_wait3A_874 : memref<128x64xf32, #tpu.memory_space<vmem>>) dst(%dma_wait3A_870 : memref<128x64xf32, #tpu.memory_space<hbm>>)
    %dma_wait3A_875 = arith.constant 3 : i32
    %dma_wait3A_876 = arith.constant 195 : i32
    %dma_wait3A_877 = arith.constant 0 : i32
    %dma_wait3A_878 = arith.constant 0 : i32
    %dma_wait3A_879 = tpu.memref_slice %arg6[%dma_wait3A_875, %dma_wait3A_877, %dma_wait3A_878] : memref<8x128x64xf32, #tpu.memory_space<vmem>> -> memref<1x128x64xf32, #tpu.memory_space<vmem>>
    %dma_wait3A_880 = tpu.memref_squeeze %dma_wait3A_879 : memref<1x128x64xf32, #tpu.memory_space<vmem>> -> memref<128x64xf32, #tpu.memory_space<vmem>>
    %dma_wait3A_881 = arith.constant 0 : i32
    %dma_wait3A_882 = arith.constant 0 : i32
    %dma_wait3A_883 = tpu.memref_slice %arg4[%add3A, %dma_wait3A_876, %dma_wait3A_881, %dma_wait3A_882] : memref<32x200x128x64xf32, #tpu.memory_space<hbm>> -> memref<1x1x128x64xf32, #tpu.memory_space<hbm>>
    %dma_wait3A_884 = tpu.memref_squeeze %dma_wait3A_883 : memref<1x1x128x64xf32, #tpu.memory_space<hbm>> -> memref<128x64xf32, #tpu.memory_space<hbm>>
    %dma_wait3A_885 = arith.constant 0 : i32
    %dma_wait3A_886 = arith.constant 0 : i32
    %dma_wait3A_887 = tpu.memref_slice %arg4[%add3A, %dma_wait3A_876, %dma_wait3A_885, %dma_wait3A_886] : memref<32x200x128x64xf32, #tpu.memory_space<hbm>> -> memref<1x1x128x64xf32, #tpu.memory_space<hbm>>
    %dma_wait3A_888 = tpu.memref_squeeze %dma_wait3A_887 : memref<1x1x128x64xf32, #tpu.memory_space<hbm>> -> memref<128x64xf32, #tpu.memory_space<hbm>>
    %dma_wait3A_889 = arith.constant 0 : i32
    %dma_wait3A_890 = arith.constant 0 : i32
    %dma_wait3A_891 = tpu.memref_slice %arg6[%dma_wait3A_875, %dma_wait3A_889, %dma_wait3A_890] : memref<8x128x64xf32, #tpu.memory_space<vmem>> -> memref<1x128x64xf32, #tpu.memory_space<vmem>>
    %dma_wait3A_892 = tpu.memref_squeeze %dma_wait3A_891 : memref<1x128x64xf32, #tpu.memory_space<vmem>> -> memref<128x64xf32, #tpu.memory_space<vmem>>
    tpu.wait_dma2 semaphore(%arg18 : memref<!tpu.dma_semaphore, #tpu.memory_space<semaphore_mem>>) src(%dma_wait3A_892 : memref<128x64xf32, #tpu.memory_space<vmem>>) dst(%dma_wait3A_888 : memref<128x64xf32, #tpu.memory_space<hbm>>)
    %dma_wait3A_893 = arith.constant 4 : i32
    %dma_wait3A_894 = arith.constant 196 : i32
    %dma_wait3A_895 = arith.constant 0 : i32
    %dma_wait3A_896 = arith.constant 0 : i32
    %dma_wait3A_897 = tpu.memref_slice %arg6[%dma_wait3A_893, %dma_wait3A_895, %dma_wait3A_896] : memref<8x128x64xf32, #tpu.memory_space<vmem>> -> memref<1x128x64xf32, #tpu.memory_space<vmem>>
    %dma_wait3A_898 = tpu.memref_squeeze %dma_wait3A_897 : memref<1x128x64xf32, #tpu.memory_space<vmem>> -> memref<128x64xf32, #tpu.memory_space<vmem>>
    %dma_wait3A_899 = arith.constant 0 : i32
    %dma_wait3A_900 = arith.constant 0 : i32
    %dma_wait3A_901 = tpu.memref_slice %arg4[%add3A, %dma_wait3A_894, %dma_wait3A_899, %dma_wait3A_900] : memref<32x200x128x64xf32, #tpu.memory_space<hbm>> -> memref<1x1x128x64xf32, #tpu.memory_space<hbm>>
    %dma_wait3A_902 = tpu.memref_squeeze %dma_wait3A_901 : memref<1x1x128x64xf32, #tpu.memory_space<hbm>> -> memref<128x64xf32, #tpu.memory_space<hbm>>
    %dma_wait3A_903 = arith.constant 0 : i32
    %dma_wait3A_904 = arith.constant 0 : i32
    %dma_wait3A_905 = tpu.memref_slice %arg4[%add3A, %dma_wait3A_894, %dma_wait3A_903, %dma_wait3A_904] : memref<32x200x128x64xf32, #tpu.memory_space<hbm>> -> memref<1x1x128x64xf32, #tpu.memory_space<hbm>>
    %dma_wait3A_906 = tpu.memref_squeeze %dma_wait3A_905 : memref<1x1x128x64xf32, #tpu.memory_space<hbm>> -> memref<128x64xf32, #tpu.memory_space<hbm>>
    %dma_wait3A_907 = arith.constant 0 : i32
    %dma_wait3A_908 = arith.constant 0 : i32
    %dma_wait3A_909 = tpu.memref_slice %arg6[%dma_wait3A_893, %dma_wait3A_907, %dma_wait3A_908] : memref<8x128x64xf32, #tpu.memory_space<vmem>> -> memref<1x128x64xf32, #tpu.memory_space<vmem>>
    %dma_wait3A_910 = tpu.memref_squeeze %dma_wait3A_909 : memref<1x128x64xf32, #tpu.memory_space<vmem>> -> memref<128x64xf32, #tpu.memory_space<vmem>>
    tpu.wait_dma2 semaphore(%arg19 : memref<!tpu.dma_semaphore, #tpu.memory_space<semaphore_mem>>) src(%dma_wait3A_910 : memref<128x64xf32, #tpu.memory_space<vmem>>) dst(%dma_wait3A_906 : memref<128x64xf32, #tpu.memory_space<hbm>>)
    %dma_wait3A_911 = arith.constant 5 : i32
    %dma_wait3A_912 = arith.constant 197 : i32
    %dma_wait3A_913 = arith.constant 0 : i32
    %dma_wait3A_914 = arith.constant 0 : i32
    %dma_wait3A_915 = tpu.memref_slice %arg6[%dma_wait3A_911, %dma_wait3A_913, %dma_wait3A_914] : memref<8x128x64xf32, #tpu.memory_space<vmem>> -> memref<1x128x64xf32, #tpu.memory_space<vmem>>
    %dma_wait3A_916 = tpu.memref_squeeze %dma_wait3A_915 : memref<1x128x64xf32, #tpu.memory_space<vmem>> -> memref<128x64xf32, #tpu.memory_space<vmem>>
    %dma_wait3A_917 = arith.constant 0 : i32
    %dma_wait3A_918 = arith.constant 0 : i32
    %dma_wait3A_919 = tpu.memref_slice %arg4[%add3A, %dma_wait3A_912, %dma_wait3A_917, %dma_wait3A_918] : memref<32x200x128x64xf32, #tpu.memory_space<hbm>> -> memref<1x1x128x64xf32, #tpu.memory_space<hbm>>
    %dma_wait3A_920 = tpu.memref_squeeze %dma_wait3A_919 : memref<1x1x128x64xf32, #tpu.memory_space<hbm>> -> memref<128x64xf32, #tpu.memory_space<hbm>>
    %dma_wait3A_921 = arith.constant 0 : i32
    %dma_wait3A_922 = arith.constant 0 : i32
    %dma_wait3A_923 = tpu.memref_slice %arg4[%add3A, %dma_wait3A_912, %dma_wait3A_921, %dma_wait3A_922] : memref<32x200x128x64xf32, #tpu.memory_space<hbm>> -> memref<1x1x128x64xf32, #tpu.memory_space<hbm>>
    %dma_wait3A_924 = tpu.memref_squeeze %dma_wait3A_923 : memref<1x1x128x64xf32, #tpu.memory_space<hbm>> -> memref<128x64xf32, #tpu.memory_space<hbm>>
    %dma_wait3A_925 = arith.constant 0 : i32
    %dma_wait3A_926 = arith.constant 0 : i32
    %dma_wait3A_927 = tpu.memref_slice %arg6[%dma_wait3A_911, %dma_wait3A_925, %dma_wait3A_926] : memref<8x128x64xf32, #tpu.memory_space<vmem>> -> memref<1x128x64xf32, #tpu.memory_space<vmem>>
    %dma_wait3A_928 = tpu.memref_squeeze %dma_wait3A_927 : memref<1x128x64xf32, #tpu.memory_space<vmem>> -> memref<128x64xf32, #tpu.memory_space<vmem>>
    tpu.wait_dma2 semaphore(%arg20 : memref<!tpu.dma_semaphore, #tpu.memory_space<semaphore_mem>>) src(%dma_wait3A_928 : memref<128x64xf32, #tpu.memory_space<vmem>>) dst(%dma_wait3A_924 : memref<128x64xf32, #tpu.memory_space<hbm>>)
    %dma_wait3A_929 = arith.constant 6 : i32
    %dma_wait3A_930 = arith.constant 198 : i32
    %dma_wait3A_931 = arith.constant 0 : i32
    %dma_wait3A_932 = arith.constant 0 : i32
    %dma_wait3A_933 = tpu.memref_slice %arg6[%dma_wait3A_929, %dma_wait3A_931, %dma_wait3A_932] : memref<8x128x64xf32, #tpu.memory_space<vmem>> -> memref<1x128x64xf32, #tpu.memory_space<vmem>>
    %dma_wait3A_934 = tpu.memref_squeeze %dma_wait3A_933 : memref<1x128x64xf32, #tpu.memory_space<vmem>> -> memref<128x64xf32, #tpu.memory_space<vmem>>
    %dma_wait3A_935 = arith.constant 0 : i32
    %dma_wait3A_936 = arith.constant 0 : i32
    %dma_wait3A_937 = tpu.memref_slice %arg4[%add3A, %dma_wait3A_930, %dma_wait3A_935, %dma_wait3A_936] : memref<32x200x128x64xf32, #tpu.memory_space<hbm>> -> memref<1x1x128x64xf32, #tpu.memory_space<hbm>>
    %dma_wait3A_938 = tpu.memref_squeeze %dma_wait3A_937 : memref<1x1x128x64xf32, #tpu.memory_space<hbm>> -> memref<128x64xf32, #tpu.memory_space<hbm>>
    %dma_wait3A_939 = arith.constant 0 : i32
    %dma_wait3A_940 = arith.constant 0 : i32
    %dma_wait3A_941 = tpu.memref_slice %arg4[%add3A, %dma_wait3A_930, %dma_wait3A_939, %dma_wait3A_940] : memref<32x200x128x64xf32, #tpu.memory_space<hbm>> -> memref<1x1x128x64xf32, #tpu.memory_space<hbm>>
    %dma_wait3A_942 = tpu.memref_squeeze %dma_wait3A_941 : memref<1x1x128x64xf32, #tpu.memory_space<hbm>> -> memref<128x64xf32, #tpu.memory_space<hbm>>
    %dma_wait3A_943 = arith.constant 0 : i32
    %dma_wait3A_944 = arith.constant 0 : i32
    %dma_wait3A_945 = tpu.memref_slice %arg6[%dma_wait3A_929, %dma_wait3A_943, %dma_wait3A_944] : memref<8x128x64xf32, #tpu.memory_space<vmem>> -> memref<1x128x64xf32, #tpu.memory_space<vmem>>
    %dma_wait3A_946 = tpu.memref_squeeze %dma_wait3A_945 : memref<1x128x64xf32, #tpu.memory_space<vmem>> -> memref<128x64xf32, #tpu.memory_space<vmem>>
    tpu.wait_dma2 semaphore(%arg21 : memref<!tpu.dma_semaphore, #tpu.memory_space<semaphore_mem>>) src(%dma_wait3A_946 : memref<128x64xf32, #tpu.memory_space<vmem>>) dst(%dma_wait3A_942 : memref<128x64xf32, #tpu.memory_space<hbm>>)
    %dma_wait3A_947 = arith.constant 7 : i32
    %dma_wait3A_948 = arith.constant 199 : i32
    %dma_wait3A_949 = arith.constant 0 : i32
    %dma_wait3A_950 = arith.constant 0 : i32
    %dma_wait3A_951 = tpu.memref_slice %arg6[%dma_wait3A_947, %dma_wait3A_949, %dma_wait3A_950] : memref<8x128x64xf32, #tpu.memory_space<vmem>> -> memref<1x128x64xf32, #tpu.memory_space<vmem>>
    %dma_wait3A_952 = tpu.memref_squeeze %dma_wait3A_951 : memref<1x128x64xf32, #tpu.memory_space<vmem>> -> memref<128x64xf32, #tpu.memory_space<vmem>>
    %dma_wait3A_953 = arith.constant 0 : i32
    %dma_wait3A_954 = arith.constant 0 : i32
    %dma_wait3A_955 = tpu.memref_slice %arg4[%add3A, %dma_wait3A_948, %dma_wait3A_953, %dma_wait3A_954] : memref<32x200x128x64xf32, #tpu.memory_space<hbm>> -> memref<1x1x128x64xf32, #tpu.memory_space<hbm>>
    %dma_wait3A_956 = tpu.memref_squeeze %dma_wait3A_955 : memref<1x1x128x64xf32, #tpu.memory_space<hbm>> -> memref<128x64xf32, #tpu.memory_space<hbm>>
    %dma_wait3A_957 = arith.constant 0 : i32
    %dma_wait3A_958 = arith.constant 0 : i32
    %dma_wait3A_959 = tpu.memref_slice %arg4[%add3A, %dma_wait3A_948, %dma_wait3A_957, %dma_wait3A_958] : memref<32x200x128x64xf32, #tpu.memory_space<hbm>> -> memref<1x1x128x64xf32, #tpu.memory_space<hbm>>
    %dma_wait3A_960 = tpu.memref_squeeze %dma_wait3A_959 : memref<1x1x128x64xf32, #tpu.memory_space<hbm>> -> memref<128x64xf32, #tpu.memory_space<hbm>>
    %dma_wait3A_961 = arith.constant 0 : i32
    %dma_wait3A_962 = arith.constant 0 : i32
    %dma_wait3A_963 = tpu.memref_slice %arg6[%dma_wait3A_947, %dma_wait3A_961, %dma_wait3A_962] : memref<8x128x64xf32, #tpu.memory_space<vmem>> -> memref<1x128x64xf32, #tpu.memory_space<vmem>>
    %dma_wait3A_964 = tpu.memref_squeeze %dma_wait3A_963 : memref<1x128x64xf32, #tpu.memory_space<vmem>> -> memref<128x64xf32, #tpu.memory_space<vmem>>
    tpu.wait_dma2 semaphore(%arg22 : memref<!tpu.dma_semaphore, #tpu.memory_space<semaphore_mem>>) src(%dma_wait3A_964 : memref<128x64xf32, #tpu.memory_space<vmem>>) dst(%dma_wait3A_960 : memref<128x64xf32, #tpu.memory_space<hbm>>)
    return
  }
}

</mosaic_0001>

<sc_bundles>
// kernel: kernel.3.cloned.1.call-start
scs
__scs_entry_jumppad:
0x0: {  	(pc) =	sbr.rel $0x88, $3  }
0x1: {  	(tag) =	ssettag $0x0;
	lr =	simm.s32 $0x1  }
0x2: {  	[smem:$0x3F9F] =	sst lr;
	_ =	strace $0xD0000000  }
0x3: {  	_ = 	snop  }
0x4: {  	_ = 	snop  }
0x5: {  	_ = 	snop  }
0x6: {  	_ = 	snop  }
0x7: {  	_ = 	snop  }
__scs_overlays_trampoline_lowered:
0x8: {  	[smem:$0x3FAE] =	sst s0  }
0x9: {  	[smem:$0x3FAF] =	sst s1  }
0xa: {  	[smem:$0x3FB0] =	sst s2  }
0xb: {  	[smem:$0x3FB1] =	sst s3  }
0xc: {  	[smem:$0x3FB2] =	sst s4  }
0xd: {  	[smem:$0x3FB3] =	sst s5  }
0xe: {  	[smem:$0x3FB4] =	sst s6  }
0xf: {  	[smem:$0x3FB5] =	sst s7  }
0x10: {  	[smem:$0x3FB6] =	sst s8  }
0x11: {  	[smem:$0x3FB7] =	sst s9;
	s0 =	simm.s32 @!p0 $0x0  }
0x12: {  	s1 =	sld [smem:$0x3F9D];
	s0 =	simm.s32 @p0 $0x1  }
0x13: {  	[smem:$0x3FB8] =	sst s0;
	s0 =	simm.s32 @!p1 $0x0  }
0x14: {  	s2 =	sld [smem:$0x3F9C];
	s0 =	simm.s32 @p1 $0x1  }
0x15: {  	[smem:$0x3FB9] =	sst s0;
	s0 =	simm.s32 @!p2 $0x0  }
0x16: {  	s3 =	sld [smem:$0x3FDB];
	s0 =	simm.s32 @p2 $0x1  }
0x17: {  	s4 =	simm.s32 $0x1BF5;
	[smem:$0x3FBB] =	sst s0  }
0x18: {  	s0 =	sld [smem:$0x3F9E];
	_ =	swait.ge [sflag:s4], $0x0  }
0x19: {  	s7 =	sld [smem:$0x3F9F]  }
0x1a: {  	s8 =	sadd.s32 $0xFFFFE003, lr  }
0x1b: {  	s9 =	sadd.s32 $0xFFFFFEF7, lr;
	s5 =	simm.s32 $0xFFFFFFFF;
	p2 =	slt.u32 s8, $0xFFFFF086  }
0x1c: {  	p1 =	slt.u32 s9, $0xF7A;
	s5 =	simm.s32 @!p2 $0x0  }
0x1d: {  	s5 =	simm.s32 @p1 $0x1;
	p0 =	seq.s32 s7, s2  }
0x1e: {  	s7 =	smul.u32 @!p0 $0xF7A, s2;
	p2 =	seq.s32 @!p0 s5, $0x0  }
0x1f: {  	s9 =	smul.u32 $0xF7A, s1;
	s8 =	simm.s32 @!p0 $0x1BF5;
	p2 =	por !p2, p0  }
0x20: {  	[sflag:s8] =	ssyncset.s32 @!p0 $0xFFFFF086;
	s6 =	sadd.s32 @!p0 s3, s7;
	s7 =	simm.s32 @!p0 $0x108  }
0x21: {  	s3 =	sadd.s32 s3, s9;
	s6 =	sadd.s32 @!p0 $0x88, s6;
	s7 =	simm.s32 @p2 $0x1082  }
0x22: {  	[simem:s7], [sflag:s8] =	dma.local @!p0 [hbm:s6], $0xF7A  }
0x23: {  	s9 =	sor.u32 $0xD0000000, s2;
	s6 =	simm.s32 $0x108;
	_ =	swait.ge @!p0 [sflag:s8], $0x0  }
0x24: {  	s3 =	sadd.s32 $0x88, s3;
	s6 =	simm.s32 @!p1 $0x1082;
	[sflag:s4] =	ssyncset.s32 $0xFFFFF086  }
0x25: {  	[simem:s6], [sflag:s4] =	dma.local [hbm:s3], $0xF7A  }
0x26: {  	[smem:$0x3F9F] =	sst s1;
	(tag) =	ssettag s2;
	_ =	strace s9  }
0x27: {  	s1 =	sld [smem:$0x3FAF]  }
0x28: {  	s2 =	sld [smem:$0x3FB0]  }
0x29: {  	s4 =	sld [smem:$0x3FB2]  }
0x2a: {  	p0 =	seq.s32 s5, $0x0;
	s5 =	sld [smem:$0x3FB3]  }
0x2b: {  	s6 =	sld [smem:$0x3FB4]  }
0x2c: {  	s7 =	sld [smem:$0x3FB5]  }
0x2d: {  	s3 =	simm.s32 $0x108;
	s8 =	sld [smem:$0x3FB6]  }
0x2e: {  	s3 =	simm.s32 @!p0 $0x1082;
	s9 =	sld [smem:$0x3FB7]  }
0x2f: {  	lr =	sadd.s32 s0, s3;
	s0 =	sld [smem:$0x3FAE]  }
0x30: {  	s3 =	sld [smem:$0x3FB1]  }
0x31: {  	[smem:$0x3FBA] =	sst s10  }
0x32: {  	s10 =	sld [smem:$0x3FB8];
	_ =	sdelay $0x3  }
0x33: {  	p0 =	seq.s32 s10, $0x1;
	s10 =	sld [smem:$0x3FBA];
	_ =	sdelay $0x3  }
0x34: {  	[smem:$0x3FBA] =	sst s10  }
0x35: {  	s10 =	sld [smem:$0x3FB9];
	_ =	sdelay $0x3  }
0x36: {  	p1 =	seq.s32 s10, $0x1;
	s10 =	sld [smem:$0x3FBA];
	_ =	sdelay $0x3  }
0x37: {  	[smem:$0x3FBA] =	sst s10  }
0x38: {  	s10 =	sld [smem:$0x3FBB]  }
0x39: {  	_ = 	snop;
	(pc) =	sbr.ind lr, $3  }
0x3a: {  	_ = 	snop  }
0x3b: {  	_ = 	snop  }
0x3c: {  	p2 =	seq.s32 s10, $0x1;
	s10 =	sld [smem:$0x3FBA]  }
0x3d: {  	_ =	shalt  }
0x3e: {  	_ =	shalt  }
0x3f: {  	_ =	shalt  }
0x40: {  	_ =	shalt  }
0x41: {  	_ =	shalt  }
0x42: {  	_ =	shalt  }
0x43: {  	_ =	shalt  }
0x44: {  	_ =	shalt  }
0x45: {  	_ =	shalt  }
0x46: {  	_ =	shalt  }
0x47: {  	_ =	shalt  }
0x48: {  	_ =	shalt  }
0x49: {  	_ =	shalt  }
0x4a: {  	_ =	shalt  }
0x4b: {  	_ =	shalt  }
0x4c: {  	_ =	shalt  }
0x4d: {  	_ =	shalt  }
0x4e: {  	_ =	shalt  }
0x4f: {  	_ =	shalt  }
0x50: {  	_ =	shalt  }
0x51: {  	_ =	shalt  }
0x52: {  	_ =	shalt  }
0x53: {  	_ =	shalt  }
0x54: {  	_ =	shalt  }
0x55: {  	_ =	shalt  }
0x56: {  	_ =	shalt  }
0x57: {  	_ =	shalt  }
0x58: {  	_ =	shalt  }
0x59: {  	_ =	shalt  }
0x5a: {  	_ =	shalt  }
0x5b: {  	_ =	shalt  }
0x5c: {  	_ =	shalt  }
0x5d: {  	_ =	shalt  }
0x5e: {  	_ =	shalt  }
0x5f: {  	_ =	shalt  }
0x60: {  	_ =	shalt  }
0x61: {  	_ =	shalt  }
0x62: {  	_ =	shalt  }
0x63: {  	_ =	shalt  }
0x64: {  	_ =	shalt  }
0x65: {  	_ =	shalt  }
0x66: {  	_ =	shalt  }
0x67: {  	_ =	shalt  }
0x68: {  	_ =	shalt  }
0x69: {  	_ =	shalt  }
0x6a: {  	_ =	shalt  }
0x6b: {  	_ =	shalt  }
0x6c: {  	_ =	shalt  }
0x6d: {  	_ =	shalt  }
0x6e: {  	_ =	shalt  }
0x6f: {  	_ =	shalt  }
0x70: {  	_ =	shalt  }
0x71: {  	_ =	shalt  }
0x72: {  	_ =	shalt  }
0x73: {  	_ =	shalt  }
0x74: {  	_ =	shalt  }
0x75: {  	_ =	shalt  }
0x76: {  	_ =	shalt  }
0x77: {  	_ =	shalt  }
0x78: {  	_ =	shalt  }
0x79: {  	_ =	shalt  }
0x7a: {  	_ =	shalt  }
0x7b: {  	_ =	shalt  }
0x7c: {  	_ =	shalt  }
0x7d: {  	_ =	shalt  }
0x7e: {  	_ =	shalt  }
0x7f: {  	_ =	shalt  }
0x80: {  	_ =	shalt  }
0x81: {  	_ =	shalt  }
0x82: {  	_ =	shalt  }
0x83: {  	_ =	shalt  }
0x84: {  	_ =	shalt  }
0x85: {  	_ =	shalt  }
0x86: {  	_ =	shalt  }
0x87: {  	_ =	shalt  }
.Lfunc_end0:
.L_simem_size_0:
called_computation.1_lowered:
.L_overlay_start_0:
0x88: {  	s2 =	sld [smem:$0x3FD9]  }
0x89: {  	s3 =	sld [smem:$0x3FFE];
	_ =	sdelay $0x1  }
0x8a: {  	s1 =	srdreg.scid  }
0x8b: {  	s0 =	sand.u32 $0x1, s1  }
0x8c: {  	s17 =	sshll.u32 s0, $0xA;
	s2 =	sadd.s32 s3, s2  }
0x8d: {  	s2 =	sadd.s32 s2, s17  }
0x8e: {  	[smem:$0x3FC6] =	sst s2  }
0x8f: {  	_ = 	snop  }
0x90: {  	s2 =	sld [smem:$0x3FD0];
	(tm) =	ssettm $0x1  }
0x91: {  	s18 =	sld [smem:$0x3FFB];
	_ =	sdelay $0x3  }
0x92: {  	_ =	strace s18  }
0x93: {  	s3 =	sld [smem:$0x3FFC];
	_ =	sdelay $0x3  }
0x94: {  	_ =	strace s3  }
0x95: {  	s3 =	sld [smem:$0x3FFD];
	_ =	sdelay $0x3  }
0x96: {  	_ =	strace s3  }
0x97: {  	_ =	strace $0x8FFFFFFF  }
0x98: {  	s19 =	sld [smem:$0x3FDB];
	_ =	sdelay $0x1  }
0x99: {  	s4 =	simm.s32 $_scs_section_size  }
0x9a: {  	s5 =	simm.s32 $_size__tile_overlayer_lowered;
	s6 =	simm.s32 $_tile_overlayer_lowered  }
0x9b: {  	s22 =	simm.s32 $0x1BFF;
	s21 =	sshll.u32 s6, $0x1;
	s3 =	sadd.s32 s4, s19  }
0x9c: {  	s7 =	simm.s32 $0x0;
	s20 =	sshll.u32 s5, $0x1;
	s5 =	sadd.s32 s21, s3  }
0x9d: {  	[timem:s7], [sflag:s22] =	dma.local [hbm:s5], s20  }
0x9e: {  	_ =	swait.ge [sflag:s22], s20  }
0x9f: {  	s4 =	ssub.s32 $0x0, s20;
	[sflag:s22] =	ssyncset.done $0x0  }
0xa0: {  	[sflag:s22] =	ssyncadd.s32 s4;
	_ =	sdelay $0x1  }
0xa1: {  	s23 =	simm.s32 $0x1B8B  }
0xa2: {  	_ =	swait.ge [sflag:s23], $0x1  }
0xa3: {  	[sflag:s23] =	ssyncset.done $0x0  }
0xa4: {  	s25 =	simm.s32 $0x1B8E;
	s24 =	sld [smem:$0x3FFE];
	[sflag:s23] =	ssyncadd.s32 $0xFFFFFFFF  }
0xa5: {  	s26 =	simm.s32 $execute0_lowered;
	[smem:$0x3FD2] =	sst s25  }
0xa6: {  	s5 =	sshll.u32 s26, $0x1;
	_ =	strace $0x80000046;
	[dreg:$0x1] =	wrdreg $0xFFFFFFFF  }
0xa7: {  	s28 =	simm.s32 $_size_execute0_lowered;
	s3 =	sadd.s32 s3, s5;
	[dreg:$0x0] =	wrdreg $0x0  }
0xa8: {  	s5 =	sshll.u32 s28, $0x1;
	[dreg:$0x2] =	wrdreg s3  }
0xa9: {  	[dreg:$0x3] =	wrdreg s5  }
0xaa: {  	[dreg:$0x4] =	wrdreg $0xC0  }
0xab: {  	_ =	task [dreg:s7], $0x5FFFF  }
0xac: {  	[dreg:$0x1] =	wrdreg $0xFFFFFFFF  }
0xad: {  	[dreg:$0x0] =	wrdreg $0x60  }
0xae: {  	[dreg:$0x2] =	wrdreg s24  }
0xaf: {  	[dreg:$0x3] =	wrdreg s2  }
0xb0: {  	[dreg:$0x4] =	wrdreg $0x9  }
0xb1: {  	_ =	task.clear_ibuf [dreg:s7], $0x5FFFF;
	_ =	strace $0x90000046  }
0xb2: {  	s29 =	simm.s32 $0x9;
	_ =	strace $0x80000048  }
0xb3: {  	_ =	swait.ge [sflag:s29], $0x1  }
0xb4: {  	[sflag:s29] =	ssyncadd.s32 $0xFFFFFFFF  }
0xb5: {  	_ =	strace $0x90000048  }
0xb6: {  	_ =	sfence  }
0xb7: {  	s30 =	sld [smem:$0x0];
	_ =	sdelay $0x2  }
0xb8: {  	s31 =	sshll.u32 s1, $0xD;
	s1 =	sshrl.u32 s1, $0x2  }
0xb9: {  	s3 =	sand.u32 $0x4000, s31;
	s1 =	sadd.s32 s1, s30  }
0xba: {  	s0 =	sor.u32 s3, s0;
	s1 =	sshll.u32 s1, $0x11  }
0xbb: {  	s0 =	sor.u32 s1, s0  }
0xbc: {  	s0 =	sadd.s32 $0x8F2B, s0  }
0xbd: {  	[sflag:s0] =	ssyncadd.remote.s32 $0x1  }
0xbe: {  	_ =	sfence.sel $0xFFFF  }
0xbf: {  	[dreg:$0x0] =	wrdreg $0xFFFFFFFF;
	(pc) =	sbr.abs _section_cstart, $3  }
0xc0: {  	[dreg:$0x1] =	wrdreg $0xFFFFFFFF  }
0xc1: {  	_ =	task.clear_ibuf [dreg:s7], $0x2FFFF;
	_ =	strace $0x9FFFFFFF  }
0xc2: {  	(tm) =	ssettm $0x7FFFFFFF  }
0xc3: {  	_ =	shalt  }
tec
execute0_lowered:
.L_overlay_start_1:
0x0: {  	(tag) =	ssettag $0x1  }
0x1: {  	s0 =	srdreg.scid  }
0x2: {  	s7 =	stileid.u32;
	s1 =	rddreg [dreg:$0x0];
	s3 =	simm.s32 $0x0  }
0x3: {  	s0 =	sand.u32 $0x1, s0;
	s2 =	sshll.u32 s7, $0x1;
	s31 =	smul.u32 $0x320000, s7  }
0x4: {  	s2 =	sor.u32 s0, s2;
	s6 =	ssub.s32 $0x2, s0;
	s0 =	smul.u32 $0x190000, s0  }
0x5: {  	[smem:$0x7FF] =	sst s3;
	s4 =	smul.u32 $0xC80, s2  }
0x6: {  	s28 =	rddreg [dreg:$0x1];
	_ =	strace $0x80000047;
	s2 =	smul.u32 $0x190000, s2  }
0x7: {  	s21 =	sshrl.u32 s6, $0x1;
	s0 =	sadd.s32 s0, s31;
	s5 =	sadd.s32 s4, s1  }
0x8: {  	s2 =	sshrl.u32 s2, $0x3;
	s4 =	sadd.s32 $0xF42E00, s1;
	s22 =	sadd.s32 $0xA00, s5  }
0x9: {  	s1 =	ssub.s32 s6, s21;
	s8 =	sadd.s32 s28, s2;
	[dreg:$0xb] =	wrdreg s22  }
0xa: {  	s16 =	sadd.s32 $0x16000, s0;
	s1 =	smax.u32 s1, $0x1;
	[dreg:$0xa] =	wrdreg s8  }
0xb: {  	s18 =	sadd.s32 $0x14000, s0;
	s17 =	sshrl.u32 s16, $0x3;
	[dreg:$0x1b] =	wrdreg s1  }
0xc: {  	s20 =	sadd.s32 $0x12000, s0;
	s19 =	sshrl.u32 s18, $0x3;
	[dreg:$0x3] =	wrdreg s17  }
0xd: {  	s21 =	sshrl.u32 s20, $0x3;
	[dreg:$0x4] =	wrdreg s19  }
0xe: {  	s23 =	sadd.s32 $0x400, s8;
	[dreg:$0x5] =	wrdreg s21  }
0xf: {  	s24 =	sadd.s32 $0x800, s8;
	[dreg:$0xc] =	wrdreg s23  }
0x10: {  	s25 =	sadd.s32 $0xC00, s8;
	[dreg:$0xd] =	wrdreg s24  }
0x11: {  	s26 =	sadd.s32 $0x1000, s8;
	[dreg:$0xe] =	wrdreg s25  }
0x12: {  	s29 =	sadd.s32 $0x1400, s8;
	[dreg:$0xf] =	wrdreg s26  }
0x13: {  	s30 =	sadd.s32 $0x1800, s8;
	[dreg:$0x10] =	wrdreg s29  }
0x14: {  	s6 =	sadd.s32 $0x1C00, s8;
	[dreg:$0x11] =	wrdreg s30  }
0x15: {  	s7 =	sadd.s32 $0x30000, s8;
	[dreg:$0x12] =	wrdreg s6  }
0x16: {  	s16 =	simm.s32 $0xB;
	s9 =	sadd.s32 $0x30400, s8;
	[dreg:$0x13] =	wrdreg s7  }
0x17: {  	s18 =	simm.s32 $0xC;
	s10 =	sadd.s32 $0x30800, s8;
	[dreg:$0x14] =	wrdreg s9  }
0x18: {  	s20 =	simm.s32 $0xE;
	s11 =	sadd.s32 $0x30C00, s8;
	[dreg:$0x15] =	wrdreg s10  }
0x19: {  	s12 =	sadd.s32 $0x31000, s8;
	s13 =	sadd.s32 $0x31400, s8;
	[dreg:$0x16] =	wrdreg s11  }
0x1a: {  	s14 =	sadd.s32 $0x31800, s8;
	s15 =	sadd.s32 $0x31C00, s8;
	[dreg:$0x17] =	wrdreg s12  }
0x1b: {  	s22 =	sadd.s32 $0x1E000, s0;
	s17 =	simm.s32 $0x8;
	[dreg:$0x18] =	wrdreg s13  }
0x1c: {  	s19 =	simm.s32 $0xD;
	s21 =	simm.s32 $0xF;
	[dreg:$0x19] =	wrdreg s14  }
0x1d: {  	[dreg:$0x1a] =	wrdreg s15;
	s23 =	sshrl.u32 s22, $0x3;
	s24 =	sadd.s32 $0x1C000, s0  }
0x1e: {  	s26 =	sadd.s32 $0x1A000, s0;
	s30 =	sadd.s32 $0x18000, s0;
	s0 =	sadd.s32 $0x10000, s0  }
0x1f: {  	s7 =	simm.s32 $0x3;
	s9 =	simm.s32 $0x4;
	s11 =	simm.s32 $0x5  }
0x20: {  	s12 =	simm.s32 $0x9;
	s13 =	simm.s32 $0x6;
	[dreg:$0x6] =	wrdreg s23  }
0x21: {  	s14 =	simm.s32 $0xA;
	s25 =	sshrl.u32 s24, $0x3;
	[dreg:$0x1c] =	wrdreg s0  }
0x22: {  	s15 =	simm.s32 $0x7;
	s29 =	sshrl.u32 s26, $0x3;
	[dreg:$0x7] =	wrdreg s25  }
0x23: {  	s22 =	simm.s32 $0x10;
	s31 =	sshrl.u32 s30, $0x3;
	[dreg:$0x8] =	wrdreg s29  }
0x24: {  	s0 =	simm.s32 $0x0;
	[dreg:$0x9] =	wrdreg s31;
	s25 =	simm.s32 $0x80  }
.LBB2_1:
0x25: {  	[dreg:$0x1d] =	wrdreg s0  }
0x26: {  	s2 =	rddreg [dreg:$0xb];
	s8 =	simm.s32 $0x11  }
0x27: {  	[tilespmem:s3], [sflag:$0x11] =	stream.linear.gather [hbm4b:s2+s3], $0x6400, $0x38;
	[tilespmem:$0x16400] =	vst v63  }
0x28: {  	_ =	swait.ge [sflag:s8], $0x6400  }
0x29: {  	[sflag:s8] =	ssyncset.done $0x0  }
0x2a: {  	s23 =	simm.s32 $0x6400;
	[sflag:s8] =	ssyncadd.s32 $0xFFFF9C00  }
0x2b: {  	[tilespmem:s23], [sflag:$0x1] =	stream.indirect.gather [hbm4b:s4+s25], $0x40, s3, s25, $0xb8;
	[tilespmem:$0x16400] =	vst v63  }
0x2c: {  	s1 =	simm.s32 $0x8400  }
0x2d: {  	[tilespmem:s1], [sflag:$0x2] =	stream.indirect.gather [hbm4b:s4+s25], $0x40, s25, s25, $0xb8;
	[tilespmem:$0x16400] =	vst v63  }
0x2e: {  	s10 =	simm.s32 $0x100;
	s24 =	simm.s32 $0xA400  }
0x2f: {  	[tilespmem:s24], [sflag:$0x3] =	stream.indirect.gather [hbm4b:s4+s25], $0x40, s10, s25, $0xb8;
	[tilespmem:$0x16400] =	vst v63  }
0x30: {  	s26 =	simm.s32 $0x180;
	s6 =	simm.s32 $0xC400;
	s0 =	simm.s32 $0x1  }
0x31: {  	[tilespmem:s6], [sflag:$0x4] =	stream.indirect.gather [hbm4b:s4+s25], $0x40, s26, s25, $0xb8;
	[tilespmem:$0x16400] =	vst v63  }
0x32: {  	_ =	swait.ge [sflag:s0], $0x2000  }
0x33: {  	[sflag:s0] =	ssyncset.done $0x0  }
0x34: {  	s29 =	rddreg [dreg:$0xa];
	[sflag:s0] =	ssyncadd.s32 $0xFFFFE000  }
0x35: {  	[hbm4b:s29+s3] =	stream.linear.scatter [tilespmem:s23], [sflag:$0x9], $0x2000, $0x38;
	[tilespmem:$0x16400] =	vst v63  }
0x36: {  	s30 =	simm.s32 $0x200;
	s26 =	simm.s32 $0xE400;
	s29 =	simm.s32 $0x2  }
0x37: {  	[tilespmem:s26], [sflag:$0x5] =	stream.indirect.gather [hbm4b:s4+s25], $0x40, s30, s25, $0xb8;
	[tilespmem:$0x16400] =	vst v63  }
0x38: {  	_ =	swait.ge [sflag:s29], $0x2000  }
0x39: {  	[sflag:s29] =	ssyncset.done $0x0  }
0x3a: {  	s31 =	rddreg [dreg:$0xc];
	[sflag:s29] =	ssyncadd.s32 $0xFFFFE000  }
0x3b: {  	[hbm4b:s31+s3] =	stream.linear.scatter [tilespmem:s1], [sflag:$0xA], $0x2000, $0x38;
	[tilespmem:$0x16400] =	vst v63  }
0x3c: {  	s5 =	simm.s32 $0x280;
	s8 =	simm.s32 $0x10400  }
0x3d: {  	[tilespmem:s8], [sflag:$0x6] =	stream.indirect.gather [hbm4b:s4+s25], $0x40, s5, s25, $0xb8;
	[tilespmem:$0x16400] =	vst v63  }
0x3e: {  	_ =	swait.ge [sflag:s7], $0x2000  }
0x3f: {  	[sflag:s7] =	ssyncset.done $0x0  }
0x40: {  	s10 =	rddreg [dreg:$0xd];
	[sflag:s7] =	ssyncadd.s32 $0xFFFFE000  }
0x41: {  	[hbm4b:s10+s3] =	stream.linear.scatter [tilespmem:s24], [sflag:$0xB], $0x2000, $0x38;
	[tilespmem:$0x16400] =	vst v63  }
0x42: {  	s30 =	simm.s32 $0x300;
	s10 =	simm.s32 $0x12400  }
0x43: {  	[tilespmem:s10], [sflag:$0x7] =	stream.indirect.gather [hbm4b:s4+s25], $0x40, s30, s25, $0xb8;
	[tilespmem:$0x16400] =	vst v63  }
0x44: {  	_ =	swait.ge [sflag:s9], $0x2000  }
0x45: {  	[sflag:s9] =	ssyncset.done $0x0  }
0x46: {  	s31 =	rddreg [dreg:$0xe];
	[sflag:s9] =	ssyncadd.s32 $0xFFFFE000  }
0x47: {  	[hbm4b:s31+s3] =	stream.linear.scatter [tilespmem:s6], [sflag:$0xC], $0x2000, $0x38;
	[tilespmem:$0x16400] =	vst v63  }
0x48: {  	s5 =	simm.s32 $0x380;
	s30 =	simm.s32 $0x14400  }
0x49: {  	[tilespmem:s30], [sflag:$0x8] =	stream.indirect.gather [hbm4b:s4+s25], $0x40, s5, s25, $0xb8;
	[tilespmem:$0x16400] =	vst v63  }
0x4a: {  	_ =	swait.ge [sflag:s11], $0x2000  }
0x4b: {  	[sflag:s11] =	ssyncset.done $0x0  }
0x4c: {  	s31 =	rddreg [dreg:$0xf];
	[sflag:s11] =	ssyncadd.s32 $0xFFFFE000  }
0x4d: {  	[hbm4b:s31+s3] =	stream.linear.scatter [tilespmem:s26], [sflag:$0xD], $0x2000, $0x38;
	[tilespmem:$0x16400] =	vst v63  }
0x4e: {  	_ =	swait.ge [sflag:s12], $0x2000  }
0x4f: {  	[sflag:s12] =	ssyncset.done $0x0  }
0x50: {  	s5 =	simm.s32 $0x400;
	[sflag:s12] =	ssyncadd.s32 $0xFFFFE000  }
0x51: {  	[tilespmem:s23], [sflag:$0x1] =	stream.indirect.gather [hbm4b:s4+s25], $0x40, s5, s25, $0xb8;
	[tilespmem:$0x16400] =	vst v63  }
0x52: {  	_ =	swait.ge [sflag:s13], $0x2000  }
0x53: {  	[sflag:s13] =	ssyncset.done $0x0  }
0x54: {  	s31 =	rddreg [dreg:$0x10];
	[sflag:s13] =	ssyncadd.s32 $0xFFFFE000  }
0x55: {  	[hbm4b:s31+s3] =	stream.linear.scatter [tilespmem:s8], [sflag:$0xE], $0x2000, $0x38;
	[tilespmem:$0x16400] =	vst v63  }
0x56: {  	_ =	swait.ge [sflag:s14], $0x2000  }
0x57: {  	[sflag:s14] =	ssyncset.done $0x0  }
0x58: {  	s5 =	simm.s32 $0x480;
	[sflag:s14] =	ssyncadd.s32 $0xFFFFE000  }
0x59: {  	[tilespmem:s1], [sflag:$0x2] =	stream.indirect.gather [hbm4b:s4+s25], $0x40, s5, s25, $0xb8;
	[tilespmem:$0x16400] =	vst v63  }
0x5a: {  	_ =	swait.ge [sflag:s15], $0x2000  }
0x5b: {  	[sflag:s15] =	ssyncset.done $0x0  }
0x5c: {  	s31 =	rddreg [dreg:$0x11];
	[sflag:s15] =	ssyncadd.s32 $0xFFFFE000  }
0x5d: {  	[hbm4b:s31+s3] =	stream.linear.scatter [tilespmem:s10], [sflag:$0xF], $0x2000, $0x38;
	[tilespmem:$0x16400] =	vst v63  }
0x5e: {  	_ =	swait.ge [sflag:s16], $0x2000  }
0x5f: {  	[sflag:s16] =	ssyncset.done $0x0  }
0x60: {  	s5 =	simm.s32 $0x500;
	[sflag:s16] =	ssyncadd.s32 $0xFFFFE000  }
0x61: {  	[tilespmem:s24], [sflag:$0x3] =	stream.indirect.gather [hbm4b:s4+s25], $0x40, s5, s25, $0xb8;
	[tilespmem:$0x16400] =	vst v63  }
0x62: {  	_ =	swait.ge [sflag:s17], $0x2000  }
0x63: {  	[sflag:s17] =	ssyncset.done $0x0  }
0x64: {  	s31 =	rddreg [dreg:$0x12];
	[sflag:s17] =	ssyncadd.s32 $0xFFFFE000  }
0x65: {  	[hbm4b:s31+s3] =	stream.linear.scatter [tilespmem:s30], [sflag:$0x10], $0x2000, $0x38;
	[tilespmem:$0x16400] =	vst v63  }
0x66: {  	_ =	swait.ge [sflag:s18], $0x2000  }
0x67: {  	[sflag:s18] =	ssyncset.done $0x0  }
0x68: {  	s5 =	simm.s32 $0x580;
	[sflag:s18] =	ssyncadd.s32 $0xFFFFE000  }
0x69: {  	[tilespmem:s6], [sflag:$0x4] =	stream.indirect.gather [hbm4b:s4+s25], $0x40, s5, s25, $0xb8;
	[tilespmem:$0x16400] =	vst v63  }
0x6a: {  	_ =	swait.ge [sflag:s0], $0x2000  }
0x6b: {  	s5 =	rddreg [dreg:$0x1c]  }
0x6c: {  	[sflag:s0] =	ssyncset.done $0x0;
	s31 =	sshrl.u32 s5, $0x3  }
0x6d: {  	[sflag:s0] =	ssyncadd.s32 $0xFFFFE000;
	s2 =	sadd.s32 s28, s31  }
0x6e: {  	[hbm4b:s2+s3] =	stream.linear.scatter [tilespmem:s23], [sflag:$0x9], $0x2000, $0x38;
	[tilespmem:$0x16400] =	vst v63  }
0x6f: {  	_ =	swait.ge [sflag:s19], $0x2000  }
0x70: {  	[sflag:s19] =	ssyncset.done $0x0  }
0x71: {  	s0 =	simm.s32 $0x600;
	[sflag:s19] =	ssyncadd.s32 $0xFFFFE000  }
0x72: {  	[tilespmem:s26], [sflag:$0x5] =	stream.indirect.gather [hbm4b:s4+s25], $0x40, s0, s25, $0xb8;
	[tilespmem:$0x16400] =	vst v63  }
0x73: {  	_ =	swait.ge [sflag:s29], $0x2000  }
0x74: {  	s31 =	rddreg [dreg:$0x5];
	[sflag:s29] =	ssyncset.done $0x0  }
0x75: {  	[sflag:s29] =	ssyncadd.s32 $0xFFFFE000;
	s2 =	sadd.s32 s28, s31  }
0x76: {  	[hbm4b:s2+s3] =	stream.linear.scatter [tilespmem:s1], [sflag:$0xA], $0x2000, $0x38;
	[tilespmem:$0x16400] =	vst v63  }
0x77: {  	_ =	swait.ge [sflag:s20], $0x2000  }
0x78: {  	[sflag:s20] =	ssyncset.done $0x0  }
0x79: {  	s0 =	simm.s32 $0x680;
	[sflag:s20] =	ssyncadd.s32 $0xFFFFE000  }
0x7a: {  	[tilespmem:s8], [sflag:$0x6] =	stream.indirect.gather [hbm4b:s4+s25], $0x40, s0, s25, $0xb8;
	[tilespmem:$0x16400] =	vst v63  }
0x7b: {  	_ =	swait.ge [sflag:s7], $0x2000  }
0x7c: {  	s29 =	rddreg [dreg:$0x4];
	[sflag:s7] =	ssyncset.done $0x0  }
0x7d: {  	[sflag:s7] =	ssyncadd.s32 $0xFFFFE000;
	s2 =	sadd.s32 s28, s29  }
0x7e: {  	[hbm4b:s2+s3] =	stream.linear.scatter [tilespmem:s24], [sflag:$0xB], $0x2000, $0x38;
	[tilespmem:$0x16400] =	vst v63  }
0x7f: {  	_ =	swait.ge [sflag:s21], $0x2000  }
0x80: {  	[sflag:s21] =	ssyncset.done $0x0  }
0x81: {  	s31 =	simm.s32 $0x700;
	[sflag:s21] =	ssyncadd.s32 $0xFFFFE000  }
0x82: {  	[tilespmem:s10], [sflag:$0x7] =	stream.indirect.gather [hbm4b:s4+s25], $0x40, s31, s25, $0xb8;
	[tilespmem:$0x16400] =	vst v63  }
0x83: {  	_ =	swait.ge [sflag:s9], $0x2000  }
0x84: {  	s0 =	rddreg [dreg:$0x3];
	[sflag:s9] =	ssyncset.done $0x0  }
0x85: {  	[sflag:s9] =	ssyncadd.s32 $0xFFFFE000;
	s2 =	sadd.s32 s28, s0  }
0x86: {  	[hbm4b:s2+s3] =	stream.linear.scatter [tilespmem:s6], [sflag:$0xC], $0x2000, $0x38;
	[tilespmem:$0x16400] =	vst v63  }
0x87: {  	_ =	swait.ge [sflag:s22], $0x2000  }
0x88: {  	[sflag:s22] =	ssyncset.done $0x0  }
0x89: {  	s29 =	simm.s32 $0x780;
	[sflag:s22] =	ssyncadd.s32 $0xFFFFE000  }
0x8a: {  	[tilespmem:s30], [sflag:$0x8] =	stream.indirect.gather [hbm4b:s4+s25], $0x40, s29, s25, $0xb8;
	[tilespmem:$0x16400] =	vst v63  }
0x8b: {  	_ =	swait.ge [sflag:s11], $0x2000  }
0x8c: {  	s31 =	rddreg [dreg:$0x9];
	[sflag:s11] =	ssyncset.done $0x0  }
0x8d: {  	[sflag:s11] =	ssyncadd.s32 $0xFFFFE000;
	s2 =	sadd.s32 s28, s31  }
0x8e: {  	[hbm4b:s2+s3] =	stream.linear.scatter [tilespmem:s26], [sflag:$0xD], $0x2000, $0x38;
	[tilespmem:$0x16400] =	vst v63  }
0x8f: {  	_ =	swait.ge [sflag:s12], $0x2000  }
0x90: {  	[sflag:s12] =	ssyncset.done $0x0  }
0x91: {  	s0 =	simm.s32 $0x800;
	[sflag:s12] =	ssyncadd.s32 $0xFFFFE000  }
0x92: {  	[tilespmem:s23], [sflag:$0x1] =	stream.indirect.gather [hbm4b:s4+s25], $0x40, s0, s25, $0xb8;
	[tilespmem:$0x16400] =	vst v63  }
0x93: {  	_ =	swait.ge [sflag:s13], $0x2000  }
0x94: {  	s6 =	rddreg [dreg:$0x8];
	[sflag:s13] =	ssyncset.done $0x0  }
0x95: {  	[sflag:s13] =	ssyncadd.s32 $0xFFFFE000;
	s2 =	sadd.s32 s28, s6  }
0x96: {  	[hbm4b:s2+s3] =	stream.linear.scatter [tilespmem:s8], [sflag:$0xE], $0x2000, $0x38;
	[tilespmem:$0x16400] =	vst v63  }
0x97: {  	_ =	swait.ge [sflag:s14], $0x2000  }
0x98: {  	[sflag:s14] =	ssyncset.done $0x0  }
0x99: {  	s23 =	simm.s32 $0x880;
	[sflag:s14] =	ssyncadd.s32 $0xFFFFE000  }
0x9a: {  	[tilespmem:s1], [sflag:$0x2] =	stream.indirect.gather [hbm4b:s4+s25], $0x40, s23, s25, $0xb8;
	[tilespmem:$0x16400] =	vst v63  }
0x9b: {  	_ =	swait.ge [sflag:s15], $0x2000  }
0x9c: {  	s26 =	rddreg [dreg:$0x7];
	[sflag:s15] =	ssyncset.done $0x0  }
0x9d: {  	[sflag:s15] =	ssyncadd.s32 $0xFFFFE000;
	s2 =	sadd.s32 s28, s26  }
0x9e: {  	[hbm4b:s2+s3] =	stream.linear.scatter [tilespmem:s10], [sflag:$0xF], $0x2000, $0x38;
	[tilespmem:$0x16400] =	vst v63  }
0x9f: {  	_ =	swait.ge [sflag:s16], $0x2000  }
0xa0: {  	[sflag:s16] =	ssyncset.done $0x0  }
0xa1: {  	s29 =	simm.s32 $0x900;
	[sflag:s16] =	ssyncadd.s32 $0xFFFFE000  }
0xa2: {  	[tilespmem:s24], [sflag:$0x3] =	stream.indirect.gather [hbm4b:s4+s25], $0x40, s29, s25, $0xb8;
	[tilespmem:$0x16400] =	vst v63  }
0xa3: {  	_ =	swait.ge [sflag:s17], $0x2000  }
0xa4: {  	s31 =	rddreg [dreg:$0x6];
	[sflag:s17] =	ssyncset.done $0x0  }
0xa5: {  	[sflag:s17] =	ssyncadd.s32 $0xFFFFE000;
	s2 =	sadd.s32 s28, s31  }
0xa6: {  	[hbm4b:s2+s3] =	stream.linear.scatter [tilespmem:s30], [sflag:$0x10], $0x2000, $0x38;
	[tilespmem:$0x16400] =	vst v63  }
0xa7: {  	_ =	swait.ge [sflag:s18], $0x2000  }
0xa8: {  	s23 =	sadd.s32 $0x10000, s5;
	s5 =	sadd.s32 $0x2000, s28;
	[sflag:s18] =	ssyncset.done $0x0  }
0xa9: {  	s24 =	simm.s32 $0x1000;
	s2 =	simm.s32 $0x980;
	[sflag:s18] =	ssyncadd.s32 $0xFFFFE000  }
.LBB2_2:
0xaa: {  	s1 =	simm.s32 $0xC400;
	s0 =	simm.s32 $0x1  }
0xab: {  	[tilespmem:s1], [sflag:$0x4] =	stream.indirect.gather [hbm4b:s4+s25], $0x40, s2, s25, $0xb8;
	[tilespmem:$0x16400] =	vst v63  }
0xac: {  	_ =	swait.ge [sflag:s0], $0x2000  }
0xad: {  	s26 =	sshrl.u32 s23, $0x3;
	[sflag:s0] =	ssyncset.done $0x0  }
0xae: {  	s30 =	simm.s32 $0x6400;
	s26 =	sadd.s32 s28, s26;
	[sflag:s0] =	ssyncadd.s32 $0xFFFFE000  }
0xaf: {  	[hbm4b:s26+s3] =	stream.linear.scatter [tilespmem:s30], [sflag:$0x9], $0x2000, $0x38;
	[tilespmem:$0x16400] =	vst v63  }
0xb0: {  	s8 =	smov.u32 s24;
	_ =	swait.ge [sflag:s19], $0x2000  }
0xb1: {  	s2 =	sshra.s32 s8, $0x2;
	s8 =	simm.s32 $0xE400;
	[sflag:s19] =	ssyncset.done $0x0  }
0xb2: {  	s10 =	sadd.s32 $0x600, s2;
	s26 =	simm.s32 $0x2;
	[sflag:s19] =	ssyncadd.s32 $0xFFFFE000  }
0xb3: {  	[tilespmem:s8], [sflag:$0x5] =	stream.indirect.gather [hbm4b:s4+s25], $0x40, s10, s25, $0xb8;
	[tilespmem:$0x16400] =	vst v63  }
0xb4: {  	_ =	swait.ge [sflag:s26], $0x2000  }
0xb5: {  	s29 =	rddreg [dreg:$0x5];
	[sflag:s26] =	ssyncset.done $0x0  }
0xb6: {  	s31 =	simm.s32 $0x8400;
	[sflag:s26] =	ssyncadd.s32 $0xFFFFE000;
	s26 =	sadd.s32 s5, s29  }
0xb7: {  	[hbm4b:s26+s3] =	stream.linear.scatter [tilespmem:s31], [sflag:$0xA], $0x2000, $0x38;
	[tilespmem:$0x16400] =	vst v63  }
0xb8: {  	_ =	swait.ge [sflag:s20], $0x2000  }
0xb9: {  	[sflag:s20] =	ssyncset.done $0x0  }
0xba: {  	s0 =	sadd.s32 $0x680, s2;
	s10 =	simm.s32 $0x10400;
	[sflag:s20] =	ssyncadd.s32 $0xFFFFE000  }
0xbb: {  	[tilespmem:s10], [sflag:$0x6] =	stream.indirect.gather [hbm4b:s4+s25], $0x40, s0, s25, $0xb8;
	[tilespmem:$0x16400] =	vst v63  }
0xbc: {  	_ =	swait.ge [sflag:s7], $0x2000  }
0xbd: {  	s6 =	rddreg [dreg:$0x4];
	[sflag:s7] =	ssyncset.done $0x0  }
0xbe: {  	[sflag:s7] =	ssyncadd.s32 $0xFFFFE000;
	s26 =	sadd.s32 s5, s6;
	s6 =	simm.s32 $0xA400  }
0xbf: {  	[hbm4b:s26+s3] =	stream.linear.scatter [tilespmem:s6], [sflag:$0xB], $0x2000, $0x38;
	[tilespmem:$0x16400] =	vst v63  }
0xc0: {  	_ =	swait.ge [sflag:s21], $0x2000  }
0xc1: {  	[sflag:s21] =	ssyncset.done $0x0  }
0xc2: {  	s29 =	sadd.s32 $0x700, s2;
	s0 =	simm.s32 $0x12400;
	[sflag:s21] =	ssyncadd.s32 $0xFFFFE000  }
0xc3: {  	[tilespmem:s0], [sflag:$0x7] =	stream.indirect.gather [hbm4b:s4+s25], $0x40, s29, s25, $0xb8;
	[tilespmem:$0x16400] =	vst v63  }
0xc4: {  	_ =	swait.ge [sflag:s9], $0x2000  }
0xc5: {  	s29 =	rddreg [dreg:$0x3];
	[sflag:s9] =	ssyncset.done $0x0  }
0xc6: {  	[sflag:s9] =	ssyncadd.s32 $0xFFFFE000;
	s26 =	sadd.s32 s5, s29  }
0xc7: {  	[hbm4b:s26+s3] =	stream.linear.scatter [tilespmem:s1], [sflag:$0xC], $0x2000, $0x38;
	[tilespmem:$0x16400] =	vst v63  }
0xc8: {  	_ =	swait.ge [sflag:s22], $0x2000  }
0xc9: {  	[sflag:s22] =	ssyncset.done $0x0  }
0xca: {  	s29 =	simm.s32 $0x14400;
	s1 =	sadd.s32 $0x780, s2;
	[sflag:s22] =	ssyncadd.s32 $0xFFFFE000  }
0xcb: {  	[tilespmem:s29], [sflag:$0x8] =	stream.indirect.gather [hbm4b:s4+s25], $0x40, s1, s25, $0xb8;
	[tilespmem:$0x16400] =	vst v63  }
0xcc: {  	_ =	swait.ge [sflag:s11], $0x2000  }
0xcd: {  	s1 =	rddreg [dreg:$0x9];
	[sflag:s11] =	ssyncset.done $0x0  }
0xce: {  	[sflag:s11] =	ssyncadd.s32 $0xFFFFE000;
	s26 =	sadd.s32 s5, s1  }
0xcf: {  	[hbm4b:s26+s3] =	stream.linear.scatter [tilespmem:s8], [sflag:$0xD], $0x2000, $0x38;
	[tilespmem:$0x16400] =	vst v63  }
0xd0: {  	_ =	swait.ge [sflag:s12], $0x2000  }
0xd1: {  	[sflag:s12] =	ssyncset.done $0x0  }
0xd2: {  	s8 =	sadd.s32 $0x800, s2;
	[sflag:s12] =	ssyncadd.s32 $0xFFFFE000  }
0xd3: {  	[tilespmem:s30], [sflag:$0x1] =	stream.indirect.gather [hbm4b:s4+s25], $0x40, s8, s25, $0xb8;
	[tilespmem:$0x16400] =	vst v63  }
0xd4: {  	_ =	swait.ge [sflag:s13], $0x2000  }
0xd5: {  	s8 =	rddreg [dreg:$0x8];
	[sflag:s13] =	ssyncset.done $0x0  }
0xd6: {  	[sflag:s13] =	ssyncadd.s32 $0xFFFFE000;
	s26 =	sadd.s32 s5, s8  }
0xd7: {  	[hbm4b:s26+s3] =	stream.linear.scatter [tilespmem:s10], [sflag:$0xE], $0x2000, $0x38;
	[tilespmem:$0x16400] =	vst v63  }
0xd8: {  	_ =	swait.ge [sflag:s14], $0x2000  }
0xd9: {  	[sflag:s14] =	ssyncset.done $0x0  }
0xda: {  	s8 =	sadd.s32 $0x880, s2;
	[sflag:s14] =	ssyncadd.s32 $0xFFFFE000  }
0xdb: {  	[tilespmem:s31], [sflag:$0x2] =	stream.indirect.gather [hbm4b:s4+s25], $0x40, s8, s25, $0xb8;
	[tilespmem:$0x16400] =	vst v63  }
0xdc: {  	_ =	swait.ge [sflag:s15], $0x2000  }
0xdd: {  	s10 =	rddreg [dreg:$0x7];
	[sflag:s15] =	ssyncset.done $0x0  }
0xde: {  	[sflag:s15] =	ssyncadd.s32 $0xFFFFE000;
	s26 =	sadd.s32 s5, s10  }
0xdf: {  	[hbm4b:s26+s3] =	stream.linear.scatter [tilespmem:s0], [sflag:$0xF], $0x2000, $0x38;
	[tilespmem:$0x16400] =	vst v63  }
0xe0: {  	_ =	swait.ge [sflag:s16], $0x2000  }
0xe1: {  	[sflag:s16] =	ssyncset.done $0x0  }
0xe2: {  	s8 =	sadd.s32 $0x900, s2;
	[sflag:s16] =	ssyncadd.s32 $0xFFFFE000  }
0xe3: {  	[tilespmem:s6], [sflag:$0x3] =	stream.indirect.gather [hbm4b:s4+s25], $0x40, s8, s25, $0xb8;
	[tilespmem:$0x16400] =	vst v63  }
0xe4: {  	p0 =	sne.s32 s24, $0x16000;
	_ =	swait.ge [sflag:s17], $0x2000  }
0xe5: {  	s24 =	sadd.s32 $0x1000, s24;
	s10 =	rddreg [dreg:$0x6];
	[sflag:s17] =	ssyncset.done $0x0  }
.Ltmp0:
0xe6: {  	[sflag:s17] =	ssyncadd.s32 $0xFFFFE000;
	s26 =	sadd.s32 s5, s10;
	(pc) =	sbr.rel @p0 .LBB2_2-.Ltmp0, $4  }
0xe7: {  	[hbm4b:s26+s3] =	stream.linear.scatter [tilespmem:s29], [sflag:$0x10], $0x2000, $0x38;
	[tilespmem:$0x16400] =	vst v63  }
0xe8: {  	s23 =	sadd.s32 $0x10000, s23;
	s1 =	simm.s32 $0x6400;
	_ =	swait.ge [sflag:s18], $0x2000  }
0xe9: {  	s30 =	simm.s32 $0x8400;
	s31 =	simm.s32 $0xA400;
	[sflag:s18] =	ssyncset.done $0x0  }
0xea: {  	s2 =	sadd.s32 $0x980, s2;
	s5 =	sadd.s32 $0x2000, s5;
	[sflag:s18] =	ssyncadd.s32 $0xFFFFE000  }
0xeb: {  	s5 =	simm.s32 $0xC400;
	s0 =	simm.s32 $0x1  }
0xec: {  	[tilespmem:s5], [sflag:$0x4] =	stream.indirect.gather [hbm4b:s4+s25], $0x40, s2, s25, $0xb8;
	[tilespmem:$0x16400] =	vst v63  }
0xed: {  	_ =	swait.ge [sflag:s0], $0x2000  }
0xee: {  	[sflag:s0] =	ssyncset.done $0x0  }
0xef: {  	s6 =	rddreg [dreg:$0x13];
	[sflag:s0] =	ssyncadd.s32 $0xFFFFE000  }
0xf0: {  	[hbm4b:s6+s3] =	stream.linear.scatter [tilespmem:s1], [sflag:$0x9], $0x2000, $0x38;
	[tilespmem:$0x16400] =	vst v63  }
0xf1: {  	_ =	swait.ge [sflag:s19], $0x2000  }
0xf2: {  	s8 =	simm.s32 $0x6200;
	[sflag:s19] =	ssyncset.done $0x0  }
0xf3: {  	s10 =	simm.s32 $0x2;
	s1 =	simm.s32 $0xE400;
	[sflag:s19] =	ssyncadd.s32 $0xFFFFE000  }
0xf4: {  	[tilespmem:s1], [sflag:$0x5] =	stream.indirect.gather [hbm4b:s4+s25], $0x40, s8, s25, $0xb8;
	[tilespmem:$0x16400] =	vst v63  }
0xf5: {  	_ =	swait.ge [sflag:s10], $0x2000  }
0xf6: {  	[sflag:s10] =	ssyncset.done $0x0  }
0xf7: {  	s23 =	rddreg [dreg:$0x14];
	[sflag:s10] =	ssyncadd.s32 $0xFFFFE000  }
0xf8: {  	[hbm4b:s23+s3] =	stream.linear.scatter [tilespmem:s30], [sflag:$0xA], $0x2000, $0x38;
	[tilespmem:$0x16400] =	vst v63  }
0xf9: {  	_ =	swait.ge [sflag:s20], $0x2000  }
0xfa: {  	[sflag:s20] =	ssyncset.done $0x0  }
0xfb: {  	s24 =	simm.s32 $0x6280;
	s6 =	simm.s32 $0x10400;
	[sflag:s20] =	ssyncadd.s32 $0xFFFFE000  }
0xfc: {  	[tilespmem:s6], [sflag:$0x6] =	stream.indirect.gather [hbm4b:s4+s25], $0x40, s24, s25, $0xb8;
	[tilespmem:$0x16400] =	vst v63  }
0xfd: {  	_ =	swait.ge [sflag:s7], $0x2000  }
0xfe: {  	[sflag:s7] =	ssyncset.done $0x0  }
0xff: {  	s26 =	rddreg [dreg:$0x15];
	[sflag:s7] =	ssyncadd.s32 $0xFFFFE000  }
0x100: {  	[hbm4b:s26+s3] =	stream.linear.scatter [tilespmem:s31], [sflag:$0xB], $0x2000, $0x38;
	[tilespmem:$0x16400] =	vst v63  }
0x101: {  	_ =	swait.ge [sflag:s21], $0x2000  }
0x102: {  	[sflag:s21] =	ssyncset.done $0x0  }
0x103: {  	s29 =	simm.s32 $0x12400;
	s30 =	simm.s32 $0x6300;
	[sflag:s21] =	ssyncadd.s32 $0xFFFFE000  }
0x104: {  	[tilespmem:s29], [sflag:$0x7] =	stream.indirect.gather [hbm4b:s4+s25], $0x40, s30, s25, $0xb8;
	[tilespmem:$0x16400] =	vst v63  }
0x105: {  	_ =	swait.ge [sflag:s9], $0x2000  }
0x106: {  	[sflag:s9] =	ssyncset.done $0x0  }
0x107: {  	s31 =	rddreg [dreg:$0x16];
	[sflag:s9] =	ssyncadd.s32 $0xFFFFE000  }
0x108: {  	[hbm4b:s31+s3] =	stream.linear.scatter [tilespmem:s5], [sflag:$0xC], $0x2000, $0x38;
	[tilespmem:$0x16400] =	vst v63  }
0x109: {  	_ =	swait.ge [sflag:s22], $0x2000  }
0x10a: {  	[sflag:s22] =	ssyncset.done $0x0  }
0x10b: {  	s8 =	simm.s32 $0x14400;
	s10 =	simm.s32 $0x6380;
	[sflag:s22] =	ssyncadd.s32 $0xFFFFE000  }
0x10c: {  	[tilespmem:s8], [sflag:$0x8] =	stream.indirect.gather [hbm4b:s4+s25], $0x40, s10, s25, $0xb8;
	[tilespmem:$0x16400] =	vst v63  }
0x10d: {  	_ =	swait.ge [sflag:s11], $0x2000  }
0x10e: {  	[sflag:s11] =	ssyncset.done $0x0  }
0x10f: {  	s23 =	rddreg [dreg:$0x17];
	[sflag:s11] =	ssyncadd.s32 $0xFFFFE000  }
0x110: {  	[hbm4b:s23+s3] =	stream.linear.scatter [tilespmem:s1], [sflag:$0xD], $0x2000, $0x38;
	[tilespmem:$0x16400] =	vst v63  }
0x111: {  	_ =	swait.ge [sflag:s13], $0x2000  }
0x112: {  	[sflag:s13] =	ssyncset.done $0x0  }
0x113: {  	s24 =	rddreg [dreg:$0x18];
	[sflag:s13] =	ssyncadd.s32 $0xFFFFE000  }
0x114: {  	[hbm4b:s24+s3] =	stream.linear.scatter [tilespmem:s6], [sflag:$0xE], $0x2000, $0x38;
	[tilespmem:$0x16400] =	vst v63  }
0x115: {  	_ =	swait.ge [sflag:s15], $0x2000  }
0x116: {  	[sflag:s15] =	ssyncset.done $0x0  }
0x117: {  	s26 =	rddreg [dreg:$0x19];
	[sflag:s15] =	ssyncadd.s32 $0xFFFFE000  }
0x118: {  	[hbm4b:s26+s3] =	stream.linear.scatter [tilespmem:s29], [sflag:$0xF], $0x2000, $0x38;
	[tilespmem:$0x16400] =	vst v63  }
0x119: {  	_ =	swait.ge [sflag:s17], $0x2000  }
0x11a: {  	[sflag:s17] =	ssyncset.done $0x0  }
0x11b: {  	s29 =	rddreg [dreg:$0x1a];
	[sflag:s17] =	ssyncadd.s32 $0xFFFFE000  }
0x11c: {  	[hbm4b:s29+s3] =	stream.linear.scatter [tilespmem:s8], [sflag:$0x10], $0x2000, $0x38;
	[tilespmem:$0x16400] =	vst v63  }
0x11d: {  	_ =	swait.ge [sflag:s12], $0x2000  }
0x11e: {  	[sflag:s12] =	ssyncset.done $0x0  }
0x11f: {  	[sflag:s12] =	ssyncadd.s32 $0xFFFFE000  }
0x120: {  	_ =	swait.ge [sflag:s14], $0x2000  }
0x121: {  	[sflag:s14] =	ssyncset.done $0x0  }
0x122: {  	[sflag:s14] =	ssyncadd.s32 $0xFFFFE000  }
0x123: {  	_ =	swait.ge [sflag:s16], $0x2000  }
0x124: {  	[sflag:s16] =	ssyncset.done $0x0  }
0x125: {  	[sflag:s16] =	ssyncadd.s32 $0xFFFFE000  }
0x126: {  	_ =	swait.ge [sflag:s18], $0x2000  }
0x127: {  	[sflag:s18] =	ssyncset.done $0x0  }
0x128: {  	[sflag:s18] =	ssyncadd.s32 $0xFFFFE000  }
0x129: {  	_ =	swait.ge [sflag:s19], $0x2000  }
0x12a: {  	[sflag:s19] =	ssyncset.done $0x0  }
0x12b: {  	[sflag:s19] =	ssyncadd.s32 $0xFFFFE000  }
0x12c: {  	_ =	swait.ge [sflag:s20], $0x2000  }
0x12d: {  	[sflag:s20] =	ssyncset.done $0x0  }
0x12e: {  	[sflag:s20] =	ssyncadd.s32 $0xFFFFE000  }
0x12f: {  	_ =	swait.ge [sflag:s21], $0x2000  }
0x130: {  	[sflag:s21] =	ssyncset.done $0x0  }
0x131: {  	[sflag:s21] =	ssyncadd.s32 $0xFFFFE000  }
0x132: {  	_ =	swait.ge [sflag:s22], $0x2000  }
0x133: {  	s30 =	rddreg [dreg:$0x1d]  }
0x134: {  	s31 =	rddreg [dreg:$0x1b];
	s0 =	sadd.s32 $0x1, s30  }
0x135: {  	p0 =	sne.s32 s0, s31  }
.Ltmp1:
0x136: {  	_ = 	snop;
	(pc) =	sbr.rel @p0 .LBB2_1-.Ltmp1, $3  }
0x137: {  	_ =	sdelay $0x1  }
0x138: {  	[sflag:s22] =	ssyncset.done $0x0  }
0x139: {  	[sflag:s22] =	ssyncadd.s32 $0xFFFFE000  }
0x13a: {  	_ =	sfence.sel $0x180000  }
0x13b: {  	[bflag:$0x0] =	sbarrier.arrive $0xFFFF  }
0x13c: {  	_ =	strace $0x90000047  }
0x13d: {  	s0 =	stileid.u32;
	[bflag:$0x2] =	sbarrier.arrive $0xFFFF  }
0x13e: {  	p0 =	sne.s32 s0, $0x0;
	s0 =	rddreg [dreg:$0x2]  }
0x13f: {  	s0 =	sadd.s32 @!p0 $0x100000, s0  }
0x140: {  	[sflag:s0] =	ssyncadd.tile.s32 @!p0 $0x1;
	_ =	shalt  }
.Lfunc_end2:
_tile_overlayer_lowered:
.L_overlay_start_2:
0x141: {  	(tag) =	ssettag $0x2  }
0x142: {  	s0 =	rddreg [dreg:$0x0];
	s2 =	stileid.u32  }
0x143: {  	s1 =	rddreg [dreg:$0x1];
	p0 =	sne.s32 s2, $0x0  }
0x144: {  	s3 =	rddreg [dreg:$0x2];
	[bflag:$0x3] =	sbarrier.arrive $0xFFFF;
	s2 =	simm.s32 @!p0 $0x1C11  }
0x145: {  	[timem:s3], [sflag:s2] =	dma.local @!p0 [hbm:s0], s1  }
0x146: {  	s0 =	simm.s32 @!p0 $0x11  }
0x147: {  	_ =	swait.ge @!p0 [sflag:s0], s1  }
0x148: {  	s1 =	ssub.s32 @!p0 $0x0, s1;
	[sflag:s0] =	ssyncset.done @!p0 $0x0  }
0x149: {  	[sflag:s0] =	ssyncadd.s32 @!p0 s1  }
0x14a: {  	[bflag:$0x3] =	sbarrier.arrive $0xFFFF  }
0x14b: {  	_ =	shalt  }

// kernel: sparse-core-data-format-call.cloned.1.call-start
scs
called_computation_lowered:
.L_overlay_start_0:
0x0: {  	s2 =	sld [smem:$0x3FD9]  }
0x1: {  	s3 =	sld [smem:$0x3FFE];
	_ =	sdelay $0x1  }
0x2: {  	s1 =	srdreg.scid  }
0x3: {  	s0 =	sand.u32 $0x1, s1  }
0x4: {  	s18 =	sshll.u32 s0, $0xA;
	s2 =	sadd.s32 s3, s2  }
0x5: {  	s2 =	sadd.s32 s2, s18  }
0x6: {  	[smem:$0x3FC6] =	sst s2  }
0x7: {  	_ = 	snop  }
0x8: {  	s2 =	sld [smem:$0x3FD0];
	(tm) =	ssettm $0x1  }
0x9: {  	s19 =	sld [smem:$0x3FFB];
	_ =	sdelay $0x3  }
0xa: {  	_ =	strace s19  }
0xb: {  	s3 =	sld [smem:$0x3FFC];
	_ =	sdelay $0x3  }
0xc: {  	_ =	strace s3  }
0xd: {  	s3 =	sld [smem:$0x3FFD];
	_ =	sdelay $0x3  }
0xe: {  	_ =	strace s3  }
0xf: {  	_ =	strace $0x8FFFFFFF  }
0x10: {  	s20 =	sld [smem:$0x3FDB];
	_ =	sdelay $0x1  }
0x11: {  	s4 =	simm.s32 $_scs_section_size  }
0x12: {  	s5 =	simm.s32 $_size__tile_overlayer_lowered;
	s6 =	simm.s32 $_tile_overlayer_lowered  }
0x13: {  	s23 =	simm.s32 $0x1BFF;
	s22 =	sshll.u32 s6, $0x1;
	s3 =	sadd.s32 s4, s20  }
0x14: {  	s7 =	simm.s32 $0x0;
	s21 =	sshll.u32 s5, $0x1;
	s5 =	sadd.s32 s22, s3  }
0x15: {  	[timem:s7], [sflag:s23] =	dma.local [hbm:s5], s21  }
0x16: {  	_ =	swait.ge [sflag:s23], s21  }
0x17: {  	s4 =	ssub.s32 $0x0, s21;
	[sflag:s23] =	ssyncset.done $0x0  }
0x18: {  	[sflag:s23] =	ssyncadd.s32 s4;
	_ =	sdelay $0x1  }
0x19: {  	s24 =	simm.s32 $0x1B8B  }
0x1a: {  	_ =	swait.ge [sflag:s24], $0x1  }
0x1b: {  	[sflag:s24] =	ssyncset.done $0x0  }
0x1c: {  	s26 =	simm.s32 $0x1B8E;
	s25 =	sld [smem:$0x3FFE];
	[sflag:s24] =	ssyncadd.s32 $0xFFFFFFFF  }
0x1d: {  	s27 =	simm.s32 $execute0_lowered;
	[smem:$0x3FD2] =	sst s26  }
0x1e: {  	s5 =	sshll.u32 s27, $0x1;
	_ =	strace $0x80000049;
	[dreg:$0x1] =	wrdreg $0xFFFFFFFF  }
0x1f: {  	s28 =	simm.s32 $_size_execute0_lowered;
	s3 =	sadd.s32 s3, s5;
	[dreg:$0x0] =	wrdreg $0x0  }
0x20: {  	s5 =	sshll.u32 s28, $0x1;
	[dreg:$0x2] =	wrdreg s3  }
0x21: {  	[dreg:$0x3] =	wrdreg s5  }
0x22: {  	[dreg:$0x4] =	wrdreg $0xC0  }
0x23: {  	_ =	task [dreg:s7], $0x5FFFF  }
0x24: {  	[dreg:$0x1] =	wrdreg $0xFFFFFFFF  }
0x25: {  	[dreg:$0x0] =	wrdreg $0x60  }
0x26: {  	[dreg:$0x2] =	wrdreg s25  }
0x27: {  	[dreg:$0x3] =	wrdreg s2  }
0x28: {  	[dreg:$0x4] =	wrdreg $0x9  }
0x29: {  	_ =	task.clear_ibuf [dreg:s7], $0x5FFFF;
	_ =	strace $0x90000049  }
0x2a: {  	s29 =	simm.s32 $0x9;
	_ =	strace $0x8000004B  }
0x2b: {  	_ =	swait.ge [sflag:s29], $0x1  }
0x2c: {  	[sflag:s29] =	ssyncadd.s32 $0xFFFFFFFF  }
0x2d: {  	_ =	strace $0x9000004B  }
0x2e: {  	_ =	sfence  }
0x2f: {  	s30 =	sld [smem:$0x0];
	_ =	sdelay $0x2  }
0x30: {  	s31 =	sshll.u32 s1, $0xD;
	s1 =	sshrl.u32 s1, $0x2  }
0x31: {  	s3 =	sand.u32 $0x4000, s31;
	s1 =	sadd.s32 s1, s30  }
0x32: {  	s0 =	sor.u32 s3, s0;
	s1 =	sshll.u32 s1, $0x11  }
0x33: {  	s0 =	sor.u32 s1, s0  }
0x34: {  	s0 =	sadd.s32 $0x8F2B, s0  }
0x35: {  	[sflag:s0] =	ssyncadd.remote.s32 $0x1  }
0x36: {  	_ =	sfence.sel $0xFFFF  }
0x37: {  	[dreg:$0x0] =	wrdreg $0xFFFFFFFF;
	(pc) =	sbr.abs _section_cstart, $3  }
0x38: {  	[dreg:$0x1] =	wrdreg $0xFFFFFFFF  }
0x39: {  	_ =	task.clear_ibuf [dreg:s7], $0x2FFFF;
	_ =	strace $0x9FFFFFFF  }
0x3a: {  	(tm) =	ssettm $0x7FFFFFFF  }
0x3b: {  	_ =	shalt  }
tec
execute0_lowered:
.L_overlay_start_1:
0x0: {  	(tag) =	ssettag $0x1  }
0x1: {  	s0 =	srdreg.scid  }
0x2: {  	s1 =	sshll.u32 s0, $0x4  }
0x3: {  	s0 =	stileid.u32;
	s1 =	sand.u32 $0x10, s1  }
0x4: {  	s1 =	sor.u32 s0, s1  }
0x5: {  	s6 =	rddreg [dreg:$0x0];
	s4 =	simm.s32 $0x1;
	s2 =	sshll.u32 s1, $0x7  }
0x6: {  	s7 =	simm.s32 $0x2;
	s12 =	simm.s32 $0x0;
	s1 =	ssub.s32 $0x4000, s2  }
0x7: {  	s8 =	simm.s32 $0x20000;
	s13 =	simm.s32 $0x0;
	s3 =	sand.u32 $0xF80, s1  }
0x8: {  	s9 =	simm.s32 $0x0;
	s5 =	sshrl.u32 s1, $0xC;
	p0 =	sne.s32 s3, $0x0  }
.Ltmp0:
0x9: {  	s1 =	rddreg [dreg:$0x2];
	s4 =	simm.s32 @!p0 $0x0;
	(pc) =	sbr.rel .LBB1_1-.Ltmp0, $4  }
0xa: {  	s11 =	simm.s32 $0x0;
	s3 =	rddreg [dreg:$0x1];
	s5 =	sadd.s32 s4, s5  }
0xb: {  	_ =	strace $0x8000004A;
	s4 =	simm.s32 $0x1;
	s5 =	smul.u32 $0x32, s5  }
0xc: {  	s6 =	sadd.s32 $0xA00, s6;
	s10 =	smov.u32 s2;
	[sflag:s4] =	ssyncpa.u1 $0x0  }
0xd: {  	p0 =	por $0x0, $0x0;
	[sflag:s7] =	ssyncpa.u1 $0x0;
	s7 =	sor.u32 $0x1, s5  }
.LBB1_4:
0xe: {  	s16 =	sshll.u32 s13, $0x3;
	s17 =	sand.u32 $0x78, s13  }
0xf: {  	s30 =	sand.u32 $0x1F800, s13;
	s12 =	sshll.u32 s12, $0x11;
	s16 =	sand.u32 $0x3C00, s16  }
0x10: {  	[tilespmem:s15+$0x810 ss:$0x81] =	vst.msk $0xffff, v2;
	s31 =	sand.u32 $0x7, s13;
	s16 =	sor.u32 s17, s16;
	s17 =	sadd.s32 s3, s30  }
0x11: {  	[tilespmem:s15+$0x1020 ss:$0x81] =	vst.msk $0xffff, v0;
	s13 =	sshll.u32 s31, $0x12;
	s12 =	sadd.s32 s12, s17;
	s16 =	sshrl.u32 s16, $0x3  }
0x12: {  	[tilespmem:s15+$0x0 ss:$0x81] =	vst.msk $0xffff, v1;
	s13 =	sor.u32 $0x400, s13;
	s12 =	sadd.s32 s16, s12  }
0x13: {  	[hbm4b:s12+s13] =	stream.strided.scatter [tilespmem:s14], [sflag:$0x2], $0x2000, s8, s13, $0x20;
	[tilespmem:$0x8080] =	vst v63  }
.LBB1_5:
0x14: {  	s14 =	sadd.s32 $0x1, s9  }
0x15: {  	s12 =	sadd.s32 $0x1000, s10;
	s16 =	smov.u32 s10;
	p2 =	sgt.s32 s14, $0x31  }
0x16: {  	s16 =	smov.u32 @p2 s12  }
0x17: {  	s14 =	simm.s32 @p2 $0x0;
	p2 =	sgt.s32 s16, $0x3FFF  }
0x18: {  	s16 =	smov.u32 @p2 s2;
	p2 =	sne.s32 s11, s7  }
.Ltmp1:
0x19: {  	p1 =	slt.u32 s11, $0x2;
	(pc) =	sbr.rel @!p2 .LBB1_6-.Ltmp1, $4  }
0x1a: {  	s15 =	simm.s32 @!p1 $0x2  }
0x1b: {  	s13 =	smov.u32 s10;
	p0 =	por !p0, !p0;
	_ =	swait.ge @!p1 [sflag:s15], $0x2000  }
0x1c: {  	s12 =	smov.u32 s9;
	[sflag:s15] =	ssyncset.done @!p1 $0x0;
	s9 =	smov.u32 s14  }
0x1d: {  	s11 =	sadd.s32 $0x1, s11;
	[sflag:s15] =	ssyncadd.s32 @!p1 $0xFFFFE000;
	s10 =	smov.u32 s16  }
.LBB1_1:
0x1e: {  	p1 =	sge.u32 s11, s5  }
0x1f: {  	s14 =	sand.u32 @!p1 $0x1FFFFFF, s9  }
0x20: {  	s15 =	smulhi.u32 @!p1 $0x4924925, s14;
	_ =	sdelay $0x1  }
0x21: {  	s15 =	smul.u32 @!p1 $0x38, s15  }
0x22: {  	s16 =	sxor.u32 @!p1 $0xFFFFFFFF, s11;
	s17 =	smul.u32 @!p1 $0x380, s10  }
0x23: {  	s31 =	sadd.s32 $0xFFFFFFFF, s11;
	s16 =	sshll.u32 @!p1 s16, $0xD;
	s14 =	ssub.s32 @!p1 s14, s15  }
0x24: {  	s15 =	sand.u32 @!p1 $0x2000, s16;
	s16 =	sadd.s32 @!p1 s6, s17;
	s14 =	sshll.u32 @!p1 s14, $0x4  }
0x25: {  	s17 =	simm.s32 @!p1 $0x1C00;
	s14 =	sadd.s32 @!p1 s14, s16;
	s16 =	simm.s32 @!p1 $0x40  }
0x26: {  	[tilespmem:s15], [sflag:$0x1] =	stream.strided.gather @!p1 [hbm4b:s14+s16], $0x2000, s17, s16, $0x38;
	[tilespmem:$0x8080] =	vst v63  }
0x27: {  	p1 =	sge.u32 s31, s5  }
.Ltmp2:
0x28: {  	_ = 	snop;
	(pc) =	sbr.rel @p1 .LBB1_5-.Ltmp2, $1  }
0x29: {  	_ =	sdelay $0x3  }
0x2a: {  	s14 =	simm.s32 $0x1  }
0x2b: {  	_ =	swait.ge [sflag:s4], $0x2000;
	s14 =	simm.s32 @!p0 $0x0  }
0x2c: {  	[sflag:s4] =	ssyncset.done $0x0;
	s15 =	sshll.u32 s14, $0xD  }
0x2d: {  	[sflag:s4] =	ssyncadd.s32 $0xFFFFE000;
	s18 =	sor.u32 $0x20, s15  }
0x2e: {  	s14 =	smul.u32 $0x8100, s14;
	v3 =	vld [tilespmem:s18+$0x10]  }
0x2f: {  	s30 =	sand.u32 $0x1, s11;
	v2 =	vld [tilespmem:s18+$0xFFFFFFF0]  }
0x30: {  	s15 =	smul.u32 $0x8100, s30;
	s14 =	sshrl.u32 s14, $0x2;
	v0 =	vld [tilespmem:s18+$0x0]  }
0x31: {  	v1 =	vld [tilespmem:s18+$0xFFFFFFE0];
	s16 =	sor.u32 $0x4000, s14  }
0x32: {  	s31 =	sshrl.u32 s15, $0x2;
	s15 =	sadd.s32 $0x0, s16  }
0x33: {  	s17 =	simm.s32 $0x4;
	s18 =	sadd.s32 $0x40, s18;
	s14 =	sor.u32 $0x4000, s31;
	[tilespmem:s15+$0x1830 ss:$0x81] =	vst.msk $0xffff, v3  }
.LBB1_3:
0x34: {  	v3 =	vld [tilespmem:s18+$0x10];
	p1 =	sne.s32 s17, $0x1FC;
	[tilespmem:s15+$0x810 ss:$0x81] =	vst.msk $0xffff, v2;
	s19 =	smov.u32 s17;
	s17 =	sadd.s32 $0x4, s17  }
.Ltmp3:
0x35: {  	v2 =	vld [tilespmem:s18+$0xFFFFFFF0];
	[tilespmem:s15+$0x1020 ss:$0x81] =	vst.msk $0xffff, v0;
	(pc) =	sbr.rel @p1 .LBB1_3-.Ltmp3, $4  }
0x36: {  	v0 =	vld [tilespmem:s18+$0x0];
	[tilespmem:s15+$0x0 ss:$0x81] =	vst.msk $0xffff, v1  }
0x37: {  	s15 =	sshra.s32 s19, $0x2;
	v1 =	vld [tilespmem:s18+$0xFFFFFFE0]  }
0x38: {  	s15 =	sadd.s32 s15, s16  }
0x39: {  	s18 =	sadd.s32 $0x40, s18;
	[tilespmem:s15+$0x1830 ss:$0x81] =	vst.msk $0xffff, v3  }
.Ltmp4:
0x3a: {  	_ = 	snop;
	(pc) =	sbr.rel .LBB1_4-.Ltmp4, $1  }
0x3b: {  	_ =	sdelay $0x3  }
.LBB1_6:
0x3c: {  	_ =	sfence.sel $0x180000  }
0x3d: {  	s2 =	simm.s32 $0x1;
	[bflag:$0x0] =	sbarrier.arrive $0xFFFF  }
0x3e: {  	s31 =	simm.s32 $0x2;
	[sflag:s2] =	ssyncpa.u1 $0x1  }
0x3f: {  	[sflag:s31] =	ssyncpa.u1 $0x1  }
0x40: {  	p0 =	sne.s32 s0, $0x0;
	_ =	strace $0x9000004A  }
0x41: {  	s0 =	sadd.s32 @!p0 $0x100000, s1;
	[bflag:$0x2] =	sbarrier.arrive $0xFFFF  }
0x42: {  	[sflag:s0] =	ssyncadd.tile.s32 @!p0 $0x1;
	_ =	shalt  }
.Lfunc_end1:
_tile_overlayer_lowered:
.L_overlay_start_2:
0x43: {  	(tag) =	ssettag $0x2  }
0x44: {  	s0 =	rddreg [dreg:$0x0];
	s2 =	stileid.u32  }
0x45: {  	s1 =	rddreg [dreg:$0x1];
	p0 =	sne.s32 s2, $0x0  }
0x46: {  	s3 =	rddreg [dreg:$0x2];
	[bflag:$0x3] =	sbarrier.arrive $0xFFFF;
	s2 =	simm.s32 @!p0 $0x1C01  }
0x47: {  	[timem:s3], [sflag:s2] =	dma.local @!p0 [hbm:s0], s1  }
0x48: {  	s0 =	simm.s32 @!p0 $0x1  }
0x49: {  	_ =	swait.ge @!p0 [sflag:s0], s1  }
0x4a: {  	s1 =	ssub.s32 @!p0 $0x0, s1;
	[sflag:s0] =	ssyncset.done @!p0 $0x0  }
0x4b: {  	[sflag:s0] =	ssyncadd.s32 @!p0 s1  }
0x4c: {  	[bflag:$0x3] =	sbarrier.arrive $0xFFFF  }
0x4d: {  	_ =	shalt  }

</sc_bundles>
